<compile_context>
chip_gen: v7x
topology: tpu7x:2x2x1
jax: 0.10.2.dev20260603
libtpu: 0.0.44.dev20260713+nightly
codegen_flags: <defaults>
</compile_context>

<pallas_src>
import functools

import jax
import jax.numpy as jnp
from jax import lax
from jax.experimental import pallas as pl
from jax.experimental.pallas import tpu as pltpu
from jax.experimental.pallas import tpu_sc as plsc

B = 64
N = 32768
L = 16
NC, NS = 2, 16
QCOLS = N // 4
NCH = 4
CCOLS = QCOLS // NCH
ITERS = CCOLS // L
BIG_IDX = 1 << 30

_mesh = plsc.VectorSubcoreMesh(core_axis_name="c", subcore_axis_name="s")


@functools.partial(
    pl.kernel,
    out_type=(jax.ShapeDtypeStruct((4 * 128,), jnp.float32),
              jax.ShapeDtypeStruct((2 * 128,), jnp.float32),
              jax.ShapeDtypeStruct((2 * 128,), jnp.float32),
              jax.ShapeDtypeStruct((2 * 16 * 32,), jnp.float32)),
    mesh=_mesh,
    scratch_types=[
        pltpu.VMEM((8, CCOLS), jnp.float32),
        pltpu.VMEM((8, CCOLS), jnp.float32),
        pltpu.VMEM((16,), jnp.float32),
        pltpu.VMEM((16,), jnp.float32),
        pltpu.VMEM((128,), jnp.float32),
        pltpu.VMEM((16, 8, 128), jnp.float32),
        pltpu.VMEM((8, 2, 128), jnp.float32),
        pltpu.VMEM((16,), jnp.float32),
        pltpu.SemaphoreType.DMA,
        pltpu.SemaphoreType.DMA,
        pltpu.SemaphoreType.DMA,
    ],
    compiler_params=pltpu.CompilerParams(needs_layout_passes=False),
)
def _select_kernel(ep_hbm, line_hbm, perp_hbm,
                   oe_hbm, ol_hbm, op_hbm, xpk_hbm,
                   c0, c1, valbuf, idxbuf, qpk,
                   tbuf, lpbuf, obuf,
                   sem0, sem1, sem_f):
    cid = lax.axis_index("c")
    sid = lax.axis_index("s")
    band = cid * 4 + (sid >> 2)
    k = sid & 3
    rb = pl.multiple_of(band * 8, 8)
    col0 = pl.multiple_of(k * QCOLS, 128)

    iota = lax.iota(jnp.int32, L)

    def block_scan(buf, cand_base, accs):
        pos0 = cand_base + iota

        def body(i, accs):
            pos = pos0 + i * L
            out = []
            for s_r in range(8):
                mx, ai = accs[s_r]
                cv = buf[s_r, pl.ds(i * L, L)]
                m = cv > mx
                out.append((jnp.where(m, cv, mx), jnp.where(m, pos, ai)))
            return tuple(out)

        return lax.fori_loop(0, ITERS, body, tuple(accs), unroll=1)

    bufs = (c0, c1)
    sems = (sem0, sem1)
    hs = [None, None]
    for ci in range(2):
        hs[ci] = pltpu.async_copy(
            ep_hbm.at[0, pl.ds(rb, 8), pl.ds(col0 + ci * CCOLS, CCOLS)],
            bufs[ci], sems[ci])

    neg_inf = jnp.full((L,), -jnp.inf, jnp.float32)
    zeros_i = jnp.zeros((L,), jnp.int32)
    accs = [(neg_inf, zeros_i)] * 8

    for ci in range(NCH):
        par = ci & 1
        hs[par].wait()
        accs = block_scan(bufs[par], col0 + ci * CCOLS, accs)
        if ci + 2 < NCH:
            hs[par] = pltpu.async_copy(
                ep_hbm.at[0, pl.ds(rb, 8),
                          pl.ds(col0 + (ci + 2) * CCOLS, CCOLS)],
                bufs[par], sems[par])

    valv = jnp.zeros((L,), jnp.float32)
    idxv = jnp.zeros((L,), jnp.int32)
    for s_r in range(8):
        mx, ai = accs[s_r]
        row_max = jnp.max(mx)
        g = jnp.min(jnp.where(mx == row_max, ai, jnp.int32(BIG_IDX)))
        valv = jnp.where(iota == s_r, row_max, valv)
        idxv = jnp.where(iota == s_r, g, idxv)
    valbuf[...] = valv
    idxbuf[...] = plsc.bitcast(idxv, jnp.float32)

    slot = cid * 16 + sid
    pltpu.sync_copy(valbuf,
                    xpk_hbm.at[pl.ds(pl.multiple_of(slot * 32, 8), 16)])
    pltpu.sync_copy(idxbuf,
                    xpk_hbm.at[pl.ds(pl.multiple_of(slot * 32 + 16, 8), 16)])
    plsc.subcore_barrier()
    bslot = cid * 16 + (sid & ~3)
    pltpu.sync_copy(xpk_hbm.at[pl.ds(pl.multiple_of(bslot * 32, 8), 128)],
                    qpk)

    mv = qpk[pl.ds(0, L)]
    mi = plsc.bitcast(qpk[pl.ds(16, L)], jnp.int32)
    for q in range(1, 4):
        v = qpk[pl.ds(q * 32, L)]
        i_ = plsc.bitcast(qpk[pl.ds(q * 32 + 16, L)], jnp.int32)
        m = v > mv
        mv = jnp.where(m, v, mv)
        mi = jnp.where(m, i_, mi)

    mi = jnp.clip(mi, 0, N - 1)
    glv = mi & 127
    gbases = []
    for l in range(8):
        g_l = jnp.max(jnp.where(iota == l, mi, jnp.int32(0)))
        gbases.append(pl.multiple_of((g_l >> 7) << 7, 128))

    @pl.when(k < 2)
    def _():
        cbase = 1 + k * 2
        hs = []
        for dc in range(2):
            for l in range(8):
                hs.append(pltpu.async_copy(
                    ep_hbm.at[cbase + dc, pl.ds(rb, 8), pl.ds(gbases[l], 128)],
                    tbuf.at[dc * 8 + l], sem_f))
        for h in hs:
            h.wait()
        for dc in range(2):
            vals = plsc.load_gather(
                tbuf, [jnp.int32(dc * 8) + (iota & 7), iota & 7, glv])
            obuf[...] = vals
            comp = cbase + dc - 1
            pltpu.sync_copy(
                obuf.at[pl.ds(0, 8)],
                oe_hbm.at[pl.ds(pl.multiple_of(comp * 128 + rb, 8), 8)])

    for kk, (src_hbm, dst_hbm) in ((2, (line_hbm, ol_hbm)),
                                   (3, (perp_hbm, op_hbm))):
        @pl.when(k == kk)
        def _(src_hbm=src_hbm, dst_hbm=dst_hbm):
            hs = []
            for l in range(8):
                hs.append(pltpu.async_copy(
                    src_hbm.at[rb + l, pl.ds(0, 2), pl.ds(gbases[l], 128)],
                    lpbuf.at[l], sem_f))
            for h in hs:
                h.wait()
            for j in range(2):
                vals = plsc.load_gather(
                    lpbuf, [iota & 7, jnp.full((L,), j, jnp.int32), glv])
                obuf[...] = vals
                pltpu.sync_copy(
                    obuf.at[pl.ds(0, 8)],
                    dst_hbm.at[pl.ds(pl.multiple_of(j * 128 + rb, 8), 8)])


def kernel(endpoints_pred, line_vec, perp_vec):
    ep_t = jnp.transpose(endpoints_pred, (2, 0, 1))
    line_t = jnp.transpose(line_vec, (0, 2, 1))
    perp_t = jnp.transpose(perp_vec, (0, 2, 1))
    oe, ol, op = _select_kernel(ep_t, line_t, perp_t)[:3]
    selected_endpoints = jnp.transpose(oe.reshape(2, 2, 128), (2, 0, 1))[:B]
    selected_line_vec = jnp.transpose(ol.reshape(2, 128), (1, 0))[:B]
    selected_perp_vec = jnp.transpose(op.reshape(2, 128), (1, 0))[:B]
    return (selected_endpoints, selected_line_vec, selected_perp_vec)

# --- scband reference (transcript-rebuilt; emitter-appended) ---
"""Pipeline reference for scband-endpoints-selection-47236050321686 (READ-ONLY COPY).

The authoritative reference and input builder live on the scoring server;
editing this copy changes nothing except your own understanding.
"""

import jax, jax.numpy as jnp
import numpy as np


def setup_inputs(seed: int = 0) -> dict:
    key = jax.random.key(seed)
    k1, k2, k3 = jax.random.split(key, 3)
    B, N = 64, 32768
    return {
        "endpoints_pred": jax.random.normal(k1, (B, N, 5), dtype=jnp.float32),
        "line_vec": jax.random.normal(k2, (B, N, 2), dtype=jnp.float32),
        "perp_vec": jax.random.normal(k3, (B, N, 2), dtype=jnp.float32),
    }


def reference(endpoints_pred, line_vec, perp_vec):
    # split into confidence [B, N, 1] and endpoints [B, N, 4]
    conf = endpoints_pred[..., :1]
    endpoints = endpoints_pred[..., 1:]
    # top-1 over candidate axis on squeezed confidence [B, N]
    _, idxs = jax.lax.top_k(jnp.squeeze(conf, axis=-1), 1)  # idxs: [B, 1]
    # batched gather (batch_dims=1 equivalent) via take_along_axis
    selected_endpoints = jnp.take_along_axis(endpoints, idxs[..., None], axis=1)  # [B, 1, 4]
    selected_endpoints = jnp.reshape(selected_endpoints, (-1, 2, 2))  # [B, 2, 2]
    selected_line_vec = jnp.squeeze(jnp.take_along_axis(line_vec, idxs[..., None], axis=1), axis=1)  # [B, 2]
    selected_perp_vec = jnp.squeeze(jnp.take_along_axis(perp_vec, idxs[..., None], axis=1), axis=1)  # [B, 2]
    return (selected_endpoints, selected_line_vec, selected_perp_vec)

if __name__ == "__main__":
    import jax
    _d = setup_inputs()
    print(jax.jit(kernel)(*tuple(_d.values())))

</pallas_src>

<mosaic_0001>
#map = affine_map<(d0, d1) -> (0, 0, 0)>
#map1 = affine_map<(d0, d1) -> (0)>
module attributes {stable_mosaic.version = 14 : i64} {
  func.func @_select_kernel(%arg0: i32, %arg1: i32, %arg2: memref<5x64x32768xf32, #tpu.memory_space<hbm>>, %arg3: memref<64x2x32768xf32, #tpu.memory_space<hbm>>, %arg4: memref<64x2x32768xf32, #tpu.memory_space<hbm>>, %arg5: memref<512xf32, #tpu.memory_space<hbm>>, %arg6: memref<256xf32, #tpu.memory_space<hbm>>, %arg7: memref<256xf32, #tpu.memory_space<hbm>>, %arg8: memref<1024xf32, #tpu.memory_space<hbm>>, %arg9: memref<8x2048xf32, #tpu.memory_space<vmem>>, %arg10: memref<8x2048xf32, #tpu.memory_space<vmem>>, %arg11: memref<16xf32, #tpu.memory_space<vmem>>, %arg12: memref<16xf32, #tpu.memory_space<vmem>>, %arg13: memref<128xf32, #tpu.memory_space<vmem>>, %arg14: memref<16x8x128xf32, #tpu.memory_space<vmem>>, %arg15: memref<8x2x128xf32, #tpu.memory_space<vmem>>, %arg16: memref<16xf32, #tpu.memory_space<vmem>>, %arg17: memref<!tpu.dma_semaphore, #tpu.memory_space<semaphore_mem>>, %arg18: memref<!tpu.dma_semaphore, #tpu.memory_space<semaphore_mem>>, %arg19: memref<!tpu.dma_semaphore, #tpu.memory_space<semaphore_mem>>) attributes {dimension_semantics = [#tpu.dimension_semantics<core_parallel>, #tpu.dimension_semantics<subcore_parallel>], iteration_bounds = array<i64: 2, 16>, scalar_prefetch = 0 : i64, scratch_operands = 11 : i64, tpu.core_type = #tpu.core_type<sc_vector_subcore>, window_params = [{transform_indices = #map}, {transform_indices = #map}, {transform_indices = #map}, {transform_indices = #map1}, {transform_indices = #map1}, {transform_indices = #map1}, {transform_indices = #map1}]} {
    %mul3A = arith.constant 4 : i32
    %mul3A_0 = arith.muli %arg0, %mul3A : i32
    %shift_right_arithmetic3A = arith.constant 2 : i32
    %shift_right_arithmetic3A_1 = arith.shrsi %arg1, %shift_right_arithmetic3A : i32
    %add3A = arith.addi %mul3A_0, %shift_right_arithmetic3A_1 : i32
    %and3A = arith.constant 3 : i32
    %and3A_2 = arith.andi %arg1, %and3A : i32
    %mul3A_3 = arith.constant 8 : i32
    %mul3A_4 = arith.muli %add3A, %mul3A_3 : i32
    %multiple_of3A = tpu.assume_multiple %mul3A_4, 8 : i32
    %mul3A_5 = arith.constant 8192 : i32
    %mul3A_6 = arith.muli %and3A_2, %mul3A_5 : i32
    %multiple_of3A_7 = tpu.assume_multiple %mul3A_6, 128 : i32
    %iota3A = tpu.iota {dimensions = array<i32: 0>} : vector<16xi32>
    %add3A_8 = arith.constant 0 : i32
    %add3A_9 = arith.addi %multiple_of3A_7, %add3A_8 : i32
    %dma_start3A = arith.constant 0 : i32
    %dma_start3A_10 = tpu.memref_slice %arg2[%dma_start3A, %multiple_of3A, %add3A_9] : memref<5x64x32768xf32, #tpu.memory_space<hbm>> -> memref<1x8x2048xf32, #tpu.memory_space<hbm>>
    %dma_start3A_11 = tpu.memref_squeeze %dma_start3A_10 : memref<1x8x2048xf32, #tpu.memory_space<hbm>> -> memref<8x2048xf32, #tpu.memory_space<hbm>>
    %dma_start3A_12 = tpu.memref_slice %arg2[%dma_start3A, %multiple_of3A, %add3A_9] : memref<5x64x32768xf32, #tpu.memory_space<hbm>> -> memref<1x8x2048xf32, #tpu.memory_space<hbm>>
    %dma_start3A_13 = tpu.memref_squeeze %dma_start3A_12 : memref<1x8x2048xf32, #tpu.memory_space<hbm>> -> memref<8x2048xf32, #tpu.memory_space<hbm>>
    tpu.enqueue_dma source(%dma_start3A_13 : memref<8x2048xf32, #tpu.memory_space<hbm>>) target(%arg9 : memref<8x2048xf32, #tpu.memory_space<vmem>>) target_semaphore(%arg17 : memref<!tpu.dma_semaphore, #tpu.memory_space<semaphore_mem>>)
    %add3A_14 = arith.constant 2048 : i32
    %add3A_15 = arith.addi %multiple_of3A_7, %add3A_14 : i32
    %dma_start3A_16 = arith.constant 0 : i32
    %dma_start3A_17 = tpu.memref_slice %arg2[%dma_start3A_16, %multiple_of3A, %add3A_15] : memref<5x64x32768xf32, #tpu.memory_space<hbm>> -> memref<1x8x2048xf32, #tpu.memory_space<hbm>>
    %dma_start3A_18 = tpu.memref_squeeze %dma_start3A_17 : memref<1x8x2048xf32, #tpu.memory_space<hbm>> -> memref<8x2048xf32, #tpu.memory_space<hbm>>
    %dma_start3A_19 = tpu.memref_slice %arg2[%dma_start3A_16, %multiple_of3A, %add3A_15] : memref<5x64x32768xf32, #tpu.memory_space<hbm>> -> memref<1x8x2048xf32, #tpu.memory_space<hbm>>
    %dma_start3A_20 = tpu.memref_squeeze %dma_start3A_19 : memref<1x8x2048xf32, #tpu.memory_space<hbm>> -> memref<8x2048xf32, #tpu.memory_space<hbm>>
    tpu.enqueue_dma source(%dma_start3A_20 : memref<8x2048xf32, #tpu.memory_space<hbm>>) target(%arg10 : memref<8x2048xf32, #tpu.memory_space<vmem>>) target_semaphore(%arg18 : memref<!tpu.dma_semaphore, #tpu.memory_space<semaphore_mem>>)
    %broadcast_in_dim3A = arith.constant 0xFF800000 : f32
    %broadcast_in_dim3A_21 = vector.broadcast %broadcast_in_dim3A : f32 to vector<16xf32>
    %broadcast_in_dim3A_22 = arith.constant 0 : i32
    %broadcast_in_dim3A_23 = vector.broadcast %broadcast_in_dim3A_22 : i32 to vector<16xi32>
    %dma_wait3A = arith.constant 0 : i32
    %dma_wait3A_24 = tpu.memref_slice %arg2[%dma_wait3A, %multiple_of3A, %add3A_9] : memref<5x64x32768xf32, #tpu.memory_space<hbm>> -> memref<1x8x2048xf32, #tpu.memory_space<hbm>>
    %dma_wait3A_25 = tpu.memref_squeeze %dma_wait3A_24 : memref<1x8x2048xf32, #tpu.memory_space<hbm>> -> memref<8x2048xf32, #tpu.memory_space<hbm>>
    %dma_wait3A_26 = tpu.memref_slice %arg2[%dma_wait3A, %multiple_of3A, %add3A_9] : memref<5x64x32768xf32, #tpu.memory_space<hbm>> -> memref<1x8x2048xf32, #tpu.memory_space<hbm>>
    %dma_wait3A_27 = tpu.memref_squeeze %dma_wait3A_26 : memref<1x8x2048xf32, #tpu.memory_space<hbm>> -> memref<8x2048xf32, #tpu.memory_space<hbm>>
    tpu.wait_dma2 semaphore(%arg17 : memref<!tpu.dma_semaphore, #tpu.memory_space<semaphore_mem>>) src(%dma_wait3A_27 : memref<8x2048xf32, #tpu.memory_space<hbm>>) dst(%arg9 : memref<8x2048xf32, #tpu.memory_space<vmem>>)
    %add3A_28 = arith.constant 0 : i32
    %add3A_29 = arith.addi %multiple_of3A_7, %add3A_28 : i32
    %add3A_30 = vector.broadcast %add3A_29 : i32 to vector<16xi32>
    %add3A_31 = arith.addi %add3A_30, %iota3A : vector<16xi32>
    %scan3A = arith.constant 0 : i32
    %scan3A_32 = arith.constant 128 : i32
    %scan3A_33 = arith.addi %scan3A, %scan3A_32 : i32
    %scan3A_34 = arith.constant 1 : i32
    %scan3A_35:16 = scf.for %scan3A_530 = %scan3A to %scan3A_33 step %scan3A_34 iter_args(%scan3A_531 = %broadcast_in_dim3A_21, %scan3A_532 = %broadcast_in_dim3A_23, %scan3A_533 = %broadcast_in_dim3A_21, %scan3A_534 = %broadcast_in_dim3A_23, %scan3A_535 = %broadcast_in_dim3A_21, %scan3A_536 = %broadcast_in_dim3A_23, %scan3A_537 = %broadcast_in_dim3A_21, %scan3A_538 = %broadcast_in_dim3A_23, %scan3A_539 = %broadcast_in_dim3A_21, %scan3A_540 = %broadcast_in_dim3A_23, %scan3A_541 = %broadcast_in_dim3A_21, %scan3A_542 = %broadcast_in_dim3A_23, %scan3A_543 = %broadcast_in_dim3A_21, %scan3A_544 = %broadcast_in_dim3A_23, %scan3A_545 = %broadcast_in_dim3A_21, %scan3A_546 = %broadcast_in_dim3A_23) -> (vector<16xf32>, vector<16xi32>, vector<16xf32>, vector<16xi32>, vector<16xf32>, vector<16xi32>, vector<16xf32>, vector<16xi32>, vector<16xf32>, vector<16xi32>, vector<16xf32>, vector<16xi32>, vector<16xf32>, vector<16xi32>, vector<16xf32>, vector<16xi32>)  : i32 {
      %mul3A_547 = arith.constant 16 : i32
      %mul3A_548 = arith.muli %scan3A_530, %mul3A_547 : i32
      %add3A_549 = vector.broadcast %mul3A_548 : i32 to vector<16xi32>
      %add3A_550 = arith.addi %add3A_31, %add3A_549 : vector<16xi32>
      %mul3A_551 = arith.constant 16 : i32
      %mul3A_552 = arith.muli %scan3A_530, %mul3A_551 : i32
      %get3A_553 = arith.constant 0 : i32
      %get3A_554 = arith.index_cast %get3A_553 : i32 to index
      %get3A_555 = arith.index_cast %mul3A_552 : i32 to index
      %get3A_556 = tpu.vector_load %arg9[%get3A_554, %get3A_555] {strides = array<i32>} : memref<8x2048xf32, #tpu.memory_space<vmem>>, vector<16xf32>,
      %gt3A_557 = arith.cmpf ogt, %get3A_556, %scan3A_531 : vector<16xf32>
      %select_n3A_558 = arith.select %gt3A_557, %get3A_556, %scan3A_531 : vector<16xi1>, vector<16xf32>
      %select_n3A_559 = arith.select %gt3A_557, %add3A_550, %scan3A_532 : vector<16xi1>, vector<16xi32>
      %mul3A_560 = arith.constant 16 : i32
      %mul3A_561 = arith.muli %scan3A_530, %mul3A_560 : i32
      %get3A_562 = arith.constant 1 : i32
      %get3A_563 = arith.index_cast %get3A_562 : i32 to index
      %get3A_564 = arith.index_cast %mul3A_561 : i32 to index
      %get3A_565 = tpu.vector_load %arg9[%get3A_563, %get3A_564] {strides = array<i32>} : memref<8x2048xf32, #tpu.memory_space<vmem>>, vector<16xf32>,
      %gt3A_566 = arith.cmpf ogt, %get3A_565, %scan3A_533 : vector<16xf32>
      %select_n3A_567 = arith.select %gt3A_566, %get3A_565, %scan3A_533 : vector<16xi1>, vector<16xf32>
      %select_n3A_568 = arith.select %gt3A_566, %add3A_550, %scan3A_534 : vector<16xi1>, vector<16xi32>
      %mul3A_569 = arith.constant 16 : i32
      %mul3A_570 = arith.muli %scan3A_530, %mul3A_569 : i32
      %get3A_571 = arith.constant 2 : i32
      %get3A_572 = arith.index_cast %get3A_571 : i32 to index
      %get3A_573 = arith.index_cast %mul3A_570 : i32 to index
      %get3A_574 = tpu.vector_load %arg9[%get3A_572, %get3A_573] {strides = array<i32>} : memref<8x2048xf32, #tpu.memory_space<vmem>>, vector<16xf32>,
      %gt3A_575 = arith.cmpf ogt, %get3A_574, %scan3A_535 : vector<16xf32>
      %select_n3A_576 = arith.select %gt3A_575, %get3A_574, %scan3A_535 : vector<16xi1>, vector<16xf32>
      %select_n3A_577 = arith.select %gt3A_575, %add3A_550, %scan3A_536 : vector<16xi1>, vector<16xi32>
      %mul3A_578 = arith.constant 16 : i32
      %mul3A_579 = arith.muli %scan3A_530, %mul3A_578 : i32
      %get3A_580 = arith.constant 3 : i32
      %get3A_581 = arith.index_cast %get3A_580 : i32 to index
      %get3A_582 = arith.index_cast %mul3A_579 : i32 to index
      %get3A_583 = tpu.vector_load %arg9[%get3A_581, %get3A_582] {strides = array<i32>} : memref<8x2048xf32, #tpu.memory_space<vmem>>, vector<16xf32>,
      %gt3A_584 = arith.cmpf ogt, %get3A_583, %scan3A_537 : vector<16xf32>
      %select_n3A_585 = arith.select %gt3A_584, %get3A_583, %scan3A_537 : vector<16xi1>, vector<16xf32>
      %select_n3A_586 = arith.select %gt3A_584, %add3A_550, %scan3A_538 : vector<16xi1>, vector<16xi32>
      %mul3A_587 = arith.constant 16 : i32
      %mul3A_588 = arith.muli %scan3A_530, %mul3A_587 : i32
      %get3A_589 = arith.constant 4 : i32
      %get3A_590 = arith.index_cast %get3A_589 : i32 to index
      %get3A_591 = arith.index_cast %mul3A_588 : i32 to index
      %get3A_592 = tpu.vector_load %arg9[%get3A_590, %get3A_591] {strides = array<i32>} : memref<8x2048xf32, #tpu.memory_space<vmem>>, vector<16xf32>,
      %gt3A_593 = arith.cmpf ogt, %get3A_592, %scan3A_539 : vector<16xf32>
      %select_n3A_594 = arith.select %gt3A_593, %get3A_592, %scan3A_539 : vector<16xi1>, vector<16xf32>
      %select_n3A_595 = arith.select %gt3A_593, %add3A_550, %scan3A_540 : vector<16xi1>, vector<16xi32>
      %mul3A_596 = arith.constant 16 : i32
      %mul3A_597 = arith.muli %scan3A_530, %mul3A_596 : i32
      %get3A_598 = arith.constant 5 : i32
      %get3A_599 = arith.index_cast %get3A_598 : i32 to index
      %get3A_600 = arith.index_cast %mul3A_597 : i32 to index
      %get3A_601 = tpu.vector_load %arg9[%get3A_599, %get3A_600] {strides = array<i32>} : memref<8x2048xf32, #tpu.memory_space<vmem>>, vector<16xf32>,
      %gt3A_602 = arith.cmpf ogt, %get3A_601, %scan3A_541 : vector<16xf32>
      %select_n3A_603 = arith.select %gt3A_602, %get3A_601, %scan3A_541 : vector<16xi1>, vector<16xf32>
      %select_n3A_604 = arith.select %gt3A_602, %add3A_550, %scan3A_542 : vector<16xi1>, vector<16xi32>
      %mul3A_605 = arith.constant 16 : i32
      %mul3A_606 = arith.muli %scan3A_530, %mul3A_605 : i32
      %get3A_607 = arith.constant 6 : i32
      %get3A_608 = arith.index_cast %get3A_607 : i32 to index
      %get3A_609 = arith.index_cast %mul3A_606 : i32 to index
      %get3A_610 = tpu.vector_load %arg9[%get3A_608, %get3A_609] {strides = array<i32>} : memref<8x2048xf32, #tpu.memory_space<vmem>>, vector<16xf32>,
      %gt3A_611 = arith.cmpf ogt, %get3A_610, %scan3A_543 : vector<16xf32>
      %select_n3A_612 = arith.select %gt3A_611, %get3A_610, %scan3A_543 : vector<16xi1>, vector<16xf32>
      %select_n3A_613 = arith.select %gt3A_611, %add3A_550, %scan3A_544 : vector<16xi1>, vector<16xi32>
      %mul3A_614 = arith.constant 16 : i32
      %mul3A_615 = arith.muli %scan3A_530, %mul3A_614 : i32
      %get3A_616 = arith.constant 7 : i32
      %get3A_617 = arith.index_cast %get3A_616 : i32 to index
      %get3A_618 = arith.index_cast %mul3A_615 : i32 to index
      %get3A_619 = tpu.vector_load %arg9[%get3A_617, %get3A_618] {strides = array<i32>} : memref<8x2048xf32, #tpu.memory_space<vmem>>, vector<16xf32>,
      %gt3A_620 = arith.cmpf ogt, %get3A_619, %scan3A_545 : vector<16xf32>
      %select_n3A_621 = arith.select %gt3A_620, %get3A_619, %scan3A_545 : vector<16xi1>, vector<16xf32>
      %select_n3A_622 = arith.select %gt3A_620, %add3A_550, %scan3A_546 : vector<16xi1>, vector<16xi32>
      scf.yield %select_n3A_558, %select_n3A_559, %select_n3A_567, %select_n3A_568, %select_n3A_576, %select_n3A_577, %select_n3A_585, %select_n3A_586, %select_n3A_594, %select_n3A_595, %select_n3A_603, %select_n3A_604, %select_n3A_612, %select_n3A_613, %select_n3A_621, %select_n3A_622 : vector<16xf32>, vector<16xi32>, vector<16xf32>, vector<16xi32>, vector<16xf32>, vector<16xi32>, vector<16xf32>, vector<16xi32>, vector<16xf32>, vector<16xi32>, vector<16xf32>, vector<16xi32>, vector<16xf32>, vector<16xi32>, vector<16xf32>, vector<16xi32>
    }
    %scan3A_36 = arith.constant 128 : i32
    %add3A_37 = arith.constant 4096 : i32
    %add3A_38 = arith.addi %multiple_of3A_7, %add3A_37 : i32
    %dma_start3A_39 = arith.constant 0 : i32
    %dma_start3A_40 = tpu.memref_slice %arg2[%dma_start3A_39, %multiple_of3A, %add3A_38] : memref<5x64x32768xf32, #tpu.memory_space<hbm>> -> memref<1x8x2048xf32, #tpu.memory_space<hbm>>
    %dma_start3A_41 = tpu.memref_squeeze %dma_start3A_40 : memref<1x8x2048xf32, #tpu.memory_space<hbm>> -> memref<8x2048xf32, #tpu.memory_space<hbm>>
    %dma_start3A_42 = tpu.memref_slice %arg2[%dma_start3A_39, %multiple_of3A, %add3A_38] : memref<5x64x32768xf32, #tpu.memory_space<hbm>> -> memref<1x8x2048xf32, #tpu.memory_space<hbm>>
    %dma_start3A_43 = tpu.memref_squeeze %dma_start3A_42 : memref<1x8x2048xf32, #tpu.memory_space<hbm>> -> memref<8x2048xf32, #tpu.memory_space<hbm>>
    tpu.enqueue_dma source(%dma_start3A_43 : memref<8x2048xf32, #tpu.memory_space<hbm>>) target(%arg9 : memref<8x2048xf32, #tpu.memory_space<vmem>>) target_semaphore(%arg17 : memref<!tpu.dma_semaphore, #tpu.memory_space<semaphore_mem>>)
    %dma_wait3A_44 = arith.constant 0 : i32
    %dma_wait3A_45 = tpu.memref_slice %arg2[%dma_wait3A_44, %multiple_of3A, %add3A_15] : memref<5x64x32768xf32, #tpu.memory_space<hbm>> -> memref<1x8x2048xf32, #tpu.memory_space<hbm>>
    %dma_wait3A_46 = tpu.memref_squeeze %dma_wait3A_45 : memref<1x8x2048xf32, #tpu.memory_space<hbm>> -> memref<8x2048xf32, #tpu.memory_space<hbm>>
    %dma_wait3A_47 = tpu.memref_slice %arg2[%dma_wait3A_44, %multiple_of3A, %add3A_15] : memref<5x64x32768xf32, #tpu.memory_space<hbm>> -> memref<1x8x2048xf32, #tpu.memory_space<hbm>>
    %dma_wait3A_48 = tpu.memref_squeeze %dma_wait3A_47 : memref<1x8x2048xf32, #tpu.memory_space<hbm>> -> memref<8x2048xf32, #tpu.memory_space<hbm>>
    tpu.wait_dma2 semaphore(%arg18 : memref<!tpu.dma_semaphore, #tpu.memory_space<semaphore_mem>>) src(%dma_wait3A_48 : memref<8x2048xf32, #tpu.memory_space<hbm>>) dst(%arg10 : memref<8x2048xf32, #tpu.memory_space<vmem>>)
    %add3A_49 = arith.constant 2048 : i32
    %add3A_50 = arith.addi %multiple_of3A_7, %add3A_49 : i32
    %add3A_51 = vector.broadcast %add3A_50 : i32 to vector<16xi32>
    %add3A_52 = arith.addi %add3A_51, %iota3A : vector<16xi32>
    %scan3A_53 = arith.constant 0 : i32
    %scan3A_54 = arith.constant 128 : i32
    %scan3A_55 = arith.addi %scan3A_53, %scan3A_54 : i32
    %scan3A_56 = arith.constant 1 : i32
    %scan3A_57:16 = scf.for %scan3A_530 = %scan3A_53 to %scan3A_55 step %scan3A_56 iter_args(%scan3A_531 = %scan3A_35#0, %scan3A_532 = %scan3A_35#1, %scan3A_533 = %scan3A_35#2, %scan3A_534 = %scan3A_35#3, %scan3A_535 = %scan3A_35#4, %scan3A_536 = %scan3A_35#5, %scan3A_537 = %scan3A_35#6, %scan3A_538 = %scan3A_35#7, %scan3A_539 = %scan3A_35#8, %scan3A_540 = %scan3A_35#9, %scan3A_541 = %scan3A_35#10, %scan3A_542 = %scan3A_35#11, %scan3A_543 = %scan3A_35#12, %scan3A_544 = %scan3A_35#13, %scan3A_545 = %scan3A_35#14, %scan3A_546 = %scan3A_35#15) -> (vector<16xf32>, vector<16xi32>, vector<16xf32>, vector<16xi32>, vector<16xf32>, vector<16xi32>, vector<16xf32>, vector<16xi32>, vector<16xf32>, vector<16xi32>, vector<16xf32>, vector<16xi32>, vector<16xf32>, vector<16xi32>, vector<16xf32>, vector<16xi32>)  : i32 {
      %mul3A_547 = arith.constant 16 : i32
      %mul3A_548 = arith.muli %scan3A_530, %mul3A_547 : i32
      %add3A_549 = vector.broadcast %mul3A_548 : i32 to vector<16xi32>
      %add3A_550 = arith.addi %add3A_52, %add3A_549 : vector<16xi32>
      %mul3A_551 = arith.constant 16 : i32
      %mul3A_552 = arith.muli %scan3A_530, %mul3A_551 : i32
      %get3A_553 = arith.constant 0 : i32
      %get3A_554 = arith.index_cast %get3A_553 : i32 to index
      %get3A_555 = arith.index_cast %mul3A_552 : i32 to index
      %get3A_556 = tpu.vector_load %arg10[%get3A_554, %get3A_555] {strides = array<i32>} : memref<8x2048xf32, #tpu.memory_space<vmem>>, vector<16xf32>,
      %gt3A_557 = arith.cmpf ogt, %get3A_556, %scan3A_531 : vector<16xf32>
      %select_n3A_558 = arith.select %gt3A_557, %get3A_556, %scan3A_531 : vector<16xi1>, vector<16xf32>
      %select_n3A_559 = arith.select %gt3A_557, %add3A_550, %scan3A_532 : vector<16xi1>, vector<16xi32>
      %mul3A_560 = arith.constant 16 : i32
      %mul3A_561 = arith.muli %scan3A_530, %mul3A_560 : i32
      %get3A_562 = arith.constant 1 : i32
      %get3A_563 = arith.index_cast %get3A_562 : i32 to index
      %get3A_564 = arith.index_cast %mul3A_561 : i32 to index
      %get3A_565 = tpu.vector_load %arg10[%get3A_563, %get3A_564] {strides = array<i32>} : memref<8x2048xf32, #tpu.memory_space<vmem>>, vector<16xf32>,
      %gt3A_566 = arith.cmpf ogt, %get3A_565, %scan3A_533 : vector<16xf32>
      %select_n3A_567 = arith.select %gt3A_566, %get3A_565, %scan3A_533 : vector<16xi1>, vector<16xf32>
      %select_n3A_568 = arith.select %gt3A_566, %add3A_550, %scan3A_534 : vector<16xi1>, vector<16xi32>
      %mul3A_569 = arith.constant 16 : i32
      %mul3A_570 = arith.muli %scan3A_530, %mul3A_569 : i32
      %get3A_571 = arith.constant 2 : i32
      %get3A_572 = arith.index_cast %get3A_571 : i32 to index
      %get3A_573 = arith.index_cast %mul3A_570 : i32 to index
      %get3A_574 = tpu.vector_load %arg10[%get3A_572, %get3A_573] {strides = array<i32>} : memref<8x2048xf32, #tpu.memory_space<vmem>>, vector<16xf32>,
      %gt3A_575 = arith.cmpf ogt, %get3A_574, %scan3A_535 : vector<16xf32>
      %select_n3A_576 = arith.select %gt3A_575, %get3A_574, %scan3A_535 : vector<16xi1>, vector<16xf32>
      %select_n3A_577 = arith.select %gt3A_575, %add3A_550, %scan3A_536 : vector<16xi1>, vector<16xi32>
      %mul3A_578 = arith.constant 16 : i32
      %mul3A_579 = arith.muli %scan3A_530, %mul3A_578 : i32
      %get3A_580 = arith.constant 3 : i32
      %get3A_581 = arith.index_cast %get3A_580 : i32 to index
      %get3A_582 = arith.index_cast %mul3A_579 : i32 to index
      %get3A_583 = tpu.vector_load %arg10[%get3A_581, %get3A_582] {strides = array<i32>} : memref<8x2048xf32, #tpu.memory_space<vmem>>, vector<16xf32>,
      %gt3A_584 = arith.cmpf ogt, %get3A_583, %scan3A_537 : vector<16xf32>
      %select_n3A_585 = arith.select %gt3A_584, %get3A_583, %scan3A_537 : vector<16xi1>, vector<16xf32>
      %select_n3A_586 = arith.select %gt3A_584, %add3A_550, %scan3A_538 : vector<16xi1>, vector<16xi32>
      %mul3A_587 = arith.constant 16 : i32
      %mul3A_588 = arith.muli %scan3A_530, %mul3A_587 : i32
      %get3A_589 = arith.constant 4 : i32
      %get3A_590 = arith.index_cast %get3A_589 : i32 to index
      %get3A_591 = arith.index_cast %mul3A_588 : i32 to index
      %get3A_592 = tpu.vector_load %arg10[%get3A_590, %get3A_591] {strides = array<i32>} : memref<8x2048xf32, #tpu.memory_space<vmem>>, vector<16xf32>,
      %gt3A_593 = arith.cmpf ogt, %get3A_592, %scan3A_539 : vector<16xf32>
      %select_n3A_594 = arith.select %gt3A_593, %get3A_592, %scan3A_539 : vector<16xi1>, vector<16xf32>
      %select_n3A_595 = arith.select %gt3A_593, %add3A_550, %scan3A_540 : vector<16xi1>, vector<16xi32>
      %mul3A_596 = arith.constant 16 : i32
      %mul3A_597 = arith.muli %scan3A_530, %mul3A_596 : i32
      %get3A_598 = arith.constant 5 : i32
      %get3A_599 = arith.index_cast %get3A_598 : i32 to index
      %get3A_600 = arith.index_cast %mul3A_597 : i32 to index
      %get3A_601 = tpu.vector_load %arg10[%get3A_599, %get3A_600] {strides = array<i32>} : memref<8x2048xf32, #tpu.memory_space<vmem>>, vector<16xf32>,
      %gt3A_602 = arith.cmpf ogt, %get3A_601, %scan3A_541 : vector<16xf32>
      %select_n3A_603 = arith.select %gt3A_602, %get3A_601, %scan3A_541 : vector<16xi1>, vector<16xf32>
      %select_n3A_604 = arith.select %gt3A_602, %add3A_550, %scan3A_542 : vector<16xi1>, vector<16xi32>
      %mul3A_605 = arith.constant 16 : i32
      %mul3A_606 = arith.muli %scan3A_530, %mul3A_605 : i32
      %get3A_607 = arith.constant 6 : i32
      %get3A_608 = arith.index_cast %get3A_607 : i32 to index
      %get3A_609 = arith.index_cast %mul3A_606 : i32 to index
      %get3A_610 = tpu.vector_load %arg10[%get3A_608, %get3A_609] {strides = array<i32>} : memref<8x2048xf32, #tpu.memory_space<vmem>>, vector<16xf32>,
      %gt3A_611 = arith.cmpf ogt, %get3A_610, %scan3A_543 : vector<16xf32>
      %select_n3A_612 = arith.select %gt3A_611, %get3A_610, %scan3A_543 : vector<16xi1>, vector<16xf32>
      %select_n3A_613 = arith.select %gt3A_611, %add3A_550, %scan3A_544 : vector<16xi1>, vector<16xi32>
      %mul3A_614 = arith.constant 16 : i32
      %mul3A_615 = arith.muli %scan3A_530, %mul3A_614 : i32
      %get3A_616 = arith.constant 7 : i32
      %get3A_617 = arith.index_cast %get3A_616 : i32 to index
      %get3A_618 = arith.index_cast %mul3A_615 : i32 to index
      %get3A_619 = tpu.vector_load %arg10[%get3A_617, %get3A_618] {strides = array<i32>} : memref<8x2048xf32, #tpu.memory_space<vmem>>, vector<16xf32>,
      %gt3A_620 = arith.cmpf ogt, %get3A_619, %scan3A_545 : vector<16xf32>
      %select_n3A_621 = arith.select %gt3A_620, %get3A_619, %scan3A_545 : vector<16xi1>, vector<16xf32>
      %select_n3A_622 = arith.select %gt3A_620, %add3A_550, %scan3A_546 : vector<16xi1>, vector<16xi32>
      scf.yield %select_n3A_558, %select_n3A_559, %select_n3A_567, %select_n3A_568, %select_n3A_576, %select_n3A_577, %select_n3A_585, %select_n3A_586, %select_n3A_594, %select_n3A_595, %select_n3A_603, %select_n3A_604, %select_n3A_612, %select_n3A_613, %select_n3A_621, %select_n3A_622 : vector<16xf32>, vector<16xi32>, vector<16xf32>, vector<16xi32>, vector<16xf32>, vector<16xi32>, vector<16xf32>, vector<16xi32>, vector<16xf32>, vector<16xi32>, vector<16xf32>, vector<16xi32>, vector<16xf32>, vector<16xi32>, vector<16xf32>, vector<16xi32>
    }
    %scan3A_58 = arith.constant 128 : i32
    %add3A_59 = arith.constant 6144 : i32
    %add3A_60 = arith.addi %multiple_of3A_7, %add3A_59 : i32
    %dma_start3A_61 = arith.constant 0 : i32
    %dma_start3A_62 = tpu.memref_slice %arg2[%dma_start3A_61, %multiple_of3A, %add3A_60] : memref<5x64x32768xf32, #tpu.memory_space<hbm>> -> memref<1x8x2048xf32, #tpu.memory_space<hbm>>
    %dma_start3A_63 = tpu.memref_squeeze %dma_start3A_62 : memref<1x8x2048xf32, #tpu.memory_space<hbm>> -> memref<8x2048xf32, #tpu.memory_space<hbm>>
    %dma_start3A_64 = tpu.memref_slice %arg2[%dma_start3A_61, %multiple_of3A, %add3A_60] : memref<5x64x32768xf32, #tpu.memory_space<hbm>> -> memref<1x8x2048xf32, #tpu.memory_space<hbm>>
    %dma_start3A_65 = tpu.memref_squeeze %dma_start3A_64 : memref<1x8x2048xf32, #tpu.memory_space<hbm>> -> memref<8x2048xf32, #tpu.memory_space<hbm>>
    tpu.enqueue_dma source(%dma_start3A_65 : memref<8x2048xf32, #tpu.memory_space<hbm>>) target(%arg10 : memref<8x2048xf32, #tpu.memory_space<vmem>>) target_semaphore(%arg18 : memref<!tpu.dma_semaphore, #tpu.memory_space<semaphore_mem>>)
    %dma_wait3A_66 = arith.constant 0 : i32
    %dma_wait3A_67 = tpu.memref_slice %arg2[%dma_wait3A_66, %multiple_of3A, %add3A_38] : memref<5x64x32768xf32, #tpu.memory_space<hbm>> -> memref<1x8x2048xf32, #tpu.memory_space<hbm>>
    %dma_wait3A_68 = tpu.memref_squeeze %dma_wait3A_67 : memref<1x8x2048xf32, #tpu.memory_space<hbm>> -> memref<8x2048xf32, #tpu.memory_space<hbm>>
    %dma_wait3A_69 = tpu.memref_slice %arg2[%dma_wait3A_66, %multiple_of3A, %add3A_38] : memref<5x64x32768xf32, #tpu.memory_space<hbm>> -> memref<1x8x2048xf32, #tpu.memory_space<hbm>>
    %dma_wait3A_70 = tpu.memref_squeeze %dma_wait3A_69 : memref<1x8x2048xf32, #tpu.memory_space<hbm>> -> memref<8x2048xf32, #tpu.memory_space<hbm>>
    tpu.wait_dma2 semaphore(%arg17 : memref<!tpu.dma_semaphore, #tpu.memory_space<semaphore_mem>>) src(%dma_wait3A_70 : memref<8x2048xf32, #tpu.memory_space<hbm>>) dst(%arg9 : memref<8x2048xf32, #tpu.memory_space<vmem>>)
    %add3A_71 = arith.constant 4096 : i32
    %add3A_72 = arith.addi %multiple_of3A_7, %add3A_71 : i32
    %add3A_73 = vector.broadcast %add3A_72 : i32 to vector<16xi32>
    %add3A_74 = arith.addi %add3A_73, %iota3A : vector<16xi32>
    %scan3A_75 = arith.constant 0 : i32
    %scan3A_76 = arith.constant 128 : i32
    %scan3A_77 = arith.addi %scan3A_75, %scan3A_76 : i32
    %scan3A_78 = arith.constant 1 : i32
    %scan3A_79:16 = scf.for %scan3A_530 = %scan3A_75 to %scan3A_77 step %scan3A_78 iter_args(%scan3A_531 = %scan3A_57#0, %scan3A_532 = %scan3A_57#1, %scan3A_533 = %scan3A_57#2, %scan3A_534 = %scan3A_57#3, %scan3A_535 = %scan3A_57#4, %scan3A_536 = %scan3A_57#5, %scan3A_537 = %scan3A_57#6, %scan3A_538 = %scan3A_57#7, %scan3A_539 = %scan3A_57#8, %scan3A_540 = %scan3A_57#9, %scan3A_541 = %scan3A_57#10, %scan3A_542 = %scan3A_57#11, %scan3A_543 = %scan3A_57#12, %scan3A_544 = %scan3A_57#13, %scan3A_545 = %scan3A_57#14, %scan3A_546 = %scan3A_57#15) -> (vector<16xf32>, vector<16xi32>, vector<16xf32>, vector<16xi32>, vector<16xf32>, vector<16xi32>, vector<16xf32>, vector<16xi32>, vector<16xf32>, vector<16xi32>, vector<16xf32>, vector<16xi32>, vector<16xf32>, vector<16xi32>, vector<16xf32>, vector<16xi32>)  : i32 {
      %mul3A_547 = arith.constant 16 : i32
      %mul3A_548 = arith.muli %scan3A_530, %mul3A_547 : i32
      %add3A_549 = vector.broadcast %mul3A_548 : i32 to vector<16xi32>
      %add3A_550 = arith.addi %add3A_74, %add3A_549 : vector<16xi32>
      %mul3A_551 = arith.constant 16 : i32
      %mul3A_552 = arith.muli %scan3A_530, %mul3A_551 : i32
      %get3A_553 = arith.constant 0 : i32
      %get3A_554 = arith.index_cast %get3A_553 : i32 to index
      %get3A_555 = arith.index_cast %mul3A_552 : i32 to index
      %get3A_556 = tpu.vector_load %arg9[%get3A_554, %get3A_555] {strides = array<i32>} : memref<8x2048xf32, #tpu.memory_space<vmem>>, vector<16xf32>,
      %gt3A_557 = arith.cmpf ogt, %get3A_556, %scan3A_531 : vector<16xf32>
      %select_n3A_558 = arith.select %gt3A_557, %get3A_556, %scan3A_531 : vector<16xi1>, vector<16xf32>
      %select_n3A_559 = arith.select %gt3A_557, %add3A_550, %scan3A_532 : vector<16xi1>, vector<16xi32>
      %mul3A_560 = arith.constant 16 : i32
      %mul3A_561 = arith.muli %scan3A_530, %mul3A_560 : i32
      %get3A_562 = arith.constant 1 : i32
      %get3A_563 = arith.index_cast %get3A_562 : i32 to index
      %get3A_564 = arith.index_cast %mul3A_561 : i32 to index
      %get3A_565 = tpu.vector_load %arg9[%get3A_563, %get3A_564] {strides = array<i32>} : memref<8x2048xf32, #tpu.memory_space<vmem>>, vector<16xf32>,
      %gt3A_566 = arith.cmpf ogt, %get3A_565, %scan3A_533 : vector<16xf32>
      %select_n3A_567 = arith.select %gt3A_566, %get3A_565, %scan3A_533 : vector<16xi1>, vector<16xf32>
      %select_n3A_568 = arith.select %gt3A_566, %add3A_550, %scan3A_534 : vector<16xi1>, vector<16xi32>
      %mul3A_569 = arith.constant 16 : i32
      %mul3A_570 = arith.muli %scan3A_530, %mul3A_569 : i32
      %get3A_571 = arith.constant 2 : i32
      %get3A_572 = arith.index_cast %get3A_571 : i32 to index
      %get3A_573 = arith.index_cast %mul3A_570 : i32 to index
      %get3A_574 = tpu.vector_load %arg9[%get3A_572, %get3A_573] {strides = array<i32>} : memref<8x2048xf32, #tpu.memory_space<vmem>>, vector<16xf32>,
      %gt3A_575 = arith.cmpf ogt, %get3A_574, %scan3A_535 : vector<16xf32>
      %select_n3A_576 = arith.select %gt3A_575, %get3A_574, %scan3A_535 : vector<16xi1>, vector<16xf32>
      %select_n3A_577 = arith.select %gt3A_575, %add3A_550, %scan3A_536 : vector<16xi1>, vector<16xi32>
      %mul3A_578 = arith.constant 16 : i32
      %mul3A_579 = arith.muli %scan3A_530, %mul3A_578 : i32
      %get3A_580 = arith.constant 3 : i32
      %get3A_581 = arith.index_cast %get3A_580 : i32 to index
      %get3A_582 = arith.index_cast %mul3A_579 : i32 to index
      %get3A_583 = tpu.vector_load %arg9[%get3A_581, %get3A_582] {strides = array<i32>} : memref<8x2048xf32, #tpu.memory_space<vmem>>, vector<16xf32>,
      %gt3A_584 = arith.cmpf ogt, %get3A_583, %scan3A_537 : vector<16xf32>
      %select_n3A_585 = arith.select %gt3A_584, %get3A_583, %scan3A_537 : vector<16xi1>, vector<16xf32>
      %select_n3A_586 = arith.select %gt3A_584, %add3A_550, %scan3A_538 : vector<16xi1>, vector<16xi32>
      %mul3A_587 = arith.constant 16 : i32
      %mul3A_588 = arith.muli %scan3A_530, %mul3A_587 : i32
      %get3A_589 = arith.constant 4 : i32
      %get3A_590 = arith.index_cast %get3A_589 : i32 to index
      %get3A_591 = arith.index_cast %mul3A_588 : i32 to index
      %get3A_592 = tpu.vector_load %arg9[%get3A_590, %get3A_591] {strides = array<i32>} : memref<8x2048xf32, #tpu.memory_space<vmem>>, vector<16xf32>,
      %gt3A_593 = arith.cmpf ogt, %get3A_592, %scan3A_539 : vector<16xf32>
      %select_n3A_594 = arith.select %gt3A_593, %get3A_592, %scan3A_539 : vector<16xi1>, vector<16xf32>
      %select_n3A_595 = arith.select %gt3A_593, %add3A_550, %scan3A_540 : vector<16xi1>, vector<16xi32>
      %mul3A_596 = arith.constant 16 : i32
      %mul3A_597 = arith.muli %scan3A_530, %mul3A_596 : i32
      %get3A_598 = arith.constant 5 : i32
      %get3A_599 = arith.index_cast %get3A_598 : i32 to index
      %get3A_600 = arith.index_cast %mul3A_597 : i32 to index
      %get3A_601 = tpu.vector_load %arg9[%get3A_599, %get3A_600] {strides = array<i32>} : memref<8x2048xf32, #tpu.memory_space<vmem>>, vector<16xf32>,
      %gt3A_602 = arith.cmpf ogt, %get3A_601, %scan3A_541 : vector<16xf32>
      %select_n3A_603 = arith.select %gt3A_602, %get3A_601, %scan3A_541 : vector<16xi1>, vector<16xf32>
      %select_n3A_604 = arith.select %gt3A_602, %add3A_550, %scan3A_542 : vector<16xi1>, vector<16xi32>
      %mul3A_605 = arith.constant 16 : i32
      %mul3A_606 = arith.muli %scan3A_530, %mul3A_605 : i32
      %get3A_607 = arith.constant 6 : i32
      %get3A_608 = arith.index_cast %get3A_607 : i32 to index
      %get3A_609 = arith.index_cast %mul3A_606 : i32 to index
      %get3A_610 = tpu.vector_load %arg9[%get3A_608, %get3A_609] {strides = array<i32>} : memref<8x2048xf32, #tpu.memory_space<vmem>>, vector<16xf32>,
      %gt3A_611 = arith.cmpf ogt, %get3A_610, %scan3A_543 : vector<16xf32>
      %select_n3A_612 = arith.select %gt3A_611, %get3A_610, %scan3A_543 : vector<16xi1>, vector<16xf32>
      %select_n3A_613 = arith.select %gt3A_611, %add3A_550, %scan3A_544 : vector<16xi1>, vector<16xi32>
      %mul3A_614 = arith.constant 16 : i32
      %mul3A_615 = arith.muli %scan3A_530, %mul3A_614 : i32
      %get3A_616 = arith.constant 7 : i32
      %get3A_617 = arith.index_cast %get3A_616 : i32 to index
      %get3A_618 = arith.index_cast %mul3A_615 : i32 to index
      %get3A_619 = tpu.vector_load %arg9[%get3A_617, %get3A_618] {strides = array<i32>} : memref<8x2048xf32, #tpu.memory_space<vmem>>, vector<16xf32>,
      %gt3A_620 = arith.cmpf ogt, %get3A_619, %scan3A_545 : vector<16xf32>
      %select_n3A_621 = arith.select %gt3A_620, %get3A_619, %scan3A_545 : vector<16xi1>, vector<16xf32>
      %select_n3A_622 = arith.select %gt3A_620, %add3A_550, %scan3A_546 : vector<16xi1>, vector<16xi32>
      scf.yield %select_n3A_558, %select_n3A_559, %select_n3A_567, %select_n3A_568, %select_n3A_576, %select_n3A_577, %select_n3A_585, %select_n3A_586, %select_n3A_594, %select_n3A_595, %select_n3A_603, %select_n3A_604, %select_n3A_612, %select_n3A_613, %select_n3A_621, %select_n3A_622 : vector<16xf32>, vector<16xi32>, vector<16xf32>, vector<16xi32>, vector<16xf32>, vector<16xi32>, vector<16xf32>, vector<16xi32>, vector<16xf32>, vector<16xi32>, vector<16xf32>, vector<16xi32>, vector<16xf32>, vector<16xi32>, vector<16xf32>, vector<16xi32>
    }
    %scan3A_80 = arith.constant 128 : i32
    %dma_wait3A_81 = arith.constant 0 : i32
    %dma_wait3A_82 = tpu.memref_slice %arg2[%dma_wait3A_81, %multiple_of3A, %add3A_60] : memref<5x64x32768xf32, #tpu.memory_space<hbm>> -> memref<1x8x2048xf32, #tpu.memory_space<hbm>>
    %dma_wait3A_83 = tpu.memref_squeeze %dma_wait3A_82 : memref<1x8x2048xf32, #tpu.memory_space<hbm>> -> memref<8x2048xf32, #tpu.memory_space<hbm>>
    %dma_wait3A_84 = tpu.memref_slice %arg2[%dma_wait3A_81, %multiple_of3A, %add3A_60] : memref<5x64x32768xf32, #tpu.memory_space<hbm>> -> memref<1x8x2048xf32, #tpu.memory_space<hbm>>
    %dma_wait3A_85 = tpu.memref_squeeze %dma_wait3A_84 : memref<1x8x2048xf32, #tpu.memory_space<hbm>> -> memref<8x2048xf32, #tpu.memory_space<hbm>>
    tpu.wait_dma2 semaphore(%arg18 : memref<!tpu.dma_semaphore, #tpu.memory_space<semaphore_mem>>) src(%dma_wait3A_85 : memref<8x2048xf32, #tpu.memory_space<hbm>>) dst(%arg10 : memref<8x2048xf32, #tpu.memory_space<vmem>>)
    %add3A_86 = arith.constant 6144 : i32
    %add3A_87 = arith.addi %multiple_of3A_7, %add3A_86 : i32
    %add3A_88 = vector.broadcast %add3A_87 : i32 to vector<16xi32>
    %add3A_89 = arith.addi %add3A_88, %iota3A : vector<16xi32>
    %scan3A_90 = arith.constant 0 : i32
    %scan3A_91 = arith.constant 128 : i32
    %scan3A_92 = arith.addi %scan3A_90, %scan3A_91 : i32
    %scan3A_93 = arith.constant 1 : i32
    %scan3A_94:16 = scf.for %scan3A_530 = %scan3A_90 to %scan3A_92 step %scan3A_93 iter_args(%scan3A_531 = %scan3A_79#0, %scan3A_532 = %scan3A_79#1, %scan3A_533 = %scan3A_79#2, %scan3A_534 = %scan3A_79#3, %scan3A_535 = %scan3A_79#4, %scan3A_536 = %scan3A_79#5, %scan3A_537 = %scan3A_79#6, %scan3A_538 = %scan3A_79#7, %scan3A_539 = %scan3A_79#8, %scan3A_540 = %scan3A_79#9, %scan3A_541 = %scan3A_79#10, %scan3A_542 = %scan3A_79#11, %scan3A_543 = %scan3A_79#12, %scan3A_544 = %scan3A_79#13, %scan3A_545 = %scan3A_79#14, %scan3A_546 = %scan3A_79#15) -> (vector<16xf32>, vector<16xi32>, vector<16xf32>, vector<16xi32>, vector<16xf32>, vector<16xi32>, vector<16xf32>, vector<16xi32>, vector<16xf32>, vector<16xi32>, vector<16xf32>, vector<16xi32>, vector<16xf32>, vector<16xi32>, vector<16xf32>, vector<16xi32>)  : i32 {
      %mul3A_547 = arith.constant 16 : i32
      %mul3A_548 = arith.muli %scan3A_530, %mul3A_547 : i32
      %add3A_549 = vector.broadcast %mul3A_548 : i32 to vector<16xi32>
      %add3A_550 = arith.addi %add3A_89, %add3A_549 : vector<16xi32>
      %mul3A_551 = arith.constant 16 : i32
      %mul3A_552 = arith.muli %scan3A_530, %mul3A_551 : i32
      %get3A_553 = arith.constant 0 : i32
      %get3A_554 = arith.index_cast %get3A_553 : i32 to index
      %get3A_555 = arith.index_cast %mul3A_552 : i32 to index
      %get3A_556 = tpu.vector_load %arg10[%get3A_554, %get3A_555] {strides = array<i32>} : memref<8x2048xf32, #tpu.memory_space<vmem>>, vector<16xf32>,
      %gt3A_557 = arith.cmpf ogt, %get3A_556, %scan3A_531 : vector<16xf32>
      %select_n3A_558 = arith.select %gt3A_557, %get3A_556, %scan3A_531 : vector<16xi1>, vector<16xf32>
      %select_n3A_559 = arith.select %gt3A_557, %add3A_550, %scan3A_532 : vector<16xi1>, vector<16xi32>
      %mul3A_560 = arith.constant 16 : i32
      %mul3A_561 = arith.muli %scan3A_530, %mul3A_560 : i32
      %get3A_562 = arith.constant 1 : i32
      %get3A_563 = arith.index_cast %get3A_562 : i32 to index
      %get3A_564 = arith.index_cast %mul3A_561 : i32 to index
      %get3A_565 = tpu.vector_load %arg10[%get3A_563, %get3A_564] {strides = array<i32>} : memref<8x2048xf32, #tpu.memory_space<vmem>>, vector<16xf32>,
      %gt3A_566 = arith.cmpf ogt, %get3A_565, %scan3A_533 : vector<16xf32>
      %select_n3A_567 = arith.select %gt3A_566, %get3A_565, %scan3A_533 : vector<16xi1>, vector<16xf32>
      %select_n3A_568 = arith.select %gt3A_566, %add3A_550, %scan3A_534 : vector<16xi1>, vector<16xi32>
      %mul3A_569 = arith.constant 16 : i32
      %mul3A_570 = arith.muli %scan3A_530, %mul3A_569 : i32
      %get3A_571 = arith.constant 2 : i32
      %get3A_572 = arith.index_cast %get3A_571 : i32 to index
      %get3A_573 = arith.index_cast %mul3A_570 : i32 to index
      %get3A_574 = tpu.vector_load %arg10[%get3A_572, %get3A_573] {strides = array<i32>} : memref<8x2048xf32, #tpu.memory_space<vmem>>, vector<16xf32>,
      %gt3A_575 = arith.cmpf ogt, %get3A_574, %scan3A_535 : vector<16xf32>
      %select_n3A_576 = arith.select %gt3A_575, %get3A_574, %scan3A_535 : vector<16xi1>, vector<16xf32>
      %select_n3A_577 = arith.select %gt3A_575, %add3A_550, %scan3A_536 : vector<16xi1>, vector<16xi32>
      %mul3A_578 = arith.constant 16 : i32
      %mul3A_579 = arith.muli %scan3A_530, %mul3A_578 : i32
      %get3A_580 = arith.constant 3 : i32
      %get3A_581 = arith.index_cast %get3A_580 : i32 to index
      %get3A_582 = arith.index_cast %mul3A_579 : i32 to index
      %get3A_583 = tpu.vector_load %arg10[%get3A_581, %get3A_582] {strides = array<i32>} : memref<8x2048xf32, #tpu.memory_space<vmem>>, vector<16xf32>,
      %gt3A_584 = arith.cmpf ogt, %get3A_583, %scan3A_537 : vector<16xf32>
      %select_n3A_585 = arith.select %gt3A_584, %get3A_583, %scan3A_537 : vector<16xi1>, vector<16xf32>
      %select_n3A_586 = arith.select %gt3A_584, %add3A_550, %scan3A_538 : vector<16xi1>, vector<16xi32>
      %mul3A_587 = arith.constant 16 : i32
      %mul3A_588 = arith.muli %scan3A_530, %mul3A_587 : i32
      %get3A_589 = arith.constant 4 : i32
      %get3A_590 = arith.index_cast %get3A_589 : i32 to index
      %get3A_591 = arith.index_cast %mul3A_588 : i32 to index
      %get3A_592 = tpu.vector_load %arg10[%get3A_590, %get3A_591] {strides = array<i32>} : memref<8x2048xf32, #tpu.memory_space<vmem>>, vector<16xf32>,
      %gt3A_593 = arith.cmpf ogt, %get3A_592, %scan3A_539 : vector<16xf32>
      %select_n3A_594 = arith.select %gt3A_593, %get3A_592, %scan3A_539 : vector<16xi1>, vector<16xf32>
      %select_n3A_595 = arith.select %gt3A_593, %add3A_550, %scan3A_540 : vector<16xi1>, vector<16xi32>
      %mul3A_596 = arith.constant 16 : i32
      %mul3A_597 = arith.muli %scan3A_530, %mul3A_596 : i32
      %get3A_598 = arith.constant 5 : i32
      %get3A_599 = arith.index_cast %get3A_598 : i32 to index
      %get3A_600 = arith.index_cast %mul3A_597 : i32 to index
      %get3A_601 = tpu.vector_load %arg10[%get3A_599, %get3A_600] {strides = array<i32>} : memref<8x2048xf32, #tpu.memory_space<vmem>>, vector<16xf32>,
      %gt3A_602 = arith.cmpf ogt, %get3A_601, %scan3A_541 : vector<16xf32>
      %select_n3A_603 = arith.select %gt3A_602, %get3A_601, %scan3A_541 : vector<16xi1>, vector<16xf32>
      %select_n3A_604 = arith.select %gt3A_602, %add3A_550, %scan3A_542 : vector<16xi1>, vector<16xi32>
      %mul3A_605 = arith.constant 16 : i32
      %mul3A_606 = arith.muli %scan3A_530, %mul3A_605 : i32
      %get3A_607 = arith.constant 6 : i32
      %get3A_608 = arith.index_cast %get3A_607 : i32 to index
      %get3A_609 = arith.index_cast %mul3A_606 : i32 to index
      %get3A_610 = tpu.vector_load %arg10[%get3A_608, %get3A_609] {strides = array<i32>} : memref<8x2048xf32, #tpu.memory_space<vmem>>, vector<16xf32>,
      %gt3A_611 = arith.cmpf ogt, %get3A_610, %scan3A_543 : vector<16xf32>
      %select_n3A_612 = arith.select %gt3A_611, %get3A_610, %scan3A_543 : vector<16xi1>, vector<16xf32>
      %select_n3A_613 = arith.select %gt3A_611, %add3A_550, %scan3A_544 : vector<16xi1>, vector<16xi32>
      %mul3A_614 = arith.constant 16 : i32
      %mul3A_615 = arith.muli %scan3A_530, %mul3A_614 : i32
      %get3A_616 = arith.constant 7 : i32
      %get3A_617 = arith.index_cast %get3A_616 : i32 to index
      %get3A_618 = arith.index_cast %mul3A_615 : i32 to index
      %get3A_619 = tpu.vector_load %arg10[%get3A_617, %get3A_618] {strides = array<i32>} : memref<8x2048xf32, #tpu.memory_space<vmem>>, vector<16xf32>,
      %gt3A_620 = arith.cmpf ogt, %get3A_619, %scan3A_545 : vector<16xf32>
      %select_n3A_621 = arith.select %gt3A_620, %get3A_619, %scan3A_545 : vector<16xi1>, vector<16xf32>
      %select_n3A_622 = arith.select %gt3A_620, %add3A_550, %scan3A_546 : vector<16xi1>, vector<16xi32>
      scf.yield %select_n3A_558, %select_n3A_559, %select_n3A_567, %select_n3A_568, %select_n3A_576, %select_n3A_577, %select_n3A_585, %select_n3A_586, %select_n3A_594, %select_n3A_595, %select_n3A_603, %select_n3A_604, %select_n3A_612, %select_n3A_613, %select_n3A_621, %select_n3A_622 : vector<16xf32>, vector<16xi32>, vector<16xf32>, vector<16xi32>, vector<16xf32>, vector<16xi32>, vector<16xf32>, vector<16xi32>, vector<16xf32>, vector<16xi32>, vector<16xf32>, vector<16xi32>, vector<16xf32>, vector<16xi32>, vector<16xf32>, vector<16xi32>
    }
    %scan3A_95 = arith.constant 128 : i32
    %broadcast_in_dim3A_96 = arith.constant 0.000000e+00 : f32
    %broadcast_in_dim3A_97 = vector.broadcast %broadcast_in_dim3A_96 : f32 to vector<16xf32>
    %broadcast_in_dim3A_98 = arith.constant 0 : i32
    %broadcast_in_dim3A_99 = vector.broadcast %broadcast_in_dim3A_98 : i32 to vector<16xi32>
    %reduce_max3A = arith.constant true
    %reduce_max3A_100 = vector.broadcast %reduce_max3A : i1 to vector<16xi1>
    %reduce_max3A_101 = tpu.scan <max>, %scan3A_94#0 masked %reduce_max3A_100 : vector<16xf32>, vector<16xi1> -> vector<16xf32>
    %reduce_max3A_102 = vector.extract %reduce_max3A_101[15] : f32 from vector<16xf32>
    %eq3A = vector.broadcast %reduce_max3A_102 : f32 to vector<16xf32>
    %eq3A_103 = arith.cmpf oeq, %scan3A_94#0, %eq3A : vector<16xf32>
    %jit3A = arith.constant 1073741824 : i32
    %broadcast_in_dim3A_104 = vector.broadcast %jit3A : i32 to vector<16xi32>
    %select_n3A = arith.select %eq3A_103, %scan3A_94#1, %broadcast_in_dim3A_104 : vector<16xi1>, vector<16xi32>
    %reduce_min3A = arith.constant true
    %reduce_min3A_105 = vector.broadcast %reduce_min3A : i1 to vector<16xi1>
    %reduce_min3A_106 = arith.constant -2147483648 : i32
    %reduce_min3A_107 = vector.broadcast %reduce_min3A_106 : i32 to vector<16xi32>
    %reduce_min3A_108 = arith.xori %select_n3A, %reduce_min3A_107 : vector<16xi32>
    %reduce_min3A_109 = tpu.scan <min>, %reduce_min3A_108 masked %reduce_min3A_105 : vector<16xi32>, vector<16xi1> -> vector<16xi32>
    %reduce_min3A_110 = arith.xori %reduce_min3A_109, %reduce_min3A_107 : vector<16xi32>
    %reduce_min3A_111 = vector.extract %reduce_min3A_110[15] : i32 from vector<16xi32>
    %eq3A_112 = arith.constant 0 : i32
    %eq3A_113 = vector.broadcast %eq3A_112 : i32 to vector<16xi32>
    %eq3A_114 = arith.cmpi eq, %iota3A, %eq3A_113 : vector<16xi32>
    %broadcast_in_dim3A_115 = vector.broadcast %reduce_max3A_102 : f32 to vector<16xf32>
    %select_n3A_116 = arith.select %eq3A_114, %broadcast_in_dim3A_115, %broadcast_in_dim3A_97 : vector<16xi1>, vector<16xf32>
    %eq3A_117 = arith.constant 0 : i32
    %eq3A_118 = vector.broadcast %eq3A_117 : i32 to vector<16xi32>
    %eq3A_119 = arith.cmpi eq, %iota3A, %eq3A_118 : vector<16xi32>
    %broadcast_in_dim3A_120 = vector.broadcast %reduce_min3A_111 : i32 to vector<16xi32>
    %select_n3A_121 = arith.select %eq3A_119, %broadcast_in_dim3A_120, %broadcast_in_dim3A_99 : vector<16xi1>, vector<16xi32>
    %reduce_max3A_122 = arith.constant true
    %reduce_max3A_123 = vector.broadcast %reduce_max3A_122 : i1 to vector<16xi1>
    %reduce_max3A_124 = tpu.scan <max>, %scan3A_94#2 masked %reduce_max3A_123 : vector<16xf32>, vector<16xi1> -> vector<16xf32>
    %reduce_max3A_125 = vector.extract %reduce_max3A_124[15] : f32 from vector<16xf32>
    %eq3A_126 = vector.broadcast %reduce_max3A_125 : f32 to vector<16xf32>
    %eq3A_127 = arith.cmpf oeq, %scan3A_94#2, %eq3A_126 : vector<16xf32>
    %jit3A_128 = arith.constant 1073741824 : i32
    %broadcast_in_dim3A_129 = vector.broadcast %jit3A_128 : i32 to vector<16xi32>
    %select_n3A_130 = arith.select %eq3A_127, %scan3A_94#3, %broadcast_in_dim3A_129 : vector<16xi1>, vector<16xi32>
    %reduce_min3A_131 = arith.constant true
    %reduce_min3A_132 = vector.broadcast %reduce_min3A_131 : i1 to vector<16xi1>
    %reduce_min3A_133 = arith.constant -2147483648 : i32
    %reduce_min3A_134 = vector.broadcast %reduce_min3A_133 : i32 to vector<16xi32>
    %reduce_min3A_135 = arith.xori %select_n3A_130, %reduce_min3A_134 : vector<16xi32>
    %reduce_min3A_136 = tpu.scan <min>, %reduce_min3A_135 masked %reduce_min3A_132 : vector<16xi32>, vector<16xi1> -> vector<16xi32>
    %reduce_min3A_137 = arith.xori %reduce_min3A_136, %reduce_min3A_134 : vector<16xi32>
    %reduce_min3A_138 = vector.extract %reduce_min3A_137[15] : i32 from vector<16xi32>
    %eq3A_139 = arith.constant 1 : i32
    %eq3A_140 = vector.broadcast %eq3A_139 : i32 to vector<16xi32>
    %eq3A_141 = arith.cmpi eq, %iota3A, %eq3A_140 : vector<16xi32>
    %broadcast_in_dim3A_142 = vector.broadcast %reduce_max3A_125 : f32 to vector<16xf32>
    %select_n3A_143 = arith.select %eq3A_141, %broadcast_in_dim3A_142, %select_n3A_116 : vector<16xi1>, vector<16xf32>
    %eq3A_144 = arith.constant 1 : i32
    %eq3A_145 = vector.broadcast %eq3A_144 : i32 to vector<16xi32>
    %eq3A_146 = arith.cmpi eq, %iota3A, %eq3A_145 : vector<16xi32>
    %broadcast_in_dim3A_147 = vector.broadcast %reduce_min3A_138 : i32 to vector<16xi32>
    %select_n3A_148 = arith.select %eq3A_146, %broadcast_in_dim3A_147, %select_n3A_121 : vector<16xi1>, vector<16xi32>
    %reduce_max3A_149 = arith.constant true
    %reduce_max3A_150 = vector.broadcast %reduce_max3A_149 : i1 to vector<16xi1>
    %reduce_max3A_151 = tpu.scan <max>, %scan3A_94#4 masked %reduce_max3A_150 : vector<16xf32>, vector<16xi1> -> vector<16xf32>
    %reduce_max3A_152 = vector.extract %reduce_max3A_151[15] : f32 from vector<16xf32>
    %eq3A_153 = vector.broadcast %reduce_max3A_152 : f32 to vector<16xf32>
    %eq3A_154 = arith.cmpf oeq, %scan3A_94#4, %eq3A_153 : vector<16xf32>
    %jit3A_155 = arith.constant 1073741824 : i32
    %broadcast_in_dim3A_156 = vector.broadcast %jit3A_155 : i32 to vector<16xi32>
    %select_n3A_157 = arith.select %eq3A_154, %scan3A_94#5, %broadcast_in_dim3A_156 : vector<16xi1>, vector<16xi32>
    %reduce_min3A_158 = arith.constant true
    %reduce_min3A_159 = vector.broadcast %reduce_min3A_158 : i1 to vector<16xi1>
    %reduce_min3A_160 = arith.constant -2147483648 : i32
    %reduce_min3A_161 = vector.broadcast %reduce_min3A_160 : i32 to vector<16xi32>
    %reduce_min3A_162 = arith.xori %select_n3A_157, %reduce_min3A_161 : vector<16xi32>
    %reduce_min3A_163 = tpu.scan <min>, %reduce_min3A_162 masked %reduce_min3A_159 : vector<16xi32>, vector<16xi1> -> vector<16xi32>
    %reduce_min3A_164 = arith.xori %reduce_min3A_163, %reduce_min3A_161 : vector<16xi32>
    %reduce_min3A_165 = vector.extract %reduce_min3A_164[15] : i32 from vector<16xi32>
    %eq3A_166 = arith.constant 2 : i32
    %eq3A_167 = vector.broadcast %eq3A_166 : i32 to vector<16xi32>
    %eq3A_168 = arith.cmpi eq, %iota3A, %eq3A_167 : vector<16xi32>
    %broadcast_in_dim3A_169 = vector.broadcast %reduce_max3A_152 : f32 to vector<16xf32>
    %select_n3A_170 = arith.select %eq3A_168, %broadcast_in_dim3A_169, %select_n3A_143 : vector<16xi1>, vector<16xf32>
    %eq3A_171 = arith.constant 2 : i32
    %eq3A_172 = vector.broadcast %eq3A_171 : i32 to vector<16xi32>
    %eq3A_173 = arith.cmpi eq, %iota3A, %eq3A_172 : vector<16xi32>
    %broadcast_in_dim3A_174 = vector.broadcast %reduce_min3A_165 : i32 to vector<16xi32>
    %select_n3A_175 = arith.select %eq3A_173, %broadcast_in_dim3A_174, %select_n3A_148 : vector<16xi1>, vector<16xi32>
    %reduce_max3A_176 = arith.constant true
    %reduce_max3A_177 = vector.broadcast %reduce_max3A_176 : i1 to vector<16xi1>
    %reduce_max3A_178 = tpu.scan <max>, %scan3A_94#6 masked %reduce_max3A_177 : vector<16xf32>, vector<16xi1> -> vector<16xf32>
    %reduce_max3A_179 = vector.extract %reduce_max3A_178[15] : f32 from vector<16xf32>
    %eq3A_180 = vector.broadcast %reduce_max3A_179 : f32 to vector<16xf32>
    %eq3A_181 = arith.cmpf oeq, %scan3A_94#6, %eq3A_180 : vector<16xf32>
    %jit3A_182 = arith.constant 1073741824 : i32
    %broadcast_in_dim3A_183 = vector.broadcast %jit3A_182 : i32 to vector<16xi32>
    %select_n3A_184 = arith.select %eq3A_181, %scan3A_94#7, %broadcast_in_dim3A_183 : vector<16xi1>, vector<16xi32>
    %reduce_min3A_185 = arith.constant true
    %reduce_min3A_186 = vector.broadcast %reduce_min3A_185 : i1 to vector<16xi1>
    %reduce_min3A_187 = arith.constant -2147483648 : i32
    %reduce_min3A_188 = vector.broadcast %reduce_min3A_187 : i32 to vector<16xi32>
    %reduce_min3A_189 = arith.xori %select_n3A_184, %reduce_min3A_188 : vector<16xi32>
    %reduce_min3A_190 = tpu.scan <min>, %reduce_min3A_189 masked %reduce_min3A_186 : vector<16xi32>, vector<16xi1> -> vector<16xi32>
    %reduce_min3A_191 = arith.xori %reduce_min3A_190, %reduce_min3A_188 : vector<16xi32>
    %reduce_min3A_192 = vector.extract %reduce_min3A_191[15] : i32 from vector<16xi32>
    %eq3A_193 = arith.constant 3 : i32
    %eq3A_194 = vector.broadcast %eq3A_193 : i32 to vector<16xi32>
    %eq3A_195 = arith.cmpi eq, %iota3A, %eq3A_194 : vector<16xi32>
    %broadcast_in_dim3A_196 = vector.broadcast %reduce_max3A_179 : f32 to vector<16xf32>
    %select_n3A_197 = arith.select %eq3A_195, %broadcast_in_dim3A_196, %select_n3A_170 : vector<16xi1>, vector<16xf32>
    %eq3A_198 = arith.constant 3 : i32
    %eq3A_199 = vector.broadcast %eq3A_198 : i32 to vector<16xi32>
    %eq3A_200 = arith.cmpi eq, %iota3A, %eq3A_199 : vector<16xi32>
    %broadcast_in_dim3A_201 = vector.broadcast %reduce_min3A_192 : i32 to vector<16xi32>
    %select_n3A_202 = arith.select %eq3A_200, %broadcast_in_dim3A_201, %select_n3A_175 : vector<16xi1>, vector<16xi32>
    %reduce_max3A_203 = arith.constant true
    %reduce_max3A_204 = vector.broadcast %reduce_max3A_203 : i1 to vector<16xi1>
    %reduce_max3A_205 = tpu.scan <max>, %scan3A_94#8 masked %reduce_max3A_204 : vector<16xf32>, vector<16xi1> -> vector<16xf32>
    %reduce_max3A_206 = vector.extract %reduce_max3A_205[15] : f32 from vector<16xf32>
    %eq3A_207 = vector.broadcast %reduce_max3A_206 : f32 to vector<16xf32>
    %eq3A_208 = arith.cmpf oeq, %scan3A_94#8, %eq3A_207 : vector<16xf32>
    %jit3A_209 = arith.constant 1073741824 : i32
    %broadcast_in_dim3A_210 = vector.broadcast %jit3A_209 : i32 to vector<16xi32>
    %select_n3A_211 = arith.select %eq3A_208, %scan3A_94#9, %broadcast_in_dim3A_210 : vector<16xi1>, vector<16xi32>
    %reduce_min3A_212 = arith.constant true
    %reduce_min3A_213 = vector.broadcast %reduce_min3A_212 : i1 to vector<16xi1>
    %reduce_min3A_214 = arith.constant -2147483648 : i32
    %reduce_min3A_215 = vector.broadcast %reduce_min3A_214 : i32 to vector<16xi32>
    %reduce_min3A_216 = arith.xori %select_n3A_211, %reduce_min3A_215 : vector<16xi32>
    %reduce_min3A_217 = tpu.scan <min>, %reduce_min3A_216 masked %reduce_min3A_213 : vector<16xi32>, vector<16xi1> -> vector<16xi32>
    %reduce_min3A_218 = arith.xori %reduce_min3A_217, %reduce_min3A_215 : vector<16xi32>
    %reduce_min3A_219 = vector.extract %reduce_min3A_218[15] : i32 from vector<16xi32>
    %eq3A_220 = arith.constant 4 : i32
    %eq3A_221 = vector.broadcast %eq3A_220 : i32 to vector<16xi32>
    %eq3A_222 = arith.cmpi eq, %iota3A, %eq3A_221 : vector<16xi32>
    %broadcast_in_dim3A_223 = vector.broadcast %reduce_max3A_206 : f32 to vector<16xf32>
    %select_n3A_224 = arith.select %eq3A_222, %broadcast_in_dim3A_223, %select_n3A_197 : vector<16xi1>, vector<16xf32>
    %eq3A_225 = arith.constant 4 : i32
    %eq3A_226 = vector.broadcast %eq3A_225 : i32 to vector<16xi32>
    %eq3A_227 = arith.cmpi eq, %iota3A, %eq3A_226 : vector<16xi32>
    %broadcast_in_dim3A_228 = vector.broadcast %reduce_min3A_219 : i32 to vector<16xi32>
    %select_n3A_229 = arith.select %eq3A_227, %broadcast_in_dim3A_228, %select_n3A_202 : vector<16xi1>, vector<16xi32>
    %reduce_max3A_230 = arith.constant true
    %reduce_max3A_231 = vector.broadcast %reduce_max3A_230 : i1 to vector<16xi1>
    %reduce_max3A_232 = tpu.scan <max>, %scan3A_94#10 masked %reduce_max3A_231 : vector<16xf32>, vector<16xi1> -> vector<16xf32>
    %reduce_max3A_233 = vector.extract %reduce_max3A_232[15] : f32 from vector<16xf32>
    %eq3A_234 = vector.broadcast %reduce_max3A_233 : f32 to vector<16xf32>
    %eq3A_235 = arith.cmpf oeq, %scan3A_94#10, %eq3A_234 : vector<16xf32>
    %jit3A_236 = arith.constant 1073741824 : i32
    %broadcast_in_dim3A_237 = vector.broadcast %jit3A_236 : i32 to vector<16xi32>
    %select_n3A_238 = arith.select %eq3A_235, %scan3A_94#11, %broadcast_in_dim3A_237 : vector<16xi1>, vector<16xi32>
    %reduce_min3A_239 = arith.constant true
    %reduce_min3A_240 = vector.broadcast %reduce_min3A_239 : i1 to vector<16xi1>
    %reduce_min3A_241 = arith.constant -2147483648 : i32
    %reduce_min3A_242 = vector.broadcast %reduce_min3A_241 : i32 to vector<16xi32>
    %reduce_min3A_243 = arith.xori %select_n3A_238, %reduce_min3A_242 : vector<16xi32>
    %reduce_min3A_244 = tpu.scan <min>, %reduce_min3A_243 masked %reduce_min3A_240 : vector<16xi32>, vector<16xi1> -> vector<16xi32>
    %reduce_min3A_245 = arith.xori %reduce_min3A_244, %reduce_min3A_242 : vector<16xi32>
    %reduce_min3A_246 = vector.extract %reduce_min3A_245[15] : i32 from vector<16xi32>
    %eq3A_247 = arith.constant 5 : i32
    %eq3A_248 = vector.broadcast %eq3A_247 : i32 to vector<16xi32>
    %eq3A_249 = arith.cmpi eq, %iota3A, %eq3A_248 : vector<16xi32>
    %broadcast_in_dim3A_250 = vector.broadcast %reduce_max3A_233 : f32 to vector<16xf32>
    %select_n3A_251 = arith.select %eq3A_249, %broadcast_in_dim3A_250, %select_n3A_224 : vector<16xi1>, vector<16xf32>
    %eq3A_252 = arith.constant 5 : i32
    %eq3A_253 = vector.broadcast %eq3A_252 : i32 to vector<16xi32>
    %eq3A_254 = arith.cmpi eq, %iota3A, %eq3A_253 : vector<16xi32>
    %broadcast_in_dim3A_255 = vector.broadcast %reduce_min3A_246 : i32 to vector<16xi32>
    %select_n3A_256 = arith.select %eq3A_254, %broadcast_in_dim3A_255, %select_n3A_229 : vector<16xi1>, vector<16xi32>
    %reduce_max3A_257 = arith.constant true
    %reduce_max3A_258 = vector.broadcast %reduce_max3A_257 : i1 to vector<16xi1>
    %reduce_max3A_259 = tpu.scan <max>, %scan3A_94#12 masked %reduce_max3A_258 : vector<16xf32>, vector<16xi1> -> vector<16xf32>
    %reduce_max3A_260 = vector.extract %reduce_max3A_259[15] : f32 from vector<16xf32>
    %eq3A_261 = vector.broadcast %reduce_max3A_260 : f32 to vector<16xf32>
    %eq3A_262 = arith.cmpf oeq, %scan3A_94#12, %eq3A_261 : vector<16xf32>
    %jit3A_263 = arith.constant 1073741824 : i32
    %broadcast_in_dim3A_264 = vector.broadcast %jit3A_263 : i32 to vector<16xi32>
    %select_n3A_265 = arith.select %eq3A_262, %scan3A_94#13, %broadcast_in_dim3A_264 : vector<16xi1>, vector<16xi32>
    %reduce_min3A_266 = arith.constant true
    %reduce_min3A_267 = vector.broadcast %reduce_min3A_266 : i1 to vector<16xi1>
    %reduce_min3A_268 = arith.constant -2147483648 : i32
    %reduce_min3A_269 = vector.broadcast %reduce_min3A_268 : i32 to vector<16xi32>
    %reduce_min3A_270 = arith.xori %select_n3A_265, %reduce_min3A_269 : vector<16xi32>
    %reduce_min3A_271 = tpu.scan <min>, %reduce_min3A_270 masked %reduce_min3A_267 : vector<16xi32>, vector<16xi1> -> vector<16xi32>
    %reduce_min3A_272 = arith.xori %reduce_min3A_271, %reduce_min3A_269 : vector<16xi32>
    %reduce_min3A_273 = vector.extract %reduce_min3A_272[15] : i32 from vector<16xi32>
    %eq3A_274 = arith.constant 6 : i32
    %eq3A_275 = vector.broadcast %eq3A_274 : i32 to vector<16xi32>
    %eq3A_276 = arith.cmpi eq, %iota3A, %eq3A_275 : vector<16xi32>
    %broadcast_in_dim3A_277 = vector.broadcast %reduce_max3A_260 : f32 to vector<16xf32>
    %select_n3A_278 = arith.select %eq3A_276, %broadcast_in_dim3A_277, %select_n3A_251 : vector<16xi1>, vector<16xf32>
    %eq3A_279 = arith.constant 6 : i32
    %eq3A_280 = vector.broadcast %eq3A_279 : i32 to vector<16xi32>
    %eq3A_281 = arith.cmpi eq, %iota3A, %eq3A_280 : vector<16xi32>
    %broadcast_in_dim3A_282 = vector.broadcast %reduce_min3A_273 : i32 to vector<16xi32>
    %select_n3A_283 = arith.select %eq3A_281, %broadcast_in_dim3A_282, %select_n3A_256 : vector<16xi1>, vector<16xi32>
    %reduce_max3A_284 = arith.constant true
    %reduce_max3A_285 = vector.broadcast %reduce_max3A_284 : i1 to vector<16xi1>
    %reduce_max3A_286 = tpu.scan <max>, %scan3A_94#14 masked %reduce_max3A_285 : vector<16xf32>, vector<16xi1> -> vector<16xf32>
    %reduce_max3A_287 = vector.extract %reduce_max3A_286[15] : f32 from vector<16xf32>
    %eq3A_288 = vector.broadcast %reduce_max3A_287 : f32 to vector<16xf32>
    %eq3A_289 = arith.cmpf oeq, %scan3A_94#14, %eq3A_288 : vector<16xf32>
    %jit3A_290 = arith.constant 1073741824 : i32
    %broadcast_in_dim3A_291 = vector.broadcast %jit3A_290 : i32 to vector<16xi32>
    %select_n3A_292 = arith.select %eq3A_289, %scan3A_94#15, %broadcast_in_dim3A_291 : vector<16xi1>, vector<16xi32>
    %reduce_min3A_293 = arith.constant true
    %reduce_min3A_294 = vector.broadcast %reduce_min3A_293 : i1 to vector<16xi1>
    %reduce_min3A_295 = arith.constant -2147483648 : i32
    %reduce_min3A_296 = vector.broadcast %reduce_min3A_295 : i32 to vector<16xi32>
    %reduce_min3A_297 = arith.xori %select_n3A_292, %reduce_min3A_296 : vector<16xi32>
    %reduce_min3A_298 = tpu.scan <min>, %reduce_min3A_297 masked %reduce_min3A_294 : vector<16xi32>, vector<16xi1> -> vector<16xi32>
    %reduce_min3A_299 = arith.xori %reduce_min3A_298, %reduce_min3A_296 : vector<16xi32>
    %reduce_min3A_300 = vector.extract %reduce_min3A_299[15] : i32 from vector<16xi32>
    %eq3A_301 = arith.constant 7 : i32
    %eq3A_302 = vector.broadcast %eq3A_301 : i32 to vector<16xi32>
    %eq3A_303 = arith.cmpi eq, %iota3A, %eq3A_302 : vector<16xi32>
    %broadcast_in_dim3A_304 = vector.broadcast %reduce_max3A_287 : f32 to vector<16xf32>
    %select_n3A_305 = arith.select %eq3A_303, %broadcast_in_dim3A_304, %select_n3A_278 : vector<16xi1>, vector<16xf32>
    %eq3A_306 = arith.constant 7 : i32
    %eq3A_307 = vector.broadcast %eq3A_306 : i32 to vector<16xi32>
    %eq3A_308 = arith.cmpi eq, %iota3A, %eq3A_307 : vector<16xi32>
    %broadcast_in_dim3A_309 = vector.broadcast %reduce_min3A_300 : i32 to vector<16xi32>
    %select_n3A_310 = arith.select %eq3A_308, %broadcast_in_dim3A_309, %select_n3A_283 : vector<16xi1>, vector<16xi32>
    %swap3A = arith.constant 0 : index
    %swap3A_311 = tpu.vector_load %arg11[%swap3A] {strides = array<i32>} : memref<16xf32, #tpu.memory_space<vmem>>, vector<16xf32>,
    tpu.vector_store %arg11[%swap3A], %select_n3A_305 {strides = array<i32>} : memref<16xf32, #tpu.memory_space<vmem>>, vector<16xf32>,
    %bitcast3A = vector.bitcast %select_n3A_310 : vector<16xi32> to vector<16xf32>
    %swap3A_312 = arith.constant 0 : index
    %swap3A_313 = tpu.vector_load %arg12[%swap3A_312] {strides = array<i32>} : memref<16xf32, #tpu.memory_space<vmem>>, vector<16xf32>,
    tpu.vector_store %arg12[%swap3A_312], %bitcast3A {strides = array<i32>} : memref<16xf32, #tpu.memory_space<vmem>>, vector<16xf32>,
    %mul3A_314 = arith.constant 16 : i32
    %mul3A_315 = arith.muli %arg0, %mul3A_314 : i32
    %add3A_316 = arith.addi %mul3A_315, %arg1 : i32
    %mul3A_317 = arith.constant 32 : i32
    %mul3A_318 = arith.muli %add3A_316, %mul3A_317 : i32
    %multiple_of3A_319 = tpu.assume_multiple %mul3A_318, 8 : i32
    "tpu.region"() ({
      %run_scoped3A = tpu.sem_alloc : memref<!tpu.dma_semaphore, #tpu.memory_space<semaphore_mem>>
      %dma_start3A_530 = tpu.memref_slice %arg8[%multiple_of3A_319] : memref<1024xf32, #tpu.memory_space<hbm>> -> memref<16xf32, #tpu.memory_space<hbm>>
      %dma_start3A_531 = tpu.memref_slice %arg8[%multiple_of3A_319] : memref<1024xf32, #tpu.memory_space<hbm>> -> memref<16xf32, #tpu.memory_space<hbm>>
      tpu.enqueue_dma source(%arg11 : memref<16xf32, #tpu.memory_space<vmem>>) target(%dma_start3A_531 : memref<16xf32, #tpu.memory_space<hbm>>) target_semaphore(%run_scoped3A : memref<!tpu.dma_semaphore, #tpu.memory_space<semaphore_mem>>)
      %dma_wait3A_532 = tpu.memref_slice %arg8[%multiple_of3A_319] : memref<1024xf32, #tpu.memory_space<hbm>> -> memref<16xf32, #tpu.memory_space<hbm>>
      %dma_wait3A_533 = tpu.memref_slice %arg8[%multiple_of3A_319] : memref<1024xf32, #tpu.memory_space<hbm>> -> memref<16xf32, #tpu.memory_space<hbm>>
      tpu.wait_dma2 semaphore(%run_scoped3A : memref<!tpu.dma_semaphore, #tpu.memory_space<semaphore_mem>>) src(%arg11 : memref<16xf32, #tpu.memory_space<vmem>>) dst(%dma_wait3A_533 : memref<16xf32, #tpu.memory_space<hbm>>)
      tpu.yield
    }) : () -> ()
    %mul3A_320 = arith.constant 32 : i32
    %mul3A_321 = arith.muli %add3A_316, %mul3A_320 : i32
    %add3A_322 = arith.constant 16 : i32
    %add3A_323 = arith.addi %mul3A_321, %add3A_322 : i32
    %multiple_of3A_324 = tpu.assume_multiple %add3A_323, 8 : i32
    "tpu.region"() ({
      %run_scoped3A = tpu.sem_alloc : memref<!tpu.dma_semaphore, #tpu.memory_space<semaphore_mem>>
      %dma_start3A_530 = tpu.memref_slice %arg8[%multiple_of3A_324] : memref<1024xf32, #tpu.memory_space<hbm>> -> memref<16xf32, #tpu.memory_space<hbm>>
      %dma_start3A_531 = tpu.memref_slice %arg8[%multiple_of3A_324] : memref<1024xf32, #tpu.memory_space<hbm>> -> memref<16xf32, #tpu.memory_space<hbm>>
      tpu.enqueue_dma source(%arg12 : memref<16xf32, #tpu.memory_space<vmem>>) target(%dma_start3A_531 : memref<16xf32, #tpu.memory_space<hbm>>) target_semaphore(%run_scoped3A : memref<!tpu.dma_semaphore, #tpu.memory_space<semaphore_mem>>)
      %dma_wait3A_532 = tpu.memref_slice %arg8[%multiple_of3A_324] : memref<1024xf32, #tpu.memory_space<hbm>> -> memref<16xf32, #tpu.memory_space<hbm>>
      %dma_wait3A_533 = tpu.memref_slice %arg8[%multiple_of3A_324] : memref<1024xf32, #tpu.memory_space<hbm>> -> memref<16xf32, #tpu.memory_space<hbm>>
      tpu.wait_dma2 semaphore(%run_scoped3A : memref<!tpu.dma_semaphore, #tpu.memory_space<semaphore_mem>>) src(%arg12 : memref<16xf32, #tpu.memory_space<vmem>>) dst(%dma_wait3A_533 : memref<16xf32, #tpu.memory_space<hbm>>)
      tpu.yield
    }) : () -> ()
    %barrier3A = arith.constant 0 : index
    tpu.barrier barrier_id(%barrier3A)
    %mul3A_325 = arith.constant 16 : i32
    %mul3A_326 = arith.muli %arg0, %mul3A_325 : i32
    %and3A_327 = arith.constant -4 : i32
    %and3A_328 = arith.andi %arg1, %and3A_327 : i32
    %add3A_329 = arith.addi %mul3A_326, %and3A_328 : i32
    %mul3A_330 = arith.constant 32 : i32
    %mul3A_331 = arith.muli %add3A_329, %mul3A_330 : i32
    %multiple_of3A_332 = tpu.assume_multiple %mul3A_331, 8 : i32
    "tpu.region"() ({
      %run_scoped3A = tpu.sem_alloc : memref<!tpu.dma_semaphore, #tpu.memory_space<semaphore_mem>>
      %dma_start3A_530 = tpu.memref_slice %arg8[%multiple_of3A_332] : memref<1024xf32, #tpu.memory_space<hbm>> -> memref<128xf32, #tpu.memory_space<hbm>>
      %dma_start3A_531 = tpu.memref_slice %arg8[%multiple_of3A_332] : memref<1024xf32, #tpu.memory_space<hbm>> -> memref<128xf32, #tpu.memory_space<hbm>>
      tpu.enqueue_dma source(%dma_start3A_531 : memref<128xf32, #tpu.memory_space<hbm>>) target(%arg13 : memref<128xf32, #tpu.memory_space<vmem>>) target_semaphore(%run_scoped3A : memref<!tpu.dma_semaphore, #tpu.memory_space<semaphore_mem>>)
      %dma_wait3A_532 = tpu.memref_slice %arg8[%multiple_of3A_332] : memref<1024xf32, #tpu.memory_space<hbm>> -> memref<128xf32, #tpu.memory_space<hbm>>
      %dma_wait3A_533 = tpu.memref_slice %arg8[%multiple_of3A_332] : memref<1024xf32, #tpu.memory_space<hbm>> -> memref<128xf32, #tpu.memory_space<hbm>>
      tpu.wait_dma2 semaphore(%run_scoped3A : memref<!tpu.dma_semaphore, #tpu.memory_space<semaphore_mem>>) src(%dma_wait3A_533 : memref<128xf32, #tpu.memory_space<hbm>>) dst(%arg13 : memref<128xf32, #tpu.memory_space<vmem>>)
      tpu.yield
    }) : () -> ()
    %get3A = arith.constant 0 : index
    %get3A_333 = tpu.vector_load %arg13[%get3A] {strides = array<i32>} : memref<128xf32, #tpu.memory_space<vmem>>, vector<16xf32>,
    %get3A_334 = arith.constant 16 : index
    %get3A_335 = tpu.vector_load %arg13[%get3A_334] {strides = array<i32>} : memref<128xf32, #tpu.memory_space<vmem>>, vector<16xf32>,
    %bitcast3A_336 = vector.bitcast %get3A_335 : vector<16xf32> to vector<16xi32>
    %get3A_337 = arith.constant 32 : index
    %get3A_338 = tpu.vector_load %arg13[%get3A_337] {strides = array<i32>} : memref<128xf32, #tpu.memory_space<vmem>>, vector<16xf32>,
    %get3A_339 = arith.constant 48 : index
    %get3A_340 = tpu.vector_load %arg13[%get3A_339] {strides = array<i32>} : memref<128xf32, #tpu.memory_space<vmem>>, vector<16xf32>,
    %bitcast3A_341 = vector.bitcast %get3A_340 : vector<16xf32> to vector<16xi32>
    %gt3A = arith.cmpf ogt, %get3A_338, %get3A_333 : vector<16xf32>
    %select_n3A_342 = arith.select %gt3A, %get3A_338, %get3A_333 : vector<16xi1>, vector<16xf32>
    %select_n3A_343 = arith.select %gt3A, %bitcast3A_341, %bitcast3A_336 : vector<16xi1>, vector<16xi32>
    %get3A_344 = arith.constant 64 : index
    %get3A_345 = tpu.vector_load %arg13[%get3A_344] {strides = array<i32>} : memref<128xf32, #tpu.memory_space<vmem>>, vector<16xf32>,
    %get3A_346 = arith.constant 80 : index
    %get3A_347 = tpu.vector_load %arg13[%get3A_346] {strides = array<i32>} : memref<128xf32, #tpu.memory_space<vmem>>, vector<16xf32>,
    %bitcast3A_348 = vector.bitcast %get3A_347 : vector<16xf32> to vector<16xi32>
    %gt3A_349 = arith.cmpf ogt, %get3A_345, %select_n3A_342 : vector<16xf32>
    %select_n3A_350 = arith.select %gt3A_349, %get3A_345, %select_n3A_342 : vector<16xi1>, vector<16xf32>
    %select_n3A_351 = arith.select %gt3A_349, %bitcast3A_348, %select_n3A_343 : vector<16xi1>, vector<16xi32>
    %get3A_352 = arith.constant 96 : index
    %get3A_353 = tpu.vector_load %arg13[%get3A_352] {strides = array<i32>} : memref<128xf32, #tpu.memory_space<vmem>>, vector<16xf32>,
    %get3A_354 = arith.constant 112 : index
    %get3A_355 = tpu.vector_load %arg13[%get3A_354] {strides = array<i32>} : memref<128xf32, #tpu.memory_space<vmem>>, vector<16xf32>,
    %bitcast3A_356 = vector.bitcast %get3A_355 : vector<16xf32> to vector<16xi32>
    %gt3A_357 = arith.cmpf ogt, %get3A_353, %select_n3A_350 : vector<16xf32>
    %select_n3A_358 = arith.select %gt3A_357, %get3A_353, %select_n3A_350 : vector<16xi1>, vector<16xf32>
    %select_n3A_359 = arith.select %gt3A_357, %bitcast3A_356, %select_n3A_351 : vector<16xi1>, vector<16xi32>
    %jit3A_360 = arith.constant 0 : i32
    %jit3A_361 = arith.constant 32767 : i32
    %max3A = vector.broadcast %jit3A_360 : i32 to vector<16xi32>
    %max3A_362 = arith.maxsi %max3A, %select_n3A_359 : vector<16xi32>
    %min3A = vector.broadcast %jit3A_361 : i32 to vector<16xi32>
    %min3A_363 = arith.minsi %min3A, %max3A_362 : vector<16xi32>
    %and3A_364 = arith.constant 127 : i32
    %and3A_365 = vector.broadcast %and3A_364 : i32 to vector<16xi32>
    %and3A_366 = arith.andi %min3A_363, %and3A_365 : vector<16xi32>
    %eq3A_367 = arith.constant 0 : i32
    %eq3A_368 = vector.broadcast %eq3A_367 : i32 to vector<16xi32>
    %eq3A_369 = arith.cmpi eq, %iota3A, %eq3A_368 : vector<16xi32>
    %jit3A_370 = arith.constant 0 : i32
    %broadcast_in_dim3A_371 = vector.broadcast %jit3A_370 : i32 to vector<16xi32>
    %select_n3A_372 = arith.select %eq3A_369, %min3A_363, %broadcast_in_dim3A_371 : vector<16xi1>, vector<16xi32>
    %reduce_max3A_373 = arith.constant true
    %reduce_max3A_374 = vector.broadcast %reduce_max3A_373 : i1 to vector<16xi1>
    %reduce_max3A_375 = arith.constant -2147483648 : i32
    %reduce_max3A_376 = vector.broadcast %reduce_max3A_375 : i32 to vector<16xi32>
    %reduce_max3A_377 = arith.xori %select_n3A_372, %reduce_max3A_376 : vector<16xi32>
    %reduce_max3A_378 = tpu.scan <max>, %reduce_max3A_377 masked %reduce_max3A_374 : vector<16xi32>, vector<16xi1> -> vector<16xi32>
    %reduce_max3A_379 = arith.xori %reduce_max3A_378, %reduce_max3A_376 : vector<16xi32>
    %reduce_max3A_380 = vector.extract %reduce_max3A_379[15] : i32 from vector<16xi32>
    %shift_right_arithmetic3A_381 = arith.constant 7 : i32
    %shift_right_arithmetic3A_382 = arith.shrsi %reduce_max3A_380, %shift_right_arithmetic3A_381 : i32
    %shift_left3A = arith.constant 7 : i32
    %shift_left3A_383 = arith.shli %shift_right_arithmetic3A_382, %shift_left3A : i32
    %multiple_of3A_384 = tpu.assume_multiple %shift_left3A_383, 128 : i32
    %eq3A_385 = arith.constant 1 : i32
    %eq3A_386 = vector.broadcast %eq3A_385 : i32 to vector<16xi32>
    %eq3A_387 = arith.cmpi eq, %iota3A, %eq3A_386 : vector<16xi32>
    %jit3A_388 = arith.constant 0 : i32
    %broadcast_in_dim3A_389 = vector.broadcast %jit3A_388 : i32 to vector<16xi32>
    %select_n3A_390 = arith.select %eq3A_387, %min3A_363, %broadcast_in_dim3A_389 : vector<16xi1>, vector<16xi32>
    %reduce_max3A_391 = arith.constant true
    %reduce_max3A_392 = vector.broadcast %reduce_max3A_391 : i1 to vector<16xi1>
    %reduce_max3A_393 = arith.constant -2147483648 : i32
    %reduce_max3A_394 = vector.broadcast %reduce_max3A_393 : i32 to vector<16xi32>
    %reduce_max3A_395 = arith.xori %select_n3A_390, %reduce_max3A_394 : vector<16xi32>
    %reduce_max3A_396 = tpu.scan <max>, %reduce_max3A_395 masked %reduce_max3A_392 : vector<16xi32>, vector<16xi1> -> vector<16xi32>
    %reduce_max3A_397 = arith.xori %reduce_max3A_396, %reduce_max3A_394 : vector<16xi32>
    %reduce_max3A_398 = vector.extract %reduce_max3A_397[15] : i32 from vector<16xi32>
    %shift_right_arithmetic3A_399 = arith.constant 7 : i32
    %shift_right_arithmetic3A_400 = arith.shrsi %reduce_max3A_398, %shift_right_arithmetic3A_399 : i32
    %shift_left3A_401 = arith.constant 7 : i32
    %shift_left3A_402 = arith.shli %shift_right_arithmetic3A_400, %shift_left3A_401 : i32
    %multiple_of3A_403 = tpu.assume_multiple %shift_left3A_402, 128 : i32
    %eq3A_404 = arith.constant 2 : i32
    %eq3A_405 = vector.broadcast %eq3A_404 : i32 to vector<16xi32>
    %eq3A_406 = arith.cmpi eq, %iota3A, %eq3A_405 : vector<16xi32>
    %jit3A_407 = arith.constant 0 : i32
    %broadcast_in_dim3A_408 = vector.broadcast %jit3A_407 : i32 to vector<16xi32>
    %select_n3A_409 = arith.select %eq3A_406, %min3A_363, %broadcast_in_dim3A_408 : vector<16xi1>, vector<16xi32>
    %reduce_max3A_410 = arith.constant true
    %reduce_max3A_411 = vector.broadcast %reduce_max3A_410 : i1 to vector<16xi1>
    %reduce_max3A_412 = arith.constant -2147483648 : i32
    %reduce_max3A_413 = vector.broadcast %reduce_max3A_412 : i32 to vector<16xi32>
    %reduce_max3A_414 = arith.xori %select_n3A_409, %reduce_max3A_413 : vector<16xi32>
    %reduce_max3A_415 = tpu.scan <max>, %reduce_max3A_414 masked %reduce_max3A_411 : vector<16xi32>, vector<16xi1> -> vector<16xi32>
    %reduce_max3A_416 = arith.xori %reduce_max3A_415, %reduce_max3A_413 : vector<16xi32>
    %reduce_max3A_417 = vector.extract %reduce_max3A_416[15] : i32 from vector<16xi32>
    %shift_right_arithmetic3A_418 = arith.constant 7 : i32
    %shift_right_arithmetic3A_419 = arith.shrsi %reduce_max3A_417, %shift_right_arithmetic3A_418 : i32
    %shift_left3A_420 = arith.constant 7 : i32
    %shift_left3A_421 = arith.shli %shift_right_arithmetic3A_419, %shift_left3A_420 : i32
    %multiple_of3A_422 = tpu.assume_multiple %shift_left3A_421, 128 : i32
    %eq3A_423 = arith.constant 3 : i32
    %eq3A_424 = vector.broadcast %eq3A_423 : i32 to vector<16xi32>
    %eq3A_425 = arith.cmpi eq, %iota3A, %eq3A_424 : vector<16xi32>
    %jit3A_426 = arith.constant 0 : i32
    %broadcast_in_dim3A_427 = vector.broadcast %jit3A_426 : i32 to vector<16xi32>
    %select_n3A_428 = arith.select %eq3A_425, %min3A_363, %broadcast_in_dim3A_427 : vector<16xi1>, vector<16xi32>
    %reduce_max3A_429 = arith.constant true
    %reduce_max3A_430 = vector.broadcast %reduce_max3A_429 : i1 to vector<16xi1>
    %reduce_max3A_431 = arith.constant -2147483648 : i32
    %reduce_max3A_432 = vector.broadcast %reduce_max3A_431 : i32 to vector<16xi32>
    %reduce_max3A_433 = arith.xori %select_n3A_428, %reduce_max3A_432 : vector<16xi32>
    %reduce_max3A_434 = tpu.scan <max>, %reduce_max3A_433 masked %reduce_max3A_430 : vector<16xi32>, vector<16xi1> -> vector<16xi32>
    %reduce_max3A_435 = arith.xori %reduce_max3A_434, %reduce_max3A_432 : vector<16xi32>
    %reduce_max3A_436 = vector.extract %reduce_max3A_435[15] : i32 from vector<16xi32>
    %shift_right_arithmetic3A_437 = arith.constant 7 : i32
    %shift_right_arithmetic3A_438 = arith.shrsi %reduce_max3A_436, %shift_right_arithmetic3A_437 : i32
    %shift_left3A_439 = arith.constant 7 : i32
    %shift_left3A_440 = arith.shli %shift_right_arithmetic3A_438, %shift_left3A_439 : i32
    %multiple_of3A_441 = tpu.assume_multiple %shift_left3A_440, 128 : i32
    %eq3A_442 = arith.constant 4 : i32
    %eq3A_443 = vector.broadcast %eq3A_442 : i32 to vector<16xi32>
    %eq3A_444 = arith.cmpi eq, %iota3A, %eq3A_443 : vector<16xi32>
    %jit3A_445 = arith.constant 0 : i32
    %broadcast_in_dim3A_446 = vector.broadcast %jit3A_445 : i32 to vector<16xi32>
    %select_n3A_447 = arith.select %eq3A_444, %min3A_363, %broadcast_in_dim3A_446 : vector<16xi1>, vector<16xi32>
    %reduce_max3A_448 = arith.constant true
    %reduce_max3A_449 = vector.broadcast %reduce_max3A_448 : i1 to vector<16xi1>
    %reduce_max3A_450 = arith.constant -2147483648 : i32
    %reduce_max3A_451 = vector.broadcast %reduce_max3A_450 : i32 to vector<16xi32>
    %reduce_max3A_452 = arith.xori %select_n3A_447, %reduce_max3A_451 : vector<16xi32>
    %reduce_max3A_453 = tpu.scan <max>, %reduce_max3A_452 masked %reduce_max3A_449 : vector<16xi32>, vector<16xi1> -> vector<16xi32>
    %reduce_max3A_454 = arith.xori %reduce_max3A_453, %reduce_max3A_451 : vector<16xi32>
    %reduce_max3A_455 = vector.extract %reduce_max3A_454[15] : i32 from vector<16xi32>
    %shift_right_arithmetic3A_456 = arith.constant 7 : i32
    %shift_right_arithmetic3A_457 = arith.shrsi %reduce_max3A_455, %shift_right_arithmetic3A_456 : i32
    %shift_left3A_458 = arith.constant 7 : i32
    %shift_left3A_459 = arith.shli %shift_right_arithmetic3A_457, %shift_left3A_458 : i32
    %multiple_of3A_460 = tpu.assume_multiple %shift_left3A_459, 128 : i32
    %eq3A_461 = arith.constant 5 : i32
    %eq3A_462 = vector.broadcast %eq3A_461 : i32 to vector<16xi32>
    %eq3A_463 = arith.cmpi eq, %iota3A, %eq3A_462 : vector<16xi32>
    %jit3A_464 = arith.constant 0 : i32
    %broadcast_in_dim3A_465 = vector.broadcast %jit3A_464 : i32 to vector<16xi32>
    %select_n3A_466 = arith.select %eq3A_463, %min3A_363, %broadcast_in_dim3A_465 : vector<16xi1>, vector<16xi32>
    %reduce_max3A_467 = arith.constant true
    %reduce_max3A_468 = vector.broadcast %reduce_max3A_467 : i1 to vector<16xi1>
    %reduce_max3A_469 = arith.constant -2147483648 : i32
    %reduce_max3A_470 = vector.broadcast %reduce_max3A_469 : i32 to vector<16xi32>
    %reduce_max3A_471 = arith.xori %select_n3A_466, %reduce_max3A_470 : vector<16xi32>
    %reduce_max3A_472 = tpu.scan <max>, %reduce_max3A_471 masked %reduce_max3A_468 : vector<16xi32>, vector<16xi1> -> vector<16xi32>
    %reduce_max3A_473 = arith.xori %reduce_max3A_472, %reduce_max3A_470 : vector<16xi32>
    %reduce_max3A_474 = vector.extract %reduce_max3A_473[15] : i32 from vector<16xi32>
    %shift_right_arithmetic3A_475 = arith.constant 7 : i32
    %shift_right_arithmetic3A_476 = arith.shrsi %reduce_max3A_474, %shift_right_arithmetic3A_475 : i32
    %shift_left3A_477 = arith.constant 7 : i32
    %shift_left3A_478 = arith.shli %shift_right_arithmetic3A_476, %shift_left3A_477 : i32
    %multiple_of3A_479 = tpu.assume_multiple %shift_left3A_478, 128 : i32
    %eq3A_480 = arith.constant 6 : i32
    %eq3A_481 = vector.broadcast %eq3A_480 : i32 to vector<16xi32>
    %eq3A_482 = arith.cmpi eq, %iota3A, %eq3A_481 : vector<16xi32>
    %jit3A_483 = arith.constant 0 : i32
    %broadcast_in_dim3A_484 = vector.broadcast %jit3A_483 : i32 to vector<16xi32>
    %select_n3A_485 = arith.select %eq3A_482, %min3A_363, %broadcast_in_dim3A_484 : vector<16xi1>, vector<16xi32>
    %reduce_max3A_486 = arith.constant true
    %reduce_max3A_487 = vector.broadcast %reduce_max3A_486 : i1 to vector<16xi1>
    %reduce_max3A_488 = arith.constant -2147483648 : i32
    %reduce_max3A_489 = vector.broadcast %reduce_max3A_488 : i32 to vector<16xi32>
    %reduce_max3A_490 = arith.xori %select_n3A_485, %reduce_max3A_489 : vector<16xi32>
    %reduce_max3A_491 = tpu.scan <max>, %reduce_max3A_490 masked %reduce_max3A_487 : vector<16xi32>, vector<16xi1> -> vector<16xi32>
    %reduce_max3A_492 = arith.xori %reduce_max3A_491, %reduce_max3A_489 : vector<16xi32>
    %reduce_max3A_493 = vector.extract %reduce_max3A_492[15] : i32 from vector<16xi32>
    %shift_right_arithmetic3A_494 = arith.constant 7 : i32
    %shift_right_arithmetic3A_495 = arith.shrsi %reduce_max3A_493, %shift_right_arithmetic3A_494 : i32
    %shift_left3A_496 = arith.constant 7 : i32
    %shift_left3A_497 = arith.shli %shift_right_arithmetic3A_495, %shift_left3A_496 : i32
    %multiple_of3A_498 = tpu.assume_multiple %shift_left3A_497, 128 : i32
    %eq3A_499 = arith.constant 7 : i32
    %eq3A_500 = vector.broadcast %eq3A_499 : i32 to vector<16xi32>
    %eq3A_501 = arith.cmpi eq, %iota3A, %eq3A_500 : vector<16xi32>
    %jit3A_502 = arith.constant 0 : i32
    %broadcast_in_dim3A_503 = vector.broadcast %jit3A_502 : i32 to vector<16xi32>
    %select_n3A_504 = arith.select %eq3A_501, %min3A_363, %broadcast_in_dim3A_503 : vector<16xi1>, vector<16xi32>
    %reduce_max3A_505 = arith.constant true
    %reduce_max3A_506 = vector.broadcast %reduce_max3A_505 : i1 to vector<16xi1>
    %reduce_max3A_507 = arith.constant -2147483648 : i32
    %reduce_max3A_508 = vector.broadcast %reduce_max3A_507 : i32 to vector<16xi32>
    %reduce_max3A_509 = arith.xori %select_n3A_504, %reduce_max3A_508 : vector<16xi32>
    %reduce_max3A_510 = tpu.scan <max>, %reduce_max3A_509 masked %reduce_max3A_506 : vector<16xi32>, vector<16xi1> -> vector<16xi32>
    %reduce_max3A_511 = arith.xori %reduce_max3A_510, %reduce_max3A_508 : vector<16xi32>
    %reduce_max3A_512 = vector.extract %reduce_max3A_511[15] : i32 from vector<16xi32>
    %shift_right_arithmetic3A_513 = arith.constant 7 : i32
    %shift_right_arithmetic3A_514 = arith.shrsi %reduce_max3A_512, %shift_right_arithmetic3A_513 : i32
    %shift_left3A_515 = arith.constant 7 : i32
    %shift_left3A_516 = arith.shli %shift_right_arithmetic3A_514, %shift_left3A_515 : i32
    %multiple_of3A_517 = tpu.assume_multiple %shift_left3A_516, 128 : i32
    %lt3A = arith.constant 2 : i32
    %lt3A_518 = arith.cmpi slt, %and3A_2, %lt3A : i32
    %convert_element_type3A = arith.extui %lt3A_518 : i1 to i32
    %cond3A = arith.constant 0 : i32
    %cond3A_519 = arith.cmpi ne, %convert_element_type3A, %cond3A : i32
    scf.if %cond3A_519 {
      %mul3A_530 = arith.constant 2 : i32
      %mul3A_531 = arith.muli %and3A_2, %mul3A_530 : i32
      %add3A_532 = arith.constant 1 : i32
      %add3A_533 = arith.addi %add3A_532, %mul3A_531 : i32
      %add3A_534 = arith.constant 0 : i32
      %add3A_535 = arith.addi %add3A_533, %add3A_534 : i32
      %dma_start3A_536 = arith.constant 0 : i32
      %dma_start3A_537 = arith.constant 0 : i32
      %dma_start3A_538 = arith.constant 0 : i32
      %dma_start3A_539 = tpu.memref_slice %arg14[%dma_start3A_536, %dma_start3A_537, %dma_start3A_538] : memref<16x8x128xf32, #tpu.memory_space<vmem>> -> memref<1x8x128xf32, #tpu.memory_space<vmem>>
      %dma_start3A_540 = tpu.memref_squeeze %dma_start3A_539 : memref<1x8x128xf32, #tpu.memory_space<vmem>> -> memref<8x128xf32, #tpu.memory_space<vmem>>
      %dma_start3A_541 = tpu.memref_slice %arg2[%add3A_535, %multiple_of3A, %multiple_of3A_384] : memref<5x64x32768xf32, #tpu.memory_space<hbm>> -> memref<1x8x128xf32, #tpu.memory_space<hbm>>
      %dma_start3A_542 = tpu.memref_squeeze %dma_start3A_541 : memref<1x8x128xf32, #tpu.memory_space<hbm>> -> memref<8x128xf32, #tpu.memory_space<hbm>>
      %dma_start3A_543 = arith.constant 0 : i32
      %dma_start3A_544 = arith.constant 0 : i32
      %dma_start3A_545 = tpu.memref_slice %arg14[%dma_start3A_536, %dma_start3A_543, %dma_start3A_544] : memref<16x8x128xf32, #tpu.memory_space<vmem>> -> memref<1x8x128xf32, #tpu.memory_space<vmem>>
      %dma_start3A_546 = tpu.memref_squeeze %dma_start3A_545 : memref<1x8x128xf32, #tpu.memory_space<vmem>> -> memref<8x128xf32, #tpu.memory_space<vmem>>
      %dma_start3A_547 = tpu.memref_slice %arg2[%add3A_535, %multiple_of3A, %multiple_of3A_384] : memref<5x64x32768xf32, #tpu.memory_space<hbm>> -> memref<1x8x128xf32, #tpu.memory_space<hbm>>
      %dma_start3A_548 = tpu.memref_squeeze %dma_start3A_547 : memref<1x8x128xf32, #tpu.memory_space<hbm>> -> memref<8x128xf32, #tpu.memory_space<hbm>>
      tpu.enqueue_dma source(%dma_start3A_548 : memref<8x128xf32, #tpu.memory_space<hbm>>) target(%dma_start3A_546 : memref<8x128xf32, #tpu.memory_space<vmem>>) target_semaphore(%arg19 : memref<!tpu.dma_semaphore, #tpu.memory_space<semaphore_mem>>)
      %add3A_549 = arith.constant 0 : i32
      %add3A_550 = arith.addi %add3A_533, %add3A_549 : i32
      %dma_start3A_551 = arith.constant 1 : i32
      %dma_start3A_552 = arith.constant 0 : i32
      %dma_start3A_553 = arith.constant 0 : i32
      %dma_start3A_554 = tpu.memref_slice %arg14[%dma_start3A_551, %dma_start3A_552, %dma_start3A_553] : memref<16x8x128xf32, #tpu.memory_space<vmem>> -> memref<1x8x128xf32, #tpu.memory_space<vmem>>
      %dma_start3A_555 = tpu.memref_squeeze %dma_start3A_554 : memref<1x8x128xf32, #tpu.memory_space<vmem>> -> memref<8x128xf32, #tpu.memory_space<vmem>>
      %dma_start3A_556 = tpu.memref_slice %arg2[%add3A_550, %multiple_of3A, %multiple_of3A_403] : memref<5x64x32768xf32, #tpu.memory_space<hbm>> -> memref<1x8x128xf32, #tpu.memory_space<hbm>>
      %dma_start3A_557 = tpu.memref_squeeze %dma_start3A_556 : memref<1x8x128xf32, #tpu.memory_space<hbm>> -> memref<8x128xf32, #tpu.memory_space<hbm>>
      %dma_start3A_558 = arith.constant 0 : i32
      %dma_start3A_559 = arith.constant 0 : i32
      %dma_start3A_560 = tpu.memref_slice %arg14[%dma_start3A_551, %dma_start3A_558, %dma_start3A_559] : memref<16x8x128xf32, #tpu.memory_space<vmem>> -> memref<1x8x128xf32, #tpu.memory_space<vmem>>
      %dma_start3A_561 = tpu.memref_squeeze %dma_start3A_560 : memref<1x8x128xf32, #tpu.memory_space<vmem>> -> memref<8x128xf32, #tpu.memory_space<vmem>>
      %dma_start3A_562 = tpu.memref_slice %arg2[%add3A_550, %multiple_of3A, %multiple_of3A_403] : memref<5x64x32768xf32, #tpu.memory_space<hbm>> -> memref<1x8x128xf32, #tpu.memory_space<hbm>>
      %dma_start3A_563 = tpu.memref_squeeze %dma_start3A_562 : memref<1x8x128xf32, #tpu.memory_space<hbm>> -> memref<8x128xf32, #tpu.memory_space<hbm>>
      tpu.enqueue_dma source(%dma_start3A_563 : memref<8x128xf32, #tpu.memory_space<hbm>>) target(%dma_start3A_561 : memref<8x128xf32, #tpu.memory_space<vmem>>) target_semaphore(%arg19 : memref<!tpu.dma_semaphore, #tpu.memory_space<semaphore_mem>>)
      %add3A_564 = arith.constant 0 : i32
      %add3A_565 = arith.addi %add3A_533, %add3A_564 : i32
      %dma_start3A_566 = arith.constant 2 : i32
      %dma_start3A_567 = arith.constant 0 : i32
      %dma_start3A_568 = arith.constant 0 : i32
      %dma_start3A_569 = tpu.memref_slice %arg14[%dma_start3A_566, %dma_start3A_567, %dma_start3A_568] : memref<16x8x128xf32, #tpu.memory_space<vmem>> -> memref<1x8x128xf32, #tpu.memory_space<vmem>>
      %dma_start3A_570 = tpu.memref_squeeze %dma_start3A_569 : memref<1x8x128xf32, #tpu.memory_space<vmem>> -> memref<8x128xf32, #tpu.memory_space<vmem>>
      %dma_start3A_571 = tpu.memref_slice %arg2[%add3A_565, %multiple_of3A, %multiple_of3A_422] : memref<5x64x32768xf32, #tpu.memory_space<hbm>> -> memref<1x8x128xf32, #tpu.memory_space<hbm>>
      %dma_start3A_572 = tpu.memref_squeeze %dma_start3A_571 : memref<1x8x128xf32, #tpu.memory_space<hbm>> -> memref<8x128xf32, #tpu.memory_space<hbm>>
      %dma_start3A_573 = arith.constant 0 : i32
      %dma_start3A_574 = arith.constant 0 : i32
      %dma_start3A_575 = tpu.memref_slice %arg14[%dma_start3A_566, %dma_start3A_573, %dma_start3A_574] : memref<16x8x128xf32, #tpu.memory_space<vmem>> -> memref<1x8x128xf32, #tpu.memory_space<vmem>>
      %dma_start3A_576 = tpu.memref_squeeze %dma_start3A_575 : memref<1x8x128xf32, #tpu.memory_space<vmem>> -> memref<8x128xf32, #tpu.memory_space<vmem>>
      %dma_start3A_577 = tpu.memref_slice %arg2[%add3A_565, %multiple_of3A, %multiple_of3A_422] : memref<5x64x32768xf32, #tpu.memory_space<hbm>> -> memref<1x8x128xf32, #tpu.memory_space<hbm>>
      %dma_start3A_578 = tpu.memref_squeeze %dma_start3A_577 : memref<1x8x128xf32, #tpu.memory_space<hbm>> -> memref<8x128xf32, #tpu.memory_space<hbm>>
      tpu.enqueue_dma source(%dma_start3A_578 : memref<8x128xf32, #tpu.memory_space<hbm>>) target(%dma_start3A_576 : memref<8x128xf32, #tpu.memory_space<vmem>>) target_semaphore(%arg19 : memref<!tpu.dma_semaphore, #tpu.memory_space<semaphore_mem>>)
      %add3A_579 = arith.constant 0 : i32
      %add3A_580 = arith.addi %add3A_533, %add3A_579 : i32
      %dma_start3A_581 = arith.constant 3 : i32
      %dma_start3A_582 = arith.constant 0 : i32
      %dma_start3A_583 = arith.constant 0 : i32
      %dma_start3A_584 = tpu.memref_slice %arg14[%dma_start3A_581, %dma_start3A_582, %dma_start3A_583] : memref<16x8x128xf32, #tpu.memory_space<vmem>> -> memref<1x8x128xf32, #tpu.memory_space<vmem>>
      %dma_start3A_585 = tpu.memref_squeeze %dma_start3A_584 : memref<1x8x128xf32, #tpu.memory_space<vmem>> -> memref<8x128xf32, #tpu.memory_space<vmem>>
      %dma_start3A_586 = tpu.memref_slice %arg2[%add3A_580, %multiple_of3A, %multiple_of3A_441] : memref<5x64x32768xf32, #tpu.memory_space<hbm>> -> memref<1x8x128xf32, #tpu.memory_space<hbm>>
      %dma_start3A_587 = tpu.memref_squeeze %dma_start3A_586 : memref<1x8x128xf32, #tpu.memory_space<hbm>> -> memref<8x128xf32, #tpu.memory_space<hbm>>
      %dma_start3A_588 = arith.constant 0 : i32
      %dma_start3A_589 = arith.constant 0 : i32
      %dma_start3A_590 = tpu.memref_slice %arg14[%dma_start3A_581, %dma_start3A_588, %dma_start3A_589] : memref<16x8x128xf32, #tpu.memory_space<vmem>> -> memref<1x8x128xf32, #tpu.memory_space<vmem>>
      %dma_start3A_591 = tpu.memref_squeeze %dma_start3A_590 : memref<1x8x128xf32, #tpu.memory_space<vmem>> -> memref<8x128xf32, #tpu.memory_space<vmem>>
      %dma_start3A_592 = tpu.memref_slice %arg2[%add3A_580, %multiple_of3A, %multiple_of3A_441] : memref<5x64x32768xf32, #tpu.memory_space<hbm>> -> memref<1x8x128xf32, #tpu.memory_space<hbm>>
      %dma_start3A_593 = tpu.memref_squeeze %dma_start3A_592 : memref<1x8x128xf32, #tpu.memory_space<hbm>> -> memref<8x128xf32, #tpu.memory_space<hbm>>
      tpu.enqueue_dma source(%dma_start3A_593 : memref<8x128xf32, #tpu.memory_space<hbm>>) target(%dma_start3A_591 : memref<8x128xf32, #tpu.memory_space<vmem>>) target_semaphore(%arg19 : memref<!tpu.dma_semaphore, #tpu.memory_space<semaphore_mem>>)
      %add3A_594 = arith.constant 0 : i32
      %add3A_595 = arith.addi %add3A_533, %add3A_594 : i32
      %dma_start3A_596 = arith.constant 4 : i32
      %dma_start3A_597 = arith.constant 0 : i32
      %dma_start3A_598 = arith.constant 0 : i32
      %dma_start3A_599 = tpu.memref_slice %arg14[%dma_start3A_596, %dma_start3A_597, %dma_start3A_598] : memref<16x8x128xf32, #tpu.memory_space<vmem>> -> memref<1x8x128xf32, #tpu.memory_space<vmem>>
      %dma_start3A_600 = tpu.memref_squeeze %dma_start3A_599 : memref<1x8x128xf32, #tpu.memory_space<vmem>> -> memref<8x128xf32, #tpu.memory_space<vmem>>
      %dma_start3A_601 = tpu.memref_slice %arg2[%add3A_595, %multiple_of3A, %multiple_of3A_460] : memref<5x64x32768xf32, #tpu.memory_space<hbm>> -> memref<1x8x128xf32, #tpu.memory_space<hbm>>
      %dma_start3A_602 = tpu.memref_squeeze %dma_start3A_601 : memref<1x8x128xf32, #tpu.memory_space<hbm>> -> memref<8x128xf32, #tpu.memory_space<hbm>>
      %dma_start3A_603 = arith.constant 0 : i32
      %dma_start3A_604 = arith.constant 0 : i32
      %dma_start3A_605 = tpu.memref_slice %arg14[%dma_start3A_596, %dma_start3A_603, %dma_start3A_604] : memref<16x8x128xf32, #tpu.memory_space<vmem>> -> memref<1x8x128xf32, #tpu.memory_space<vmem>>
      %dma_start3A_606 = tpu.memref_squeeze %dma_start3A_605 : memref<1x8x128xf32, #tpu.memory_space<vmem>> -> memref<8x128xf32, #tpu.memory_space<vmem>>
      %dma_start3A_607 = tpu.memref_slice %arg2[%add3A_595, %multiple_of3A, %multiple_of3A_460] : memref<5x64x32768xf32, #tpu.memory_space<hbm>> -> memref<1x8x128xf32, #tpu.memory_space<hbm>>
      %dma_start3A_608 = tpu.memref_squeeze %dma_start3A_607 : memref<1x8x128xf32, #tpu.memory_space<hbm>> -> memref<8x128xf32, #tpu.memory_space<hbm>>
      tpu.enqueue_dma source(%dma_start3A_608 : memref<8x128xf32, #tpu.memory_space<hbm>>) target(%dma_start3A_606 : memref<8x128xf32, #tpu.memory_space<vmem>>) target_semaphore(%arg19 : memref<!tpu.dma_semaphore, #tpu.memory_space<semaphore_mem>>)
      %add3A_609 = arith.constant 0 : i32
      %add3A_610 = arith.addi %add3A_533, %add3A_609 : i32
      %dma_start3A_611 = arith.constant 5 : i32
      %dma_start3A_612 = arith.constant 0 : i32
      %dma_start3A_613 = arith.constant 0 : i32
      %dma_start3A_614 = tpu.memref_slice %arg14[%dma_start3A_611, %dma_start3A_612, %dma_start3A_613] : memref<16x8x128xf32, #tpu.memory_space<vmem>> -> memref<1x8x128xf32, #tpu.memory_space<vmem>>
      %dma_start3A_615 = tpu.memref_squeeze %dma_start3A_614 : memref<1x8x128xf32, #tpu.memory_space<vmem>> -> memref<8x128xf32, #tpu.memory_space<vmem>>
      %dma_start3A_616 = tpu.memref_slice %arg2[%add3A_610, %multiple_of3A, %multiple_of3A_479] : memref<5x64x32768xf32, #tpu.memory_space<hbm>> -> memref<1x8x128xf32, #tpu.memory_space<hbm>>
      %dma_start3A_617 = tpu.memref_squeeze %dma_start3A_616 : memref<1x8x128xf32, #tpu.memory_space<hbm>> -> memref<8x128xf32, #tpu.memory_space<hbm>>
      %dma_start3A_618 = arith.constant 0 : i32
      %dma_start3A_619 = arith.constant 0 : i32
      %dma_start3A_620 = tpu.memref_slice %arg14[%dma_start3A_611, %dma_start3A_618, %dma_start3A_619] : memref<16x8x128xf32, #tpu.memory_space<vmem>> -> memref<1x8x128xf32, #tpu.memory_space<vmem>>
      %dma_start3A_621 = tpu.memref_squeeze %dma_start3A_620 : memref<1x8x128xf32, #tpu.memory_space<vmem>> -> memref<8x128xf32, #tpu.memory_space<vmem>>
      %dma_start3A_622 = tpu.memref_slice %arg2[%add3A_610, %multiple_of3A, %multiple_of3A_479] : memref<5x64x32768xf32, #tpu.memory_space<hbm>> -> memref<1x8x128xf32, #tpu.memory_space<hbm>>
      %dma_start3A_623 = tpu.memref_squeeze %dma_start3A_622 : memref<1x8x128xf32, #tpu.memory_space<hbm>> -> memref<8x128xf32, #tpu.memory_space<hbm>>
      tpu.enqueue_dma source(%dma_start3A_623 : memref<8x128xf32, #tpu.memory_space<hbm>>) target(%dma_start3A_621 : memref<8x128xf32, #tpu.memory_space<vmem>>) target_semaphore(%arg19 : memref<!tpu.dma_semaphore, #tpu.memory_space<semaphore_mem>>)
      %add3A_624 = arith.constant 0 : i32
      %add3A_625 = arith.addi %add3A_533, %add3A_624 : i32
      %dma_start3A_626 = arith.constant 6 : i32
      %dma_start3A_627 = arith.constant 0 : i32
      %dma_start3A_628 = arith.constant 0 : i32
      %dma_start3A_629 = tpu.memref_slice %arg14[%dma_start3A_626, %dma_start3A_627, %dma_start3A_628] : memref<16x8x128xf32, #tpu.memory_space<vmem>> -> memref<1x8x128xf32, #tpu.memory_space<vmem>>
      %dma_start3A_630 = tpu.memref_squeeze %dma_start3A_629 : memref<1x8x128xf32, #tpu.memory_space<vmem>> -> memref<8x128xf32, #tpu.memory_space<vmem>>
      %dma_start3A_631 = tpu.memref_slice %arg2[%add3A_625, %multiple_of3A, %multiple_of3A_498] : memref<5x64x32768xf32, #tpu.memory_space<hbm>> -> memref<1x8x128xf32, #tpu.memory_space<hbm>>
      %dma_start3A_632 = tpu.memref_squeeze %dma_start3A_631 : memref<1x8x128xf32, #tpu.memory_space<hbm>> -> memref<8x128xf32, #tpu.memory_space<hbm>>
      %dma_start3A_633 = arith.constant 0 : i32
      %dma_start3A_634 = arith.constant 0 : i32
      %dma_start3A_635 = tpu.memref_slice %arg14[%dma_start3A_626, %dma_start3A_633, %dma_start3A_634] : memref<16x8x128xf32, #tpu.memory_space<vmem>> -> memref<1x8x128xf32, #tpu.memory_space<vmem>>
      %dma_start3A_636 = tpu.memref_squeeze %dma_start3A_635 : memref<1x8x128xf32, #tpu.memory_space<vmem>> -> memref<8x128xf32, #tpu.memory_space<vmem>>
      %dma_start3A_637 = tpu.memref_slice %arg2[%add3A_625, %multiple_of3A, %multiple_of3A_498] : memref<5x64x32768xf32, #tpu.memory_space<hbm>> -> memref<1x8x128xf32, #tpu.memory_space<hbm>>
      %dma_start3A_638 = tpu.memref_squeeze %dma_start3A_637 : memref<1x8x128xf32, #tpu.memory_space<hbm>> -> memref<8x128xf32, #tpu.memory_space<hbm>>
      tpu.enqueue_dma source(%dma_start3A_638 : memref<8x128xf32, #tpu.memory_space<hbm>>) target(%dma_start3A_636 : memref<8x128xf32, #tpu.memory_space<vmem>>) target_semaphore(%arg19 : memref<!tpu.dma_semaphore, #tpu.memory_space<semaphore_mem>>)
      %add3A_639 = arith.constant 0 : i32
      %add3A_640 = arith.addi %add3A_533, %add3A_639 : i32
      %dma_start3A_641 = arith.constant 7 : i32
      %dma_start3A_642 = arith.constant 0 : i32
      %dma_start3A_643 = arith.constant 0 : i32
      %dma_start3A_644 = tpu.memref_slice %arg14[%dma_start3A_641, %dma_start3A_642, %dma_start3A_643] : memref<16x8x128xf32, #tpu.memory_space<vmem>> -> memref<1x8x128xf32, #tpu.memory_space<vmem>>
      %dma_start3A_645 = tpu.memref_squeeze %dma_start3A_644 : memref<1x8x128xf32, #tpu.memory_space<vmem>> -> memref<8x128xf32, #tpu.memory_space<vmem>>
      %dma_start3A_646 = tpu.memref_slice %arg2[%add3A_640, %multiple_of3A, %multiple_of3A_517] : memref<5x64x32768xf32, #tpu.memory_space<hbm>> -> memref<1x8x128xf32, #tpu.memory_space<hbm>>
      %dma_start3A_647 = tpu.memref_squeeze %dma_start3A_646 : memref<1x8x128xf32, #tpu.memory_space<hbm>> -> memref<8x128xf32, #tpu.memory_space<hbm>>
      %dma_start3A_648 = arith.constant 0 : i32
      %dma_start3A_649 = arith.constant 0 : i32
      %dma_start3A_650 = tpu.memref_slice %arg14[%dma_start3A_641, %dma_start3A_648, %dma_start3A_649] : memref<16x8x128xf32, #tpu.memory_space<vmem>> -> memref<1x8x128xf32, #tpu.memory_space<vmem>>
      %dma_start3A_651 = tpu.memref_squeeze %dma_start3A_650 : memref<1x8x128xf32, #tpu.memory_space<vmem>> -> memref<8x128xf32, #tpu.memory_space<vmem>>
      %dma_start3A_652 = tpu.memref_slice %arg2[%add3A_640, %multiple_of3A, %multiple_of3A_517] : memref<5x64x32768xf32, #tpu.memory_space<hbm>> -> memref<1x8x128xf32, #tpu.memory_space<hbm>>
      %dma_start3A_653 = tpu.memref_squeeze %dma_start3A_652 : memref<1x8x128xf32, #tpu.memory_space<hbm>> -> memref<8x128xf32, #tpu.memory_space<hbm>>
      tpu.enqueue_dma source(%dma_start3A_653 : memref<8x128xf32, #tpu.memory_space<hbm>>) target(%dma_start3A_651 : memref<8x128xf32, #tpu.memory_space<vmem>>) target_semaphore(%arg19 : memref<!tpu.dma_semaphore, #tpu.memory_space<semaphore_mem>>)
      %add3A_654 = arith.constant 1 : i32
      %add3A_655 = arith.addi %add3A_533, %add3A_654 : i32
      %dma_start3A_656 = arith.constant 8 : i32
      %dma_start3A_657 = arith.constant 0 : i32
      %dma_start3A_658 = arith.constant 0 : i32
      %dma_start3A_659 = tpu.memref_slice %arg14[%dma_start3A_656, %dma_start3A_657, %dma_start3A_658] : memref<16x8x128xf32, #tpu.memory_space<vmem>> -> memref<1x8x128xf32, #tpu.memory_space<vmem>>
      %dma_start3A_660 = tpu.memref_squeeze %dma_start3A_659 : memref<1x8x128xf32, #tpu.memory_space<vmem>> -> memref<8x128xf32, #tpu.memory_space<vmem>>
      %dma_start3A_661 = tpu.memref_slice %arg2[%add3A_655, %multiple_of3A, %multiple_of3A_384] : memref<5x64x32768xf32, #tpu.memory_space<hbm>> -> memref<1x8x128xf32, #tpu.memory_space<hbm>>
      %dma_start3A_662 = tpu.memref_squeeze %dma_start3A_661 : memref<1x8x128xf32, #tpu.memory_space<hbm>> -> memref<8x128xf32, #tpu.memory_space<hbm>>
      %dma_start3A_663 = arith.constant 0 : i32
      %dma_start3A_664 = arith.constant 0 : i32
      %dma_start3A_665 = tpu.memref_slice %arg14[%dma_start3A_656, %dma_start3A_663, %dma_start3A_664] : memref<16x8x128xf32, #tpu.memory_space<vmem>> -> memref<1x8x128xf32, #tpu.memory_space<vmem>>
      %dma_start3A_666 = tpu.memref_squeeze %dma_start3A_665 : memref<1x8x128xf32, #tpu.memory_space<vmem>> -> memref<8x128xf32, #tpu.memory_space<vmem>>
      %dma_start3A_667 = tpu.memref_slice %arg2[%add3A_655, %multiple_of3A, %multiple_of3A_384] : memref<5x64x32768xf32, #tpu.memory_space<hbm>> -> memref<1x8x128xf32, #tpu.memory_space<hbm>>
      %dma_start3A_668 = tpu.memref_squeeze %dma_start3A_667 : memref<1x8x128xf32, #tpu.memory_space<hbm>> -> memref<8x128xf32, #tpu.memory_space<hbm>>
      tpu.enqueue_dma source(%dma_start3A_668 : memref<8x128xf32, #tpu.memory_space<hbm>>) target(%dma_start3A_666 : memref<8x128xf32, #tpu.memory_space<vmem>>) target_semaphore(%arg19 : memref<!tpu.dma_semaphore, #tpu.memory_space<semaphore_mem>>)
      %add3A_669 = arith.constant 1 : i32
      %add3A_670 = arith.addi %add3A_533, %add3A_669 : i32
      %dma_start3A_671 = arith.constant 9 : i32
      %dma_start3A_672 = arith.constant 0 : i32
      %dma_start3A_673 = arith.constant 0 : i32
      %dma_start3A_674 = tpu.memref_slice %arg14[%dma_start3A_671, %dma_start3A_672, %dma_start3A_673] : memref<16x8x128xf32, #tpu.memory_space<vmem>> -> memref<1x8x128xf32, #tpu.memory_space<vmem>>
      %dma_start3A_675 = tpu.memref_squeeze %dma_start3A_674 : memref<1x8x128xf32, #tpu.memory_space<vmem>> -> memref<8x128xf32, #tpu.memory_space<vmem>>
      %dma_start3A_676 = tpu.memref_slice %arg2[%add3A_670, %multiple_of3A, %multiple_of3A_403] : memref<5x64x32768xf32, #tpu.memory_space<hbm>> -> memref<1x8x128xf32, #tpu.memory_space<hbm>>
      %dma_start3A_677 = tpu.memref_squeeze %dma_start3A_676 : memref<1x8x128xf32, #tpu.memory_space<hbm>> -> memref<8x128xf32, #tpu.memory_space<hbm>>
      %dma_start3A_678 = arith.constant 0 : i32
      %dma_start3A_679 = arith.constant 0 : i32
      %dma_start3A_680 = tpu.memref_slice %arg14[%dma_start3A_671, %dma_start3A_678, %dma_start3A_679] : memref<16x8x128xf32, #tpu.memory_space<vmem>> -> memref<1x8x128xf32, #tpu.memory_space<vmem>>
      %dma_start3A_681 = tpu.memref_squeeze %dma_start3A_680 : memref<1x8x128xf32, #tpu.memory_space<vmem>> -> memref<8x128xf32, #tpu.memory_space<vmem>>
      %dma_start3A_682 = tpu.memref_slice %arg2[%add3A_670, %multiple_of3A, %multiple_of3A_403] : memref<5x64x32768xf32, #tpu.memory_space<hbm>> -> memref<1x8x128xf32, #tpu.memory_space<hbm>>
      %dma_start3A_683 = tpu.memref_squeeze %dma_start3A_682 : memref<1x8x128xf32, #tpu.memory_space<hbm>> -> memref<8x128xf32, #tpu.memory_space<hbm>>
      tpu.enqueue_dma source(%dma_start3A_683 : memref<8x128xf32, #tpu.memory_space<hbm>>) target(%dma_start3A_681 : memref<8x128xf32, #tpu.memory_space<vmem>>) target_semaphore(%arg19 : memref<!tpu.dma_semaphore, #tpu.memory_space<semaphore_mem>>)
      %add3A_684 = arith.constant 1 : i32
      %add3A_685 = arith.addi %add3A_533, %add3A_684 : i32
      %dma_start3A_686 = arith.constant 10 : i32
      %dma_start3A_687 = arith.constant 0 : i32
      %dma_start3A_688 = arith.constant 0 : i32
      %dma_start3A_689 = tpu.memref_slice %arg14[%dma_start3A_686, %dma_start3A_687, %dma_start3A_688] : memref<16x8x128xf32, #tpu.memory_space<vmem>> -> memref<1x8x128xf32, #tpu.memory_space<vmem>>
      %dma_start3A_690 = tpu.memref_squeeze %dma_start3A_689 : memref<1x8x128xf32, #tpu.memory_space<vmem>> -> memref<8x128xf32, #tpu.memory_space<vmem>>
      %dma_start3A_691 = tpu.memref_slice %arg2[%add3A_685, %multiple_of3A, %multiple_of3A_422] : memref<5x64x32768xf32, #tpu.memory_space<hbm>> -> memref<1x8x128xf32, #tpu.memory_space<hbm>>
      %dma_start3A_692 = tpu.memref_squeeze %dma_start3A_691 : memref<1x8x128xf32, #tpu.memory_space<hbm>> -> memref<8x128xf32, #tpu.memory_space<hbm>>
      %dma_start3A_693 = arith.constant 0 : i32
      %dma_start3A_694 = arith.constant 0 : i32
      %dma_start3A_695 = tpu.memref_slice %arg14[%dma_start3A_686, %dma_start3A_693, %dma_start3A_694] : memref<16x8x128xf32, #tpu.memory_space<vmem>> -> memref<1x8x128xf32, #tpu.memory_space<vmem>>
      %dma_start3A_696 = tpu.memref_squeeze %dma_start3A_695 : memref<1x8x128xf32, #tpu.memory_space<vmem>> -> memref<8x128xf32, #tpu.memory_space<vmem>>
      %dma_start3A_697 = tpu.memref_slice %arg2[%add3A_685, %multiple_of3A, %multiple_of3A_422] : memref<5x64x32768xf32, #tpu.memory_space<hbm>> -> memref<1x8x128xf32, #tpu.memory_space<hbm>>
      %dma_start3A_698 = tpu.memref_squeeze %dma_start3A_697 : memref<1x8x128xf32, #tpu.memory_space<hbm>> -> memref<8x128xf32, #tpu.memory_space<hbm>>
      tpu.enqueue_dma source(%dma_start3A_698 : memref<8x128xf32, #tpu.memory_space<hbm>>) target(%dma_start3A_696 : memref<8x128xf32, #tpu.memory_space<vmem>>) target_semaphore(%arg19 : memref<!tpu.dma_semaphore, #tpu.memory_space<semaphore_mem>>)
      %add3A_699 = arith.constant 1 : i32
      %add3A_700 = arith.addi %add3A_533, %add3A_699 : i32
      %dma_start3A_701 = arith.constant 11 : i32
      %dma_start3A_702 = arith.constant 0 : i32
      %dma_start3A_703 = arith.constant 0 : i32
      %dma_start3A_704 = tpu.memref_slice %arg14[%dma_start3A_701, %dma_start3A_702, %dma_start3A_703] : memref<16x8x128xf32, #tpu.memory_space<vmem>> -> memref<1x8x128xf32, #tpu.memory_space<vmem>>
      %dma_start3A_705 = tpu.memref_squeeze %dma_start3A_704 : memref<1x8x128xf32, #tpu.memory_space<vmem>> -> memref<8x128xf32, #tpu.memory_space<vmem>>
      %dma_start3A_706 = tpu.memref_slice %arg2[%add3A_700, %multiple_of3A, %multiple_of3A_441] : memref<5x64x32768xf32, #tpu.memory_space<hbm>> -> memref<1x8x128xf32, #tpu.memory_space<hbm>>
      %dma_start3A_707 = tpu.memref_squeeze %dma_start3A_706 : memref<1x8x128xf32, #tpu.memory_space<hbm>> -> memref<8x128xf32, #tpu.memory_space<hbm>>
      %dma_start3A_708 = arith.constant 0 : i32
      %dma_start3A_709 = arith.constant 0 : i32
      %dma_start3A_710 = tpu.memref_slice %arg14[%dma_start3A_701, %dma_start3A_708, %dma_start3A_709] : memref<16x8x128xf32, #tpu.memory_space<vmem>> -> memref<1x8x128xf32, #tpu.memory_space<vmem>>
      %dma_start3A_711 = tpu.memref_squeeze %dma_start3A_710 : memref<1x8x128xf32, #tpu.memory_space<vmem>> -> memref<8x128xf32, #tpu.memory_space<vmem>>
      %dma_start3A_712 = tpu.memref_slice %arg2[%add3A_700, %multiple_of3A, %multiple_of3A_441] : memref<5x64x32768xf32, #tpu.memory_space<hbm>> -> memref<1x8x128xf32, #tpu.memory_space<hbm>>
      %dma_start3A_713 = tpu.memref_squeeze %dma_start3A_712 : memref<1x8x128xf32, #tpu.memory_space<hbm>> -> memref<8x128xf32, #tpu.memory_space<hbm>>
      tpu.enqueue_dma source(%dma_start3A_713 : memref<8x128xf32, #tpu.memory_space<hbm>>) target(%dma_start3A_711 : memref<8x128xf32, #tpu.memory_space<vmem>>) target_semaphore(%arg19 : memref<!tpu.dma_semaphore, #tpu.memory_space<semaphore_mem>>)
      %add3A_714 = arith.constant 1 : i32
      %add3A_715 = arith.addi %add3A_533, %add3A_714 : i32
      %dma_start3A_716 = arith.constant 12 : i32
      %dma_start3A_717 = arith.constant 0 : i32
      %dma_start3A_718 = arith.constant 0 : i32
      %dma_start3A_719 = tpu.memref_slice %arg14[%dma_start3A_716, %dma_start3A_717, %dma_start3A_718] : memref<16x8x128xf32, #tpu.memory_space<vmem>> -> memref<1x8x128xf32, #tpu.memory_space<vmem>>
      %dma_start3A_720 = tpu.memref_squeeze %dma_start3A_719 : memref<1x8x128xf32, #tpu.memory_space<vmem>> -> memref<8x128xf32, #tpu.memory_space<vmem>>
      %dma_start3A_721 = tpu.memref_slice %arg2[%add3A_715, %multiple_of3A, %multiple_of3A_460] : memref<5x64x32768xf32, #tpu.memory_space<hbm>> -> memref<1x8x128xf32, #tpu.memory_space<hbm>>
      %dma_start3A_722 = tpu.memref_squeeze %dma_start3A_721 : memref<1x8x128xf32, #tpu.memory_space<hbm>> -> memref<8x128xf32, #tpu.memory_space<hbm>>
      %dma_start3A_723 = arith.constant 0 : i32
      %dma_start3A_724 = arith.constant 0 : i32
      %dma_start3A_725 = tpu.memref_slice %arg14[%dma_start3A_716, %dma_start3A_723, %dma_start3A_724] : memref<16x8x128xf32, #tpu.memory_space<vmem>> -> memref<1x8x128xf32, #tpu.memory_space<vmem>>
      %dma_start3A_726 = tpu.memref_squeeze %dma_start3A_725 : memref<1x8x128xf32, #tpu.memory_space<vmem>> -> memref<8x128xf32, #tpu.memory_space<vmem>>
      %dma_start3A_727 = tpu.memref_slice %arg2[%add3A_715, %multiple_of3A, %multiple_of3A_460] : memref<5x64x32768xf32, #tpu.memory_space<hbm>> -> memref<1x8x128xf32, #tpu.memory_space<hbm>>
      %dma_start3A_728 = tpu.memref_squeeze %dma_start3A_727 : memref<1x8x128xf32, #tpu.memory_space<hbm>> -> memref<8x128xf32, #tpu.memory_space<hbm>>
      tpu.enqueue_dma source(%dma_start3A_728 : memref<8x128xf32, #tpu.memory_space<hbm>>) target(%dma_start3A_726 : memref<8x128xf32, #tpu.memory_space<vmem>>) target_semaphore(%arg19 : memref<!tpu.dma_semaphore, #tpu.memory_space<semaphore_mem>>)
      %add3A_729 = arith.constant 1 : i32
      %add3A_730 = arith.addi %add3A_533, %add3A_729 : i32
      %dma_start3A_731 = arith.constant 13 : i32
      %dma_start3A_732 = arith.constant 0 : i32
      %dma_start3A_733 = arith.constant 0 : i32
      %dma_start3A_734 = tpu.memref_slice %arg14[%dma_start3A_731, %dma_start3A_732, %dma_start3A_733] : memref<16x8x128xf32, #tpu.memory_space<vmem>> -> memref<1x8x128xf32, #tpu.memory_space<vmem>>
      %dma_start3A_735 = tpu.memref_squeeze %dma_start3A_734 : memref<1x8x128xf32, #tpu.memory_space<vmem>> -> memref<8x128xf32, #tpu.memory_space<vmem>>
      %dma_start3A_736 = tpu.memref_slice %arg2[%add3A_730, %multiple_of3A, %multiple_of3A_479] : memref<5x64x32768xf32, #tpu.memory_space<hbm>> -> memref<1x8x128xf32, #tpu.memory_space<hbm>>
      %dma_start3A_737 = tpu.memref_squeeze %dma_start3A_736 : memref<1x8x128xf32, #tpu.memory_space<hbm>> -> memref<8x128xf32, #tpu.memory_space<hbm>>
      %dma_start3A_738 = arith.constant 0 : i32
      %dma_start3A_739 = arith.constant 0 : i32
      %dma_start3A_740 = tpu.memref_slice %arg14[%dma_start3A_731, %dma_start3A_738, %dma_start3A_739] : memref<16x8x128xf32, #tpu.memory_space<vmem>> -> memref<1x8x128xf32, #tpu.memory_space<vmem>>
      %dma_start3A_741 = tpu.memref_squeeze %dma_start3A_740 : memref<1x8x128xf32, #tpu.memory_space<vmem>> -> memref<8x128xf32, #tpu.memory_space<vmem>>
      %dma_start3A_742 = tpu.memref_slice %arg2[%add3A_730, %multiple_of3A, %multiple_of3A_479] : memref<5x64x32768xf32, #tpu.memory_space<hbm>> -> memref<1x8x128xf32, #tpu.memory_space<hbm>>
      %dma_start3A_743 = tpu.memref_squeeze %dma_start3A_742 : memref<1x8x128xf32, #tpu.memory_space<hbm>> -> memref<8x128xf32, #tpu.memory_space<hbm>>
      tpu.enqueue_dma source(%dma_start3A_743 : memref<8x128xf32, #tpu.memory_space<hbm>>) target(%dma_start3A_741 : memref<8x128xf32, #tpu.memory_space<vmem>>) target_semaphore(%arg19 : memref<!tpu.dma_semaphore, #tpu.memory_space<semaphore_mem>>)
      %add3A_744 = arith.constant 1 : i32
      %add3A_745 = arith.addi %add3A_533, %add3A_744 : i32
      %dma_start3A_746 = arith.constant 14 : i32
      %dma_start3A_747 = arith.constant 0 : i32
      %dma_start3A_748 = arith.constant 0 : i32
      %dma_start3A_749 = tpu.memref_slice %arg14[%dma_start3A_746, %dma_start3A_747, %dma_start3A_748] : memref<16x8x128xf32, #tpu.memory_space<vmem>> -> memref<1x8x128xf32, #tpu.memory_space<vmem>>
      %dma_start3A_750 = tpu.memref_squeeze %dma_start3A_749 : memref<1x8x128xf32, #tpu.memory_space<vmem>> -> memref<8x128xf32, #tpu.memory_space<vmem>>
      %dma_start3A_751 = tpu.memref_slice %arg2[%add3A_745, %multiple_of3A, %multiple_of3A_498] : memref<5x64x32768xf32, #tpu.memory_space<hbm>> -> memref<1x8x128xf32, #tpu.memory_space<hbm>>
      %dma_start3A_752 = tpu.memref_squeeze %dma_start3A_751 : memref<1x8x128xf32, #tpu.memory_space<hbm>> -> memref<8x128xf32, #tpu.memory_space<hbm>>
      %dma_start3A_753 = arith.constant 0 : i32
      %dma_start3A_754 = arith.constant 0 : i32
      %dma_start3A_755 = tpu.memref_slice %arg14[%dma_start3A_746, %dma_start3A_753, %dma_start3A_754] : memref<16x8x128xf32, #tpu.memory_space<vmem>> -> memref<1x8x128xf32, #tpu.memory_space<vmem>>
      %dma_start3A_756 = tpu.memref_squeeze %dma_start3A_755 : memref<1x8x128xf32, #tpu.memory_space<vmem>> -> memref<8x128xf32, #tpu.memory_space<vmem>>
      %dma_start3A_757 = tpu.memref_slice %arg2[%add3A_745, %multiple_of3A, %multiple_of3A_498] : memref<5x64x32768xf32, #tpu.memory_space<hbm>> -> memref<1x8x128xf32, #tpu.memory_space<hbm>>
      %dma_start3A_758 = tpu.memref_squeeze %dma_start3A_757 : memref<1x8x128xf32, #tpu.memory_space<hbm>> -> memref<8x128xf32, #tpu.memory_space<hbm>>
      tpu.enqueue_dma source(%dma_start3A_758 : memref<8x128xf32, #tpu.memory_space<hbm>>) target(%dma_start3A_756 : memref<8x128xf32, #tpu.memory_space<vmem>>) target_semaphore(%arg19 : memref<!tpu.dma_semaphore, #tpu.memory_space<semaphore_mem>>)
      %add3A_759 = arith.constant 1 : i32
      %add3A_760 = arith.addi %add3A_533, %add3A_759 : i32
      %dma_start3A_761 = arith.constant 15 : i32
      %dma_start3A_762 = arith.constant 0 : i32
      %dma_start3A_763 = arith.constant 0 : i32
      %dma_start3A_764 = tpu.memref_slice %arg14[%dma_start3A_761, %dma_start3A_762, %dma_start3A_763] : memref<16x8x128xf32, #tpu.memory_space<vmem>> -> memref<1x8x128xf32, #tpu.memory_space<vmem>>
      %dma_start3A_765 = tpu.memref_squeeze %dma_start3A_764 : memref<1x8x128xf32, #tpu.memory_space<vmem>> -> memref<8x128xf32, #tpu.memory_space<vmem>>
      %dma_start3A_766 = tpu.memref_slice %arg2[%add3A_760, %multiple_of3A, %multiple_of3A_517] : memref<5x64x32768xf32, #tpu.memory_space<hbm>> -> memref<1x8x128xf32, #tpu.memory_space<hbm>>
      %dma_start3A_767 = tpu.memref_squeeze %dma_start3A_766 : memref<1x8x128xf32, #tpu.memory_space<hbm>> -> memref<8x128xf32, #tpu.memory_space<hbm>>
      %dma_start3A_768 = arith.constant 0 : i32
      %dma_start3A_769 = arith.constant 0 : i32
      %dma_start3A_770 = tpu.memref_slice %arg14[%dma_start3A_761, %dma_start3A_768, %dma_start3A_769] : memref<16x8x128xf32, #tpu.memory_space<vmem>> -> memref<1x8x128xf32, #tpu.memory_space<vmem>>
      %dma_start3A_771 = tpu.memref_squeeze %dma_start3A_770 : memref<1x8x128xf32, #tpu.memory_space<vmem>> -> memref<8x128xf32, #tpu.memory_space<vmem>>
      %dma_start3A_772 = tpu.memref_slice %arg2[%add3A_760, %multiple_of3A, %multiple_of3A_517] : memref<5x64x32768xf32, #tpu.memory_space<hbm>> -> memref<1x8x128xf32, #tpu.memory_space<hbm>>
      %dma_start3A_773 = tpu.memref_squeeze %dma_start3A_772 : memref<1x8x128xf32, #tpu.memory_space<hbm>> -> memref<8x128xf32, #tpu.memory_space<hbm>>
      tpu.enqueue_dma source(%dma_start3A_773 : memref<8x128xf32, #tpu.memory_space<hbm>>) target(%dma_start3A_771 : memref<8x128xf32, #tpu.memory_space<vmem>>) target_semaphore(%arg19 : memref<!tpu.dma_semaphore, #tpu.memory_space<semaphore_mem>>)
      %dma_wait3A_774 = arith.constant 0 : i32
      %dma_wait3A_775 = arith.constant 0 : i32
      %dma_wait3A_776 = arith.constant 0 : i32
      %dma_wait3A_777 = tpu.memref_slice %arg14[%dma_wait3A_774, %dma_wait3A_775, %dma_wait3A_776] : memref<16x8x128xf32, #tpu.memory_space<vmem>> -> memref<1x8x128xf32, #tpu.memory_space<vmem>>
      %dma_wait3A_778 = tpu.memref_squeeze %dma_wait3A_777 : memref<1x8x128xf32, #tpu.memory_space<vmem>> -> memref<8x128xf32, #tpu.memory_space<vmem>>
      %dma_wait3A_779 = tpu.memref_slice %arg2[%add3A_535, %multiple_of3A, %multiple_of3A_384] : memref<5x64x32768xf32, #tpu.memory_space<hbm>> -> memref<1x8x128xf32, #tpu.memory_space<hbm>>
      %dma_wait3A_780 = tpu.memref_squeeze %dma_wait3A_779 : memref<1x8x128xf32, #tpu.memory_space<hbm>> -> memref<8x128xf32, #tpu.memory_space<hbm>>
      %dma_wait3A_781 = arith.constant 0 : i32
      %dma_wait3A_782 = arith.constant 0 : i32
      %dma_wait3A_783 = tpu.memref_slice %arg14[%dma_wait3A_774, %dma_wait3A_781, %dma_wait3A_782] : memref<16x8x128xf32, #tpu.memory_space<vmem>> -> memref<1x8x128xf32, #tpu.memory_space<vmem>>
      %dma_wait3A_784 = tpu.memref_squeeze %dma_wait3A_783 : memref<1x8x128xf32, #tpu.memory_space<vmem>> -> memref<8x128xf32, #tpu.memory_space<vmem>>
      %dma_wait3A_785 = tpu.memref_slice %arg2[%add3A_535, %multiple_of3A, %multiple_of3A_384] : memref<5x64x32768xf32, #tpu.memory_space<hbm>> -> memref<1x8x128xf32, #tpu.memory_space<hbm>>
      %dma_wait3A_786 = tpu.memref_squeeze %dma_wait3A_785 : memref<1x8x128xf32, #tpu.memory_space<hbm>> -> memref<8x128xf32, #tpu.memory_space<hbm>>
      tpu.wait_dma2 semaphore(%arg19 : memref<!tpu.dma_semaphore, #tpu.memory_space<semaphore_mem>>) src(%dma_wait3A_786 : memref<8x128xf32, #tpu.memory_space<hbm>>) dst(%dma_wait3A_784 : memref<8x128xf32, #tpu.memory_space<vmem>>)
      %dma_wait3A_787 = arith.constant 1 : i32
      %dma_wait3A_788 = arith.constant 0 : i32
      %dma_wait3A_789 = arith.constant 0 : i32
      %dma_wait3A_790 = tpu.memref_slice %arg14[%dma_wait3A_787, %dma_wait3A_788, %dma_wait3A_789] : memref<16x8x128xf32, #tpu.memory_space<vmem>> -> memref<1x8x128xf32, #tpu.memory_space<vmem>>
      %dma_wait3A_791 = tpu.memref_squeeze %dma_wait3A_790 : memref<1x8x128xf32, #tpu.memory_space<vmem>> -> memref<8x128xf32, #tpu.memory_space<vmem>>
      %dma_wait3A_792 = tpu.memref_slice %arg2[%add3A_550, %multiple_of3A, %multiple_of3A_403] : memref<5x64x32768xf32, #tpu.memory_space<hbm>> -> memref<1x8x128xf32, #tpu.memory_space<hbm>>
      %dma_wait3A_793 = tpu.memref_squeeze %dma_wait3A_792 : memref<1x8x128xf32, #tpu.memory_space<hbm>> -> memref<8x128xf32, #tpu.memory_space<hbm>>
      %dma_wait3A_794 = arith.constant 0 : i32
      %dma_wait3A_795 = arith.constant 0 : i32
      %dma_wait3A_796 = tpu.memref_slice %arg14[%dma_wait3A_787, %dma_wait3A_794, %dma_wait3A_795] : memref<16x8x128xf32, #tpu.memory_space<vmem>> -> memref<1x8x128xf32, #tpu.memory_space<vmem>>
      %dma_wait3A_797 = tpu.memref_squeeze %dma_wait3A_796 : memref<1x8x128xf32, #tpu.memory_space<vmem>> -> memref<8x128xf32, #tpu.memory_space<vmem>>
      %dma_wait3A_798 = tpu.memref_slice %arg2[%add3A_550, %multiple_of3A, %multiple_of3A_403] : memref<5x64x32768xf32, #tpu.memory_space<hbm>> -> memref<1x8x128xf32, #tpu.memory_space<hbm>>
      %dma_wait3A_799 = tpu.memref_squeeze %dma_wait3A_798 : memref<1x8x128xf32, #tpu.memory_space<hbm>> -> memref<8x128xf32, #tpu.memory_space<hbm>>
      tpu.wait_dma2 semaphore(%arg19 : memref<!tpu.dma_semaphore, #tpu.memory_space<semaphore_mem>>) src(%dma_wait3A_799 : memref<8x128xf32, #tpu.memory_space<hbm>>) dst(%dma_wait3A_797 : memref<8x128xf32, #tpu.memory_space<vmem>>)
      %dma_wait3A_800 = arith.constant 2 : i32
      %dma_wait3A_801 = arith.constant 0 : i32
      %dma_wait3A_802 = arith.constant 0 : i32
      %dma_wait3A_803 = tpu.memref_slice %arg14[%dma_wait3A_800, %dma_wait3A_801, %dma_wait3A_802] : memref<16x8x128xf32, #tpu.memory_space<vmem>> -> memref<1x8x128xf32, #tpu.memory_space<vmem>>
      %dma_wait3A_804 = tpu.memref_squeeze %dma_wait3A_803 : memref<1x8x128xf32, #tpu.memory_space<vmem>> -> memref<8x128xf32, #tpu.memory_space<vmem>>
      %dma_wait3A_805 = tpu.memref_slice %arg2[%add3A_565, %multiple_of3A, %multiple_of3A_422] : memref<5x64x32768xf32, #tpu.memory_space<hbm>> -> memref<1x8x128xf32, #tpu.memory_space<hbm>>
      %dma_wait3A_806 = tpu.memref_squeeze %dma_wait3A_805 : memref<1x8x128xf32, #tpu.memory_space<hbm>> -> memref<8x128xf32, #tpu.memory_space<hbm>>
      %dma_wait3A_807 = arith.constant 0 : i32
      %dma_wait3A_808 = arith.constant 0 : i32
      %dma_wait3A_809 = tpu.memref_slice %arg14[%dma_wait3A_800, %dma_wait3A_807, %dma_wait3A_808] : memref<16x8x128xf32, #tpu.memory_space<vmem>> -> memref<1x8x128xf32, #tpu.memory_space<vmem>>
      %dma_wait3A_810 = tpu.memref_squeeze %dma_wait3A_809 : memref<1x8x128xf32, #tpu.memory_space<vmem>> -> memref<8x128xf32, #tpu.memory_space<vmem>>
      %dma_wait3A_811 = tpu.memref_slice %arg2[%add3A_565, %multiple_of3A, %multiple_of3A_422] : memref<5x64x32768xf32, #tpu.memory_space<hbm>> -> memref<1x8x128xf32, #tpu.memory_space<hbm>>
      %dma_wait3A_812 = tpu.memref_squeeze %dma_wait3A_811 : memref<1x8x128xf32, #tpu.memory_space<hbm>> -> memref<8x128xf32, #tpu.memory_space<hbm>>
      tpu.wait_dma2 semaphore(%arg19 : memref<!tpu.dma_semaphore, #tpu.memory_space<semaphore_mem>>) src(%dma_wait3A_812 : memref<8x128xf32, #tpu.memory_space<hbm>>) dst(%dma_wait3A_810 : memref<8x128xf32, #tpu.memory_space<vmem>>)
      %dma_wait3A_813 = arith.constant 3 : i32
      %dma_wait3A_814 = arith.constant 0 : i32
      %dma_wait3A_815 = arith.constant 0 : i32
      %dma_wait3A_816 = tpu.memref_slice %arg14[%dma_wait3A_813, %dma_wait3A_814, %dma_wait3A_815] : memref<16x8x128xf32, #tpu.memory_space<vmem>> -> memref<1x8x128xf32, #tpu.memory_space<vmem>>
      %dma_wait3A_817 = tpu.memref_squeeze %dma_wait3A_816 : memref<1x8x128xf32, #tpu.memory_space<vmem>> -> memref<8x128xf32, #tpu.memory_space<vmem>>
      %dma_wait3A_818 = tpu.memref_slice %arg2[%add3A_580, %multiple_of3A, %multiple_of3A_441] : memref<5x64x32768xf32, #tpu.memory_space<hbm>> -> memref<1x8x128xf32, #tpu.memory_space<hbm>>
      %dma_wait3A_819 = tpu.memref_squeeze %dma_wait3A_818 : memref<1x8x128xf32, #tpu.memory_space<hbm>> -> memref<8x128xf32, #tpu.memory_space<hbm>>
      %dma_wait3A_820 = arith.constant 0 : i32
      %dma_wait3A_821 = arith.constant 0 : i32
      %dma_wait3A_822 = tpu.memref_slice %arg14[%dma_wait3A_813, %dma_wait3A_820, %dma_wait3A_821] : memref<16x8x128xf32, #tpu.memory_space<vmem>> -> memref<1x8x128xf32, #tpu.memory_space<vmem>>
      %dma_wait3A_823 = tpu.memref_squeeze %dma_wait3A_822 : memref<1x8x128xf32, #tpu.memory_space<vmem>> -> memref<8x128xf32, #tpu.memory_space<vmem>>
      %dma_wait3A_824 = tpu.memref_slice %arg2[%add3A_580, %multiple_of3A, %multiple_of3A_441] : memref<5x64x32768xf32, #tpu.memory_space<hbm>> -> memref<1x8x128xf32, #tpu.memory_space<hbm>>
      %dma_wait3A_825 = tpu.memref_squeeze %dma_wait3A_824 : memref<1x8x128xf32, #tpu.memory_space<hbm>> -> memref<8x128xf32, #tpu.memory_space<hbm>>
      tpu.wait_dma2 semaphore(%arg19 : memref<!tpu.dma_semaphore, #tpu.memory_space<semaphore_mem>>) src(%dma_wait3A_825 : memref<8x128xf32, #tpu.memory_space<hbm>>) dst(%dma_wait3A_823 : memref<8x128xf32, #tpu.memory_space<vmem>>)
      %dma_wait3A_826 = arith.constant 4 : i32
      %dma_wait3A_827 = arith.constant 0 : i32
      %dma_wait3A_828 = arith.constant 0 : i32
      %dma_wait3A_829 = tpu.memref_slice %arg14[%dma_wait3A_826, %dma_wait3A_827, %dma_wait3A_828] : memref<16x8x128xf32, #tpu.memory_space<vmem>> -> memref<1x8x128xf32, #tpu.memory_space<vmem>>
      %dma_wait3A_830 = tpu.memref_squeeze %dma_wait3A_829 : memref<1x8x128xf32, #tpu.memory_space<vmem>> -> memref<8x128xf32, #tpu.memory_space<vmem>>
      %dma_wait3A_831 = tpu.memref_slice %arg2[%add3A_595, %multiple_of3A, %multiple_of3A_460] : memref<5x64x32768xf32, #tpu.memory_space<hbm>> -> memref<1x8x128xf32, #tpu.memory_space<hbm>>
      %dma_wait3A_832 = tpu.memref_squeeze %dma_wait3A_831 : memref<1x8x128xf32, #tpu.memory_space<hbm>> -> memref<8x128xf32, #tpu.memory_space<hbm>>
      %dma_wait3A_833 = arith.constant 0 : i32
      %dma_wait3A_834 = arith.constant 0 : i32
      %dma_wait3A_835 = tpu.memref_slice %arg14[%dma_wait3A_826, %dma_wait3A_833, %dma_wait3A_834] : memref<16x8x128xf32, #tpu.memory_space<vmem>> -> memref<1x8x128xf32, #tpu.memory_space<vmem>>
      %dma_wait3A_836 = tpu.memref_squeeze %dma_wait3A_835 : memref<1x8x128xf32, #tpu.memory_space<vmem>> -> memref<8x128xf32, #tpu.memory_space<vmem>>
      %dma_wait3A_837 = tpu.memref_slice %arg2[%add3A_595, %multiple_of3A, %multiple_of3A_460] : memref<5x64x32768xf32, #tpu.memory_space<hbm>> -> memref<1x8x128xf32, #tpu.memory_space<hbm>>
      %dma_wait3A_838 = tpu.memref_squeeze %dma_wait3A_837 : memref<1x8x128xf32, #tpu.memory_space<hbm>> -> memref<8x128xf32, #tpu.memory_space<hbm>>
      tpu.wait_dma2 semaphore(%arg19 : memref<!tpu.dma_semaphore, #tpu.memory_space<semaphore_mem>>) src(%dma_wait3A_838 : memref<8x128xf32, #tpu.memory_space<hbm>>) dst(%dma_wait3A_836 : memref<8x128xf32, #tpu.memory_space<vmem>>)
      %dma_wait3A_839 = arith.constant 5 : i32
      %dma_wait3A_840 = arith.constant 0 : i32
      %dma_wait3A_841 = arith.constant 0 : i32
      %dma_wait3A_842 = tpu.memref_slice %arg14[%dma_wait3A_839, %dma_wait3A_840, %dma_wait3A_841] : memref<16x8x128xf32, #tpu.memory_space<vmem>> -> memref<1x8x128xf32, #tpu.memory_space<vmem>>
      %dma_wait3A_843 = tpu.memref_squeeze %dma_wait3A_842 : memref<1x8x128xf32, #tpu.memory_space<vmem>> -> memref<8x128xf32, #tpu.memory_space<vmem>>
      %dma_wait3A_844 = tpu.memref_slice %arg2[%add3A_610, %multiple_of3A, %multiple_of3A_479] : memref<5x64x32768xf32, #tpu.memory_space<hbm>> -> memref<1x8x128xf32, #tpu.memory_space<hbm>>
      %dma_wait3A_845 = tpu.memref_squeeze %dma_wait3A_844 : memref<1x8x128xf32, #tpu.memory_space<hbm>> -> memref<8x128xf32, #tpu.memory_space<hbm>>
      %dma_wait3A_846 = arith.constant 0 : i32
      %dma_wait3A_847 = arith.constant 0 : i32
      %dma_wait3A_848 = tpu.memref_slice %arg14[%dma_wait3A_839, %dma_wait3A_846, %dma_wait3A_847] : memref<16x8x128xf32, #tpu.memory_space<vmem>> -> memref<1x8x128xf32, #tpu.memory_space<vmem>>
      %dma_wait3A_849 = tpu.memref_squeeze %dma_wait3A_848 : memref<1x8x128xf32, #tpu.memory_space<vmem>> -> memref<8x128xf32, #tpu.memory_space<vmem>>
      %dma_wait3A_850 = tpu.memref_slice %arg2[%add3A_610, %multiple_of3A, %multiple_of3A_479] : memref<5x64x32768xf32, #tpu.memory_space<hbm>> -> memref<1x8x128xf32, #tpu.memory_space<hbm>>
      %dma_wait3A_851 = tpu.memref_squeeze %dma_wait3A_850 : memref<1x8x128xf32, #tpu.memory_space<hbm>> -> memref<8x128xf32, #tpu.memory_space<hbm>>
      tpu.wait_dma2 semaphore(%arg19 : memref<!tpu.dma_semaphore, #tpu.memory_space<semaphore_mem>>) src(%dma_wait3A_851 : memref<8x128xf32, #tpu.memory_space<hbm>>) dst(%dma_wait3A_849 : memref<8x128xf32, #tpu.memory_space<vmem>>)
      %dma_wait3A_852 = arith.constant 6 : i32
      %dma_wait3A_853 = arith.constant 0 : i32
      %dma_wait3A_854 = arith.constant 0 : i32
      %dma_wait3A_855 = tpu.memref_slice %arg14[%dma_wait3A_852, %dma_wait3A_853, %dma_wait3A_854] : memref<16x8x128xf32, #tpu.memory_space<vmem>> -> memref<1x8x128xf32, #tpu.memory_space<vmem>>
      %dma_wait3A_856 = tpu.memref_squeeze %dma_wait3A_855 : memref<1x8x128xf32, #tpu.memory_space<vmem>> -> memref<8x128xf32, #tpu.memory_space<vmem>>
      %dma_wait3A_857 = tpu.memref_slice %arg2[%add3A_625, %multiple_of3A, %multiple_of3A_498] : memref<5x64x32768xf32, #tpu.memory_space<hbm>> -> memref<1x8x128xf32, #tpu.memory_space<hbm>>
      %dma_wait3A_858 = tpu.memref_squeeze %dma_wait3A_857 : memref<1x8x128xf32, #tpu.memory_space<hbm>> -> memref<8x128xf32, #tpu.memory_space<hbm>>
      %dma_wait3A_859 = arith.constant 0 : i32
      %dma_wait3A_860 = arith.constant 0 : i32
      %dma_wait3A_861 = tpu.memref_slice %arg14[%dma_wait3A_852, %dma_wait3A_859, %dma_wait3A_860] : memref<16x8x128xf32, #tpu.memory_space<vmem>> -> memref<1x8x128xf32, #tpu.memory_space<vmem>>
      %dma_wait3A_862 = tpu.memref_squeeze %dma_wait3A_861 : memref<1x8x128xf32, #tpu.memory_space<vmem>> -> memref<8x128xf32, #tpu.memory_space<vmem>>
      %dma_wait3A_863 = tpu.memref_slice %arg2[%add3A_625, %multiple_of3A, %multiple_of3A_498] : memref<5x64x32768xf32, #tpu.memory_space<hbm>> -> memref<1x8x128xf32, #tpu.memory_space<hbm>>
      %dma_wait3A_864 = tpu.memref_squeeze %dma_wait3A_863 : memref<1x8x128xf32, #tpu.memory_space<hbm>> -> memref<8x128xf32, #tpu.memory_space<hbm>>
      tpu.wait_dma2 semaphore(%arg19 : memref<!tpu.dma_semaphore, #tpu.memory_space<semaphore_mem>>) src(%dma_wait3A_864 : memref<8x128xf32, #tpu.memory_space<hbm>>) dst(%dma_wait3A_862 : memref<8x128xf32, #tpu.memory_space<vmem>>)
      %dma_wait3A_865 = arith.constant 7 : i32
      %dma_wait3A_866 = arith.constant 0 : i32
      %dma_wait3A_867 = arith.constant 0 : i32
      %dma_wait3A_868 = tpu.memref_slice %arg14[%dma_wait3A_865, %dma_wait3A_866, %dma_wait3A_867] : memref<16x8x128xf32, #tpu.memory_space<vmem>> -> memref<1x8x128xf32, #tpu.memory_space<vmem>>
      %dma_wait3A_869 = tpu.memref_squeeze %dma_wait3A_868 : memref<1x8x128xf32, #tpu.memory_space<vmem>> -> memref<8x128xf32, #tpu.memory_space<vmem>>
      %dma_wait3A_870 = tpu.memref_slice %arg2[%add3A_640, %multiple_of3A, %multiple_of3A_517] : memref<5x64x32768xf32, #tpu.memory_space<hbm>> -> memref<1x8x128xf32, #tpu.memory_space<hbm>>
      %dma_wait3A_871 = tpu.memref_squeeze %dma_wait3A_870 : memref<1x8x128xf32, #tpu.memory_space<hbm>> -> memref<8x128xf32, #tpu.memory_space<hbm>>
      %dma_wait3A_872 = arith.constant 0 : i32
      %dma_wait3A_873 = arith.constant 0 : i32
      %dma_wait3A_874 = tpu.memref_slice %arg14[%dma_wait3A_865, %dma_wait3A_872, %dma_wait3A_873] : memref<16x8x128xf32, #tpu.memory_space<vmem>> -> memref<1x8x128xf32, #tpu.memory_space<vmem>>
      %dma_wait3A_875 = tpu.memref_squeeze %dma_wait3A_874 : memref<1x8x128xf32, #tpu.memory_space<vmem>> -> memref<8x128xf32, #tpu.memory_space<vmem>>
      %dma_wait3A_876 = tpu.memref_slice %arg2[%add3A_640, %multiple_of3A, %multiple_of3A_517] : memref<5x64x32768xf32, #tpu.memory_space<hbm>> -> memref<1x8x128xf32, #tpu.memory_space<hbm>>
      %dma_wait3A_877 = tpu.memref_squeeze %dma_wait3A_876 : memref<1x8x128xf32, #tpu.memory_space<hbm>> -> memref<8x128xf32, #tpu.memory_space<hbm>>
      tpu.wait_dma2 semaphore(%arg19 : memref<!tpu.dma_semaphore, #tpu.memory_space<semaphore_mem>>) src(%dma_wait3A_877 : memref<8x128xf32, #tpu.memory_space<hbm>>) dst(%dma_wait3A_875 : memref<8x128xf32, #tpu.memory_space<vmem>>)
      %dma_wait3A_878 = arith.constant 8 : i32
      %dma_wait3A_879 = arith.constant 0 : i32
      %dma_wait3A_880 = arith.constant 0 : i32
      %dma_wait3A_881 = tpu.memref_slice %arg14[%dma_wait3A_878, %dma_wait3A_879, %dma_wait3A_880] : memref<16x8x128xf32, #tpu.memory_space<vmem>> -> memref<1x8x128xf32, #tpu.memory_space<vmem>>
      %dma_wait3A_882 = tpu.memref_squeeze %dma_wait3A_881 : memref<1x8x128xf32, #tpu.memory_space<vmem>> -> memref<8x128xf32, #tpu.memory_space<vmem>>
      %dma_wait3A_883 = tpu.memref_slice %arg2[%add3A_655, %multiple_of3A, %multiple_of3A_384] : memref<5x64x32768xf32, #tpu.memory_space<hbm>> -> memref<1x8x128xf32, #tpu.memory_space<hbm>>
      %dma_wait3A_884 = tpu.memref_squeeze %dma_wait3A_883 : memref<1x8x128xf32, #tpu.memory_space<hbm>> -> memref<8x128xf32, #tpu.memory_space<hbm>>
      %dma_wait3A_885 = arith.constant 0 : i32
      %dma_wait3A_886 = arith.constant 0 : i32
      %dma_wait3A_887 = tpu.memref_slice %arg14[%dma_wait3A_878, %dma_wait3A_885, %dma_wait3A_886] : memref<16x8x128xf32, #tpu.memory_space<vmem>> -> memref<1x8x128xf32, #tpu.memory_space<vmem>>
      %dma_wait3A_888 = tpu.memref_squeeze %dma_wait3A_887 : memref<1x8x128xf32, #tpu.memory_space<vmem>> -> memref<8x128xf32, #tpu.memory_space<vmem>>
      %dma_wait3A_889 = tpu.memref_slice %arg2[%add3A_655, %multiple_of3A, %multiple_of3A_384] : memref<5x64x32768xf32, #tpu.memory_space<hbm>> -> memref<1x8x128xf32, #tpu.memory_space<hbm>>
      %dma_wait3A_890 = tpu.memref_squeeze %dma_wait3A_889 : memref<1x8x128xf32, #tpu.memory_space<hbm>> -> memref<8x128xf32, #tpu.memory_space<hbm>>
      tpu.wait_dma2 semaphore(%arg19 : memref<!tpu.dma_semaphore, #tpu.memory_space<semaphore_mem>>) src(%dma_wait3A_890 : memref<8x128xf32, #tpu.memory_space<hbm>>) dst(%dma_wait3A_888 : memref<8x128xf32, #tpu.memory_space<vmem>>)
      %dma_wait3A_891 = arith.constant 9 : i32
      %dma_wait3A_892 = arith.constant 0 : i32
      %dma_wait3A_893 = arith.constant 0 : i32
      %dma_wait3A_894 = tpu.memref_slice %arg14[%dma_wait3A_891, %dma_wait3A_892, %dma_wait3A_893] : memref<16x8x128xf32, #tpu.memory_space<vmem>> -> memref<1x8x128xf32, #tpu.memory_space<vmem>>
      %dma_wait3A_895 = tpu.memref_squeeze %dma_wait3A_894 : memref<1x8x128xf32, #tpu.memory_space<vmem>> -> memref<8x128xf32, #tpu.memory_space<vmem>>
      %dma_wait3A_896 = tpu.memref_slice %arg2[%add3A_670, %multiple_of3A, %multiple_of3A_403] : memref<5x64x32768xf32, #tpu.memory_space<hbm>> -> memref<1x8x128xf32, #tpu.memory_space<hbm>>
      %dma_wait3A_897 = tpu.memref_squeeze %dma_wait3A_896 : memref<1x8x128xf32, #tpu.memory_space<hbm>> -> memref<8x128xf32, #tpu.memory_space<hbm>>
      %dma_wait3A_898 = arith.constant 0 : i32
      %dma_wait3A_899 = arith.constant 0 : i32
      %dma_wait3A_900 = tpu.memref_slice %arg14[%dma_wait3A_891, %dma_wait3A_898, %dma_wait3A_899] : memref<16x8x128xf32, #tpu.memory_space<vmem>> -> memref<1x8x128xf32, #tpu.memory_space<vmem>>
      %dma_wait3A_901 = tpu.memref_squeeze %dma_wait3A_900 : memref<1x8x128xf32, #tpu.memory_space<vmem>> -> memref<8x128xf32, #tpu.memory_space<vmem>>
      %dma_wait3A_902 = tpu.memref_slice %arg2[%add3A_670, %multiple_of3A, %multiple_of3A_403] : memref<5x64x32768xf32, #tpu.memory_space<hbm>> -> memref<1x8x128xf32, #tpu.memory_space<hbm>>
      %dma_wait3A_903 = tpu.memref_squeeze %dma_wait3A_902 : memref<1x8x128xf32, #tpu.memory_space<hbm>> -> memref<8x128xf32, #tpu.memory_space<hbm>>
      tpu.wait_dma2 semaphore(%arg19 : memref<!tpu.dma_semaphore, #tpu.memory_space<semaphore_mem>>) src(%dma_wait3A_903 : memref<8x128xf32, #tpu.memory_space<hbm>>) dst(%dma_wait3A_901 : memref<8x128xf32, #tpu.memory_space<vmem>>)
      %dma_wait3A_904 = arith.constant 10 : i32
      %dma_wait3A_905 = arith.constant 0 : i32
      %dma_wait3A_906 = arith.constant 0 : i32
      %dma_wait3A_907 = tpu.memref_slice %arg14[%dma_wait3A_904, %dma_wait3A_905, %dma_wait3A_906] : memref<16x8x128xf32, #tpu.memory_space<vmem>> -> memref<1x8x128xf32, #tpu.memory_space<vmem>>
      %dma_wait3A_908 = tpu.memref_squeeze %dma_wait3A_907 : memref<1x8x128xf32, #tpu.memory_space<vmem>> -> memref<8x128xf32, #tpu.memory_space<vmem>>
      %dma_wait3A_909 = tpu.memref_slice %arg2[%add3A_685, %multiple_of3A, %multiple_of3A_422] : memref<5x64x32768xf32, #tpu.memory_space<hbm>> -> memref<1x8x128xf32, #tpu.memory_space<hbm>>
      %dma_wait3A_910 = tpu.memref_squeeze %dma_wait3A_909 : memref<1x8x128xf32, #tpu.memory_space<hbm>> -> memref<8x128xf32, #tpu.memory_space<hbm>>
      %dma_wait3A_911 = arith.constant 0 : i32
      %dma_wait3A_912 = arith.constant 0 : i32
      %dma_wait3A_913 = tpu.memref_slice %arg14[%dma_wait3A_904, %dma_wait3A_911, %dma_wait3A_912] : memref<16x8x128xf32, #tpu.memory_space<vmem>> -> memref<1x8x128xf32, #tpu.memory_space<vmem>>
      %dma_wait3A_914 = tpu.memref_squeeze %dma_wait3A_913 : memref<1x8x128xf32, #tpu.memory_space<vmem>> -> memref<8x128xf32, #tpu.memory_space<vmem>>
      %dma_wait3A_915 = tpu.memref_slice %arg2[%add3A_685, %multiple_of3A, %multiple_of3A_422] : memref<5x64x32768xf32, #tpu.memory_space<hbm>> -> memref<1x8x128xf32, #tpu.memory_space<hbm>>
      %dma_wait3A_916 = tpu.memref_squeeze %dma_wait3A_915 : memref<1x8x128xf32, #tpu.memory_space<hbm>> -> memref<8x128xf32, #tpu.memory_space<hbm>>
      tpu.wait_dma2 semaphore(%arg19 : memref<!tpu.dma_semaphore, #tpu.memory_space<semaphore_mem>>) src(%dma_wait3A_916 : memref<8x128xf32, #tpu.memory_space<hbm>>) dst(%dma_wait3A_914 : memref<8x128xf32, #tpu.memory_space<vmem>>)
      %dma_wait3A_917 = arith.constant 11 : i32
      %dma_wait3A_918 = arith.constant 0 : i32
      %dma_wait3A_919 = arith.constant 0 : i32
      %dma_wait3A_920 = tpu.memref_slice %arg14[%dma_wait3A_917, %dma_wait3A_918, %dma_wait3A_919] : memref<16x8x128xf32, #tpu.memory_space<vmem>> -> memref<1x8x128xf32, #tpu.memory_space<vmem>>
      %dma_wait3A_921 = tpu.memref_squeeze %dma_wait3A_920 : memref<1x8x128xf32, #tpu.memory_space<vmem>> -> memref<8x128xf32, #tpu.memory_space<vmem>>
      %dma_wait3A_922 = tpu.memref_slice %arg2[%add3A_700, %multiple_of3A, %multiple_of3A_441] : memref<5x64x32768xf32, #tpu.memory_space<hbm>> -> memref<1x8x128xf32, #tpu.memory_space<hbm>>
      %dma_wait3A_923 = tpu.memref_squeeze %dma_wait3A_922 : memref<1x8x128xf32, #tpu.memory_space<hbm>> -> memref<8x128xf32, #tpu.memory_space<hbm>>
      %dma_wait3A_924 = arith.constant 0 : i32
      %dma_wait3A_925 = arith.constant 0 : i32
      %dma_wait3A_926 = tpu.memref_slice %arg14[%dma_wait3A_917, %dma_wait3A_924, %dma_wait3A_925] : memref<16x8x128xf32, #tpu.memory_space<vmem>> -> memref<1x8x128xf32, #tpu.memory_space<vmem>>
      %dma_wait3A_927 = tpu.memref_squeeze %dma_wait3A_926 : memref<1x8x128xf32, #tpu.memory_space<vmem>> -> memref<8x128xf32, #tpu.memory_space<vmem>>
      %dma_wait3A_928 = tpu.memref_slice %arg2[%add3A_700, %multiple_of3A, %multiple_of3A_441] : memref<5x64x32768xf32, #tpu.memory_space<hbm>> -> memref<1x8x128xf32, #tpu.memory_space<hbm>>
      %dma_wait3A_929 = tpu.memref_squeeze %dma_wait3A_928 : memref<1x8x128xf32, #tpu.memory_space<hbm>> -> memref<8x128xf32, #tpu.memory_space<hbm>>
      tpu.wait_dma2 semaphore(%arg19 : memref<!tpu.dma_semaphore, #tpu.memory_space<semaphore_mem>>) src(%dma_wait3A_929 : memref<8x128xf32, #tpu.memory_space<hbm>>) dst(%dma_wait3A_927 : memref<8x128xf32, #tpu.memory_space<vmem>>)
      %dma_wait3A_930 = arith.constant 12 : i32
      %dma_wait3A_931 = arith.constant 0 : i32
      %dma_wait3A_932 = arith.constant 0 : i32
      %dma_wait3A_933 = tpu.memref_slice %arg14[%dma_wait3A_930, %dma_wait3A_931, %dma_wait3A_932] : memref<16x8x128xf32, #tpu.memory_space<vmem>> -> memref<1x8x128xf32, #tpu.memory_space<vmem>>
      %dma_wait3A_934 = tpu.memref_squeeze %dma_wait3A_933 : memref<1x8x128xf32, #tpu.memory_space<vmem>> -> memref<8x128xf32, #tpu.memory_space<vmem>>
      %dma_wait3A_935 = tpu.memref_slice %arg2[%add3A_715, %multiple_of3A, %multiple_of3A_460] : memref<5x64x32768xf32, #tpu.memory_space<hbm>> -> memref<1x8x128xf32, #tpu.memory_space<hbm>>
      %dma_wait3A_936 = tpu.memref_squeeze %dma_wait3A_935 : memref<1x8x128xf32, #tpu.memory_space<hbm>> -> memref<8x128xf32, #tpu.memory_space<hbm>>
      %dma_wait3A_937 = arith.constant 0 : i32
      %dma_wait3A_938 = arith.constant 0 : i32
      %dma_wait3A_939 = tpu.memref_slice %arg14[%dma_wait3A_930, %dma_wait3A_937, %dma_wait3A_938] : memref<16x8x128xf32, #tpu.memory_space<vmem>> -> memref<1x8x128xf32, #tpu.memory_space<vmem>>
      %dma_wait3A_940 = tpu.memref_squeeze %dma_wait3A_939 : memref<1x8x128xf32, #tpu.memory_space<vmem>> -> memref<8x128xf32, #tpu.memory_space<vmem>>
      %dma_wait3A_941 = tpu.memref_slice %arg2[%add3A_715, %multiple_of3A, %multiple_of3A_460] : memref<5x64x32768xf32, #tpu.memory_space<hbm>> -> memref<1x8x128xf32, #tpu.memory_space<hbm>>
      %dma_wait3A_942 = tpu.memref_squeeze %dma_wait3A_941 : memref<1x8x128xf32, #tpu.memory_space<hbm>> -> memref<8x128xf32, #tpu.memory_space<hbm>>
      tpu.wait_dma2 semaphore(%arg19 : memref<!tpu.dma_semaphore, #tpu.memory_space<semaphore_mem>>) src(%dma_wait3A_942 : memref<8x128xf32, #tpu.memory_space<hbm>>) dst(%dma_wait3A_940 : memref<8x128xf32, #tpu.memory_space<vmem>>)
      %dma_wait3A_943 = arith.constant 13 : i32
      %dma_wait3A_944 = arith.constant 0 : i32
      %dma_wait3A_945 = arith.constant 0 : i32
      %dma_wait3A_946 = tpu.memref_slice %arg14[%dma_wait3A_943, %dma_wait3A_944, %dma_wait3A_945] : memref<16x8x128xf32, #tpu.memory_space<vmem>> -> memref<1x8x128xf32, #tpu.memory_space<vmem>>
      %dma_wait3A_947 = tpu.memref_squeeze %dma_wait3A_946 : memref<1x8x128xf32, #tpu.memory_space<vmem>> -> memref<8x128xf32, #tpu.memory_space<vmem>>
      %dma_wait3A_948 = tpu.memref_slice %arg2[%add3A_730, %multiple_of3A, %multiple_of3A_479] : memref<5x64x32768xf32, #tpu.memory_space<hbm>> -> memref<1x8x128xf32, #tpu.memory_space<hbm>>
      %dma_wait3A_949 = tpu.memref_squeeze %dma_wait3A_948 : memref<1x8x128xf32, #tpu.memory_space<hbm>> -> memref<8x128xf32, #tpu.memory_space<hbm>>
      %dma_wait3A_950 = arith.constant 0 : i32
      %dma_wait3A_951 = arith.constant 0 : i32
      %dma_wait3A_952 = tpu.memref_slice %arg14[%dma_wait3A_943, %dma_wait3A_950, %dma_wait3A_951] : memref<16x8x128xf32, #tpu.memory_space<vmem>> -> memref<1x8x128xf32, #tpu.memory_space<vmem>>
      %dma_wait3A_953 = tpu.memref_squeeze %dma_wait3A_952 : memref<1x8x128xf32, #tpu.memory_space<vmem>> -> memref<8x128xf32, #tpu.memory_space<vmem>>
      %dma_wait3A_954 = tpu.memref_slice %arg2[%add3A_730, %multiple_of3A, %multiple_of3A_479] : memref<5x64x32768xf32, #tpu.memory_space<hbm>> -> memref<1x8x128xf32, #tpu.memory_space<hbm>>
      %dma_wait3A_955 = tpu.memref_squeeze %dma_wait3A_954 : memref<1x8x128xf32, #tpu.memory_space<hbm>> -> memref<8x128xf32, #tpu.memory_space<hbm>>
      tpu.wait_dma2 semaphore(%arg19 : memref<!tpu.dma_semaphore, #tpu.memory_space<semaphore_mem>>) src(%dma_wait3A_955 : memref<8x128xf32, #tpu.memory_space<hbm>>) dst(%dma_wait3A_953 : memref<8x128xf32, #tpu.memory_space<vmem>>)
      %dma_wait3A_956 = arith.constant 14 : i32
      %dma_wait3A_957 = arith.constant 0 : i32
      %dma_wait3A_958 = arith.constant 0 : i32
      %dma_wait3A_959 = tpu.memref_slice %arg14[%dma_wait3A_956, %dma_wait3A_957, %dma_wait3A_958] : memref<16x8x128xf32, #tpu.memory_space<vmem>> -> memref<1x8x128xf32, #tpu.memory_space<vmem>>
      %dma_wait3A_960 = tpu.memref_squeeze %dma_wait3A_959 : memref<1x8x128xf32, #tpu.memory_space<vmem>> -> memref<8x128xf32, #tpu.memory_space<vmem>>
      %dma_wait3A_961 = tpu.memref_slice %arg2[%add3A_745, %multiple_of3A, %multiple_of3A_498] : memref<5x64x32768xf32, #tpu.memory_space<hbm>> -> memref<1x8x128xf32, #tpu.memory_space<hbm>>
      %dma_wait3A_962 = tpu.memref_squeeze %dma_wait3A_961 : memref<1x8x128xf32, #tpu.memory_space<hbm>> -> memref<8x128xf32, #tpu.memory_space<hbm>>
      %dma_wait3A_963 = arith.constant 0 : i32
      %dma_wait3A_964 = arith.constant 0 : i32
      %dma_wait3A_965 = tpu.memref_slice %arg14[%dma_wait3A_956, %dma_wait3A_963, %dma_wait3A_964] : memref<16x8x128xf32, #tpu.memory_space<vmem>> -> memref<1x8x128xf32, #tpu.memory_space<vmem>>
      %dma_wait3A_966 = tpu.memref_squeeze %dma_wait3A_965 : memref<1x8x128xf32, #tpu.memory_space<vmem>> -> memref<8x128xf32, #tpu.memory_space<vmem>>
      %dma_wait3A_967 = tpu.memref_slice %arg2[%add3A_745, %multiple_of3A, %multiple_of3A_498] : memref<5x64x32768xf32, #tpu.memory_space<hbm>> -> memref<1x8x128xf32, #tpu.memory_space<hbm>>
      %dma_wait3A_968 = tpu.memref_squeeze %dma_wait3A_967 : memref<1x8x128xf32, #tpu.memory_space<hbm>> -> memref<8x128xf32, #tpu.memory_space<hbm>>
      tpu.wait_dma2 semaphore(%arg19 : memref<!tpu.dma_semaphore, #tpu.memory_space<semaphore_mem>>) src(%dma_wait3A_968 : memref<8x128xf32, #tpu.memory_space<hbm>>) dst(%dma_wait3A_966 : memref<8x128xf32, #tpu.memory_space<vmem>>)
      %dma_wait3A_969 = arith.constant 15 : i32
      %dma_wait3A_970 = arith.constant 0 : i32
      %dma_wait3A_971 = arith.constant 0 : i32
      %dma_wait3A_972 = tpu.memref_slice %arg14[%dma_wait3A_969, %dma_wait3A_970, %dma_wait3A_971] : memref<16x8x128xf32, #tpu.memory_space<vmem>> -> memref<1x8x128xf32, #tpu.memory_space<vmem>>
      %dma_wait3A_973 = tpu.memref_squeeze %dma_wait3A_972 : memref<1x8x128xf32, #tpu.memory_space<vmem>> -> memref<8x128xf32, #tpu.memory_space<vmem>>
      %dma_wait3A_974 = tpu.memref_slice %arg2[%add3A_760, %multiple_of3A, %multiple_of3A_517] : memref<5x64x32768xf32, #tpu.memory_space<hbm>> -> memref<1x8x128xf32, #tpu.memory_space<hbm>>
      %dma_wait3A_975 = tpu.memref_squeeze %dma_wait3A_974 : memref<1x8x128xf32, #tpu.memory_space<hbm>> -> memref<8x128xf32, #tpu.memory_space<hbm>>
      %dma_wait3A_976 = arith.constant 0 : i32
      %dma_wait3A_977 = arith.constant 0 : i32
      %dma_wait3A_978 = tpu.memref_slice %arg14[%dma_wait3A_969, %dma_wait3A_976, %dma_wait3A_977] : memref<16x8x128xf32, #tpu.memory_space<vmem>> -> memref<1x8x128xf32, #tpu.memory_space<vmem>>
      %dma_wait3A_979 = tpu.memref_squeeze %dma_wait3A_978 : memref<1x8x128xf32, #tpu.memory_space<vmem>> -> memref<8x128xf32, #tpu.memory_space<vmem>>
      %dma_wait3A_980 = tpu.memref_slice %arg2[%add3A_760, %multiple_of3A, %multiple_of3A_517] : memref<5x64x32768xf32, #tpu.memory_space<hbm>> -> memref<1x8x128xf32, #tpu.memory_space<hbm>>
      %dma_wait3A_981 = tpu.memref_squeeze %dma_wait3A_980 : memref<1x8x128xf32, #tpu.memory_space<hbm>> -> memref<8x128xf32, #tpu.memory_space<hbm>>
      tpu.wait_dma2 semaphore(%arg19 : memref<!tpu.dma_semaphore, #tpu.memory_space<semaphore_mem>>) src(%dma_wait3A_981 : memref<8x128xf32, #tpu.memory_space<hbm>>) dst(%dma_wait3A_979 : memref<8x128xf32, #tpu.memory_space<vmem>>)
      %and3A_982 = arith.constant 7 : i32
      %and3A_983 = vector.broadcast %and3A_982 : i32 to vector<16xi32>
      %and3A_984 = arith.andi %iota3A, %and3A_983 : vector<16xi32>
      %add3A_985 = arith.constant 0 : i32
      %add3A_986 = vector.broadcast %add3A_985 : i32 to vector<16xi32>
      %add3A_987 = arith.addi %add3A_986, %and3A_984 : vector<16xi32>
      %and3A_988 = arith.constant 7 : i32
      %and3A_989 = vector.broadcast %and3A_988 : i32 to vector<16xi32>
      %and3A_990 = arith.andi %iota3A, %and3A_989 : vector<16xi32>
      %gather3A = tpu.vector_load_idx %arg14[%add3A_987, %and3A_990, %and3A_366] : memref<16x8x128xf32, #tpu.memory_space<vmem>>[vector<16xi32>, vector<16xi32>, vector<16xi32>], vector<16xf32>,
      %swap3A_991 = arith.constant 0 : index
      %swap3A_992 = tpu.vector_load %arg16[%swap3A_991] {strides = array<i32>} : memref<16xf32, #tpu.memory_space<vmem>>, vector<16xf32>,
      tpu.vector_store %arg16[%swap3A_991], %gather3A {strides = array<i32>} : memref<16xf32, #tpu.memory_space<vmem>>, vector<16xf32>,
      %add3A_993 = arith.constant 0 : i32
      %add3A_994 = arith.addi %add3A_533, %add3A_993 : i32
      %sub3A = arith.constant 1 : i32
      %sub3A_995 = arith.subi %add3A_994, %sub3A : i32
      %mul3A_996 = arith.constant 128 : i32
      %mul3A_997 = arith.muli %sub3A_995, %mul3A_996 : i32
      %add3A_998 = arith.addi %mul3A_997, %multiple_of3A : i32
      %multiple_of3A_999 = tpu.assume_multiple %add3A_998, 8 : i32
      "tpu.region"() ({
        %run_scoped3A = tpu.sem_alloc : memref<!tpu.dma_semaphore, #tpu.memory_space<semaphore_mem>>
        %dma_start3A_1020 = arith.constant 0 : i32
        %dma_start3A_1021 = tpu.memref_slice %arg16[%dma_start3A_1020] : memref<16xf32, #tpu.memory_space<vmem>> -> memref<8xf32, #tpu.memory_space<vmem>>
        %dma_start3A_1022 = tpu.memref_slice %arg5[%multiple_of3A_999] : memref<512xf32, #tpu.memory_space<hbm>> -> memref<8xf32, #tpu.memory_space<hbm>>
        %dma_start3A_1023 = tpu.memref_slice %arg5[%multiple_of3A_999] : memref<512xf32, #tpu.memory_space<hbm>> -> memref<8xf32, #tpu.memory_space<hbm>>
        %dma_start3A_1024 = arith.constant 0 : i32
        %dma_start3A_1025 = tpu.memref_slice %arg16[%dma_start3A_1024] : memref<16xf32, #tpu.memory_space<vmem>> -> memref<8xf32, #tpu.memory_space<vmem>>
        tpu.enqueue_dma source(%dma_start3A_1025 : memref<8xf32, #tpu.memory_space<vmem>>) target(%dma_start3A_1023 : memref<8xf32, #tpu.memory_space<hbm>>) target_semaphore(%run_scoped3A : memref<!tpu.dma_semaphore, #tpu.memory_space<semaphore_mem>>)
        %dma_wait3A_1026 = arith.constant 0 : i32
        %dma_wait3A_1027 = tpu.memref_slice %arg16[%dma_wait3A_1026] : memref<16xf32, #tpu.memory_space<vmem>> -> memref<8xf32, #tpu.memory_space<vmem>>
        %dma_wait3A_1028 = tpu.memref_slice %arg5[%multiple_of3A_999] : memref<512xf32, #tpu.memory_space<hbm>> -> memref<8xf32, #tpu.memory_space<hbm>>
        %dma_wait3A_1029 = tpu.memref_slice %arg5[%multiple_of3A_999] : memref<512xf32, #tpu.memory_space<hbm>> -> memref<8xf32, #tpu.memory_space<hbm>>
        %dma_wait3A_1030 = arith.constant 0 : i32
        %dma_wait3A_1031 = tpu.memref_slice %arg16[%dma_wait3A_1030] : memref<16xf32, #tpu.memory_space<vmem>> -> memref<8xf32, #tpu.memory_space<vmem>>
        tpu.wait_dma2 semaphore(%run_scoped3A : memref<!tpu.dma_semaphore, #tpu.memory_space<semaphore_mem>>) src(%dma_wait3A_1031 : memref<8xf32, #tpu.memory_space<vmem>>) dst(%dma_wait3A_1029 : memref<8xf32, #tpu.memory_space<hbm>>)
        tpu.yield
      }) : () -> ()
      %and3A_1000 = arith.constant 7 : i32
      %and3A_1001 = vector.broadcast %and3A_1000 : i32 to vector<16xi32>
      %and3A_1002 = arith.andi %iota3A, %and3A_1001 : vector<16xi32>
      %add3A_1003 = arith.constant 8 : i32
      %add3A_1004 = vector.broadcast %add3A_1003 : i32 to vector<16xi32>
      %add3A_1005 = arith.addi %add3A_1004, %and3A_1002 : vector<16xi32>
      %and3A_1006 = arith.constant 7 : i32
      %and3A_1007 = vector.broadcast %and3A_1006 : i32 to vector<16xi32>
      %and3A_1008 = arith.andi %iota3A, %and3A_1007 : vector<16xi32>
      %gather3A_1009 = tpu.vector_load_idx %arg14[%add3A_1005, %and3A_1008, %and3A_366] : memref<16x8x128xf32, #tpu.memory_space<vmem>>[vector<16xi32>, vector<16xi32>, vector<16xi32>], vector<16xf32>,
      %swap3A_1010 = arith.constant 0 : index
      %swap3A_1011 = tpu.vector_load %arg16[%swap3A_1010] {strides = array<i32>} : memref<16xf32, #tpu.memory_space<vmem>>, vector<16xf32>,
      tpu.vector_store %arg16[%swap3A_1010], %gather3A_1009 {strides = array<i32>} : memref<16xf32, #tpu.memory_space<vmem>>, vector<16xf32>,
      %add3A_1012 = arith.constant 1 : i32
      %add3A_1013 = arith.addi %add3A_533, %add3A_1012 : i32
      %sub3A_1014 = arith.constant 1 : i32
      %sub3A_1015 = arith.subi %add3A_1013, %sub3A_1014 : i32
      %mul3A_1016 = arith.constant 128 : i32
      %mul3A_1017 = arith.muli %sub3A_1015, %mul3A_1016 : i32
      %add3A_1018 = arith.addi %mul3A_1017, %multiple_of3A : i32
      %multiple_of3A_1019 = tpu.assume_multiple %add3A_1018, 8 : i32
      "tpu.region"() ({
        %run_scoped3A = tpu.sem_alloc : memref<!tpu.dma_semaphore, #tpu.memory_space<semaphore_mem>>
        %dma_start3A_1020 = arith.constant 0 : i32
        %dma_start3A_1021 = tpu.memref_slice %arg16[%dma_start3A_1020] : memref<16xf32, #tpu.memory_space<vmem>> -> memref<8xf32, #tpu.memory_space<vmem>>
        %dma_start3A_1022 = tpu.memref_slice %arg5[%multiple_of3A_1019] : memref<512xf32, #tpu.memory_space<hbm>> -> memref<8xf32, #tpu.memory_space<hbm>>
        %dma_start3A_1023 = tpu.memref_slice %arg5[%multiple_of3A_1019] : memref<512xf32, #tpu.memory_space<hbm>> -> memref<8xf32, #tpu.memory_space<hbm>>
        %dma_start3A_1024 = arith.constant 0 : i32
        %dma_start3A_1025 = tpu.memref_slice %arg16[%dma_start3A_1024] : memref<16xf32, #tpu.memory_space<vmem>> -> memref<8xf32, #tpu.memory_space<vmem>>
        tpu.enqueue_dma source(%dma_start3A_1025 : memref<8xf32, #tpu.memory_space<vmem>>) target(%dma_start3A_1023 : memref<8xf32, #tpu.memory_space<hbm>>) target_semaphore(%run_scoped3A : memref<!tpu.dma_semaphore, #tpu.memory_space<semaphore_mem>>)
        %dma_wait3A_1026 = arith.constant 0 : i32
        %dma_wait3A_1027 = tpu.memref_slice %arg16[%dma_wait3A_1026] : memref<16xf32, #tpu.memory_space<vmem>> -> memref<8xf32, #tpu.memory_space<vmem>>
        %dma_wait3A_1028 = tpu.memref_slice %arg5[%multiple_of3A_1019] : memref<512xf32, #tpu.memory_space<hbm>> -> memref<8xf32, #tpu.memory_space<hbm>>
        %dma_wait3A_1029 = tpu.memref_slice %arg5[%multiple_of3A_1019] : memref<512xf32, #tpu.memory_space<hbm>> -> memref<8xf32, #tpu.memory_space<hbm>>
        %dma_wait3A_1030 = arith.constant 0 : i32
        %dma_wait3A_1031 = tpu.memref_slice %arg16[%dma_wait3A_1030] : memref<16xf32, #tpu.memory_space<vmem>> -> memref<8xf32, #tpu.memory_space<vmem>>
        tpu.wait_dma2 semaphore(%run_scoped3A : memref<!tpu.dma_semaphore, #tpu.memory_space<semaphore_mem>>) src(%dma_wait3A_1031 : memref<8xf32, #tpu.memory_space<vmem>>) dst(%dma_wait3A_1029 : memref<8xf32, #tpu.memory_space<hbm>>)
        tpu.yield
      }) : () -> ()
    } else {
    }
    %eq3A_520 = arith.constant 2 : i32
    %eq3A_521 = arith.cmpi eq, %and3A_2, %eq3A_520 : i32
    %convert_element_type3A_522 = arith.extui %eq3A_521 : i1 to i32
    %cond3A_523 = arith.constant 0 : i32
    %cond3A_524 = arith.cmpi ne, %convert_element_type3A_522, %cond3A_523 : i32
    scf.if %cond3A_524 {
      %add3A_530 = arith.constant 0 : i32
      %add3A_531 = arith.addi %multiple_of3A, %add3A_530 : i32
      %dma_start3A_532 = arith.constant 0 : i32
      %dma_start3A_533 = arith.constant 0 : i32
      %dma_start3A_534 = arith.constant 0 : i32
      %dma_start3A_535 = tpu.memref_slice %arg15[%dma_start3A_532, %dma_start3A_533, %dma_start3A_534] : memref<8x2x128xf32, #tpu.memory_space<vmem>> -> memref<1x2x128xf32, #tpu.memory_space<vmem>>
      %dma_start3A_536 = tpu.memref_squeeze %dma_start3A_535 : memref<1x2x128xf32, #tpu.memory_space<vmem>> -> memref<2x128xf32, #tpu.memory_space<vmem>>
      %dma_start3A_537 = arith.constant 0 : i32
      %dma_start3A_538 = tpu.memref_slice %arg3[%add3A_531, %dma_start3A_537, %multiple_of3A_384] : memref<64x2x32768xf32, #tpu.memory_space<hbm>> -> memref<1x2x128xf32, #tpu.memory_space<hbm>>
      %dma_start3A_539 = tpu.memref_squeeze %dma_start3A_538 : memref<1x2x128xf32, #tpu.memory_space<hbm>> -> memref<2x128xf32, #tpu.memory_space<hbm>>
      %dma_start3A_540 = arith.constant 0 : i32
      %dma_start3A_541 = arith.constant 0 : i32
      %dma_start3A_542 = tpu.memref_slice %arg15[%dma_start3A_532, %dma_start3A_540, %dma_start3A_541] : memref<8x2x128xf32, #tpu.memory_space<vmem>> -> memref<1x2x128xf32, #tpu.memory_space<vmem>>
      %dma_start3A_543 = tpu.memref_squeeze %dma_start3A_542 : memref<1x2x128xf32, #tpu.memory_space<vmem>> -> memref<2x128xf32, #tpu.memory_space<vmem>>
      %dma_start3A_544 = arith.constant 0 : i32
      %dma_start3A_545 = tpu.memref_slice %arg3[%add3A_531, %dma_start3A_544, %multiple_of3A_384] : memref<64x2x32768xf32, #tpu.memory_space<hbm>> -> memref<1x2x128xf32, #tpu.memory_space<hbm>>
      %dma_start3A_546 = tpu.memref_squeeze %dma_start3A_545 : memref<1x2x128xf32, #tpu.memory_space<hbm>> -> memref<2x128xf32, #tpu.memory_space<hbm>>
      tpu.enqueue_dma source(%dma_start3A_546 : memref<2x128xf32, #tpu.memory_space<hbm>>) target(%dma_start3A_543 : memref<2x128xf32, #tpu.memory_space<vmem>>) target_semaphore(%arg19 : memref<!tpu.dma_semaphore, #tpu.memory_space<semaphore_mem>>)
      %add3A_547 = arith.constant 1 : i32
      %add3A_548 = arith.addi %multiple_of3A, %add3A_547 : i32
      %dma_start3A_549 = arith.constant 1 : i32
      %dma_start3A_550 = arith.constant 0 : i32
      %dma_start3A_551 = arith.constant 0 : i32
      %dma_start3A_552 = tpu.memref_slice %arg15[%dma_start3A_549, %dma_start3A_550, %dma_start3A_551] : memref<8x2x128xf32, #tpu.memory_space<vmem>> -> memref<1x2x128xf32, #tpu.memory_space<vmem>>
      %dma_start3A_553 = tpu.memref_squeeze %dma_start3A_552 : memref<1x2x128xf32, #tpu.memory_space<vmem>> -> memref<2x128xf32, #tpu.memory_space<vmem>>
      %dma_start3A_554 = arith.constant 0 : i32
      %dma_start3A_555 = tpu.memref_slice %arg3[%add3A_548, %dma_start3A_554, %multiple_of3A_403] : memref<64x2x32768xf32, #tpu.memory_space<hbm>> -> memref<1x2x128xf32, #tpu.memory_space<hbm>>
      %dma_start3A_556 = tpu.memref_squeeze %dma_start3A_555 : memref<1x2x128xf32, #tpu.memory_space<hbm>> -> memref<2x128xf32, #tpu.memory_space<hbm>>
      %dma_start3A_557 = arith.constant 0 : i32
      %dma_start3A_558 = arith.constant 0 : i32
      %dma_start3A_559 = tpu.memref_slice %arg15[%dma_start3A_549, %dma_start3A_557, %dma_start3A_558] : memref<8x2x128xf32, #tpu.memory_space<vmem>> -> memref<1x2x128xf32, #tpu.memory_space<vmem>>
      %dma_start3A_560 = tpu.memref_squeeze %dma_start3A_559 : memref<1x2x128xf32, #tpu.memory_space<vmem>> -> memref<2x128xf32, #tpu.memory_space<vmem>>
      %dma_start3A_561 = arith.constant 0 : i32
      %dma_start3A_562 = tpu.memref_slice %arg3[%add3A_548, %dma_start3A_561, %multiple_of3A_403] : memref<64x2x32768xf32, #tpu.memory_space<hbm>> -> memref<1x2x128xf32, #tpu.memory_space<hbm>>
      %dma_start3A_563 = tpu.memref_squeeze %dma_start3A_562 : memref<1x2x128xf32, #tpu.memory_space<hbm>> -> memref<2x128xf32, #tpu.memory_space<hbm>>
      tpu.enqueue_dma source(%dma_start3A_563 : memref<2x128xf32, #tpu.memory_space<hbm>>) target(%dma_start3A_560 : memref<2x128xf32, #tpu.memory_space<vmem>>) target_semaphore(%arg19 : memref<!tpu.dma_semaphore, #tpu.memory_space<semaphore_mem>>)
      %add3A_564 = arith.constant 2 : i32
      %add3A_565 = arith.addi %multiple_of3A, %add3A_564 : i32
      %dma_start3A_566 = arith.constant 2 : i32
      %dma_start3A_567 = arith.constant 0 : i32
      %dma_start3A_568 = arith.constant 0 : i32
      %dma_start3A_569 = tpu.memref_slice %arg15[%dma_start3A_566, %dma_start3A_567, %dma_start3A_568] : memref<8x2x128xf32, #tpu.memory_space<vmem>> -> memref<1x2x128xf32, #tpu.memory_space<vmem>>
      %dma_start3A_570 = tpu.memref_squeeze %dma_start3A_569 : memref<1x2x128xf32, #tpu.memory_space<vmem>> -> memref<2x128xf32, #tpu.memory_space<vmem>>
      %dma_start3A_571 = arith.constant 0 : i32
      %dma_start3A_572 = tpu.memref_slice %arg3[%add3A_565, %dma_start3A_571, %multiple_of3A_422] : memref<64x2x32768xf32, #tpu.memory_space<hbm>> -> memref<1x2x128xf32, #tpu.memory_space<hbm>>
      %dma_start3A_573 = tpu.memref_squeeze %dma_start3A_572 : memref<1x2x128xf32, #tpu.memory_space<hbm>> -> memref<2x128xf32, #tpu.memory_space<hbm>>
      %dma_start3A_574 = arith.constant 0 : i32
      %dma_start3A_575 = arith.constant 0 : i32
      %dma_start3A_576 = tpu.memref_slice %arg15[%dma_start3A_566, %dma_start3A_574, %dma_start3A_575] : memref<8x2x128xf32, #tpu.memory_space<vmem>> -> memref<1x2x128xf32, #tpu.memory_space<vmem>>
      %dma_start3A_577 = tpu.memref_squeeze %dma_start3A_576 : memref<1x2x128xf32, #tpu.memory_space<vmem>> -> memref<2x128xf32, #tpu.memory_space<vmem>>
      %dma_start3A_578 = arith.constant 0 : i32
      %dma_start3A_579 = tpu.memref_slice %arg3[%add3A_565, %dma_start3A_578, %multiple_of3A_422] : memref<64x2x32768xf32, #tpu.memory_space<hbm>> -> memref<1x2x128xf32, #tpu.memory_space<hbm>>
      %dma_start3A_580 = tpu.memref_squeeze %dma_start3A_579 : memref<1x2x128xf32, #tpu.memory_space<hbm>> -> memref<2x128xf32, #tpu.memory_space<hbm>>
      tpu.enqueue_dma source(%dma_start3A_580 : memref<2x128xf32, #tpu.memory_space<hbm>>) target(%dma_start3A_577 : memref<2x128xf32, #tpu.memory_space<vmem>>) target_semaphore(%arg19 : memref<!tpu.dma_semaphore, #tpu.memory_space<semaphore_mem>>)
      %add3A_581 = arith.constant 3 : i32
      %add3A_582 = arith.addi %multiple_of3A, %add3A_581 : i32
      %dma_start3A_583 = arith.constant 3 : i32
      %dma_start3A_584 = arith.constant 0 : i32
      %dma_start3A_585 = arith.constant 0 : i32
      %dma_start3A_586 = tpu.memref_slice %arg15[%dma_start3A_583, %dma_start3A_584, %dma_start3A_585] : memref<8x2x128xf32, #tpu.memory_space<vmem>> -> memref<1x2x128xf32, #tpu.memory_space<vmem>>
      %dma_start3A_587 = tpu.memref_squeeze %dma_start3A_586 : memref<1x2x128xf32, #tpu.memory_space<vmem>> -> memref<2x128xf32, #tpu.memory_space<vmem>>
      %dma_start3A_588 = arith.constant 0 : i32
      %dma_start3A_589 = tpu.memref_slice %arg3[%add3A_582, %dma_start3A_588, %multiple_of3A_441] : memref<64x2x32768xf32, #tpu.memory_space<hbm>> -> memref<1x2x128xf32, #tpu.memory_space<hbm>>
      %dma_start3A_590 = tpu.memref_squeeze %dma_start3A_589 : memref<1x2x128xf32, #tpu.memory_space<hbm>> -> memref<2x128xf32, #tpu.memory_space<hbm>>
      %dma_start3A_591 = arith.constant 0 : i32
      %dma_start3A_592 = arith.constant 0 : i32
      %dma_start3A_593 = tpu.memref_slice %arg15[%dma_start3A_583, %dma_start3A_591, %dma_start3A_592] : memref<8x2x128xf32, #tpu.memory_space<vmem>> -> memref<1x2x128xf32, #tpu.memory_space<vmem>>
      %dma_start3A_594 = tpu.memref_squeeze %dma_start3A_593 : memref<1x2x128xf32, #tpu.memory_space<vmem>> -> memref<2x128xf32, #tpu.memory_space<vmem>>
      %dma_start3A_595 = arith.constant 0 : i32
      %dma_start3A_596 = tpu.memref_slice %arg3[%add3A_582, %dma_start3A_595, %multiple_of3A_441] : memref<64x2x32768xf32, #tpu.memory_space<hbm>> -> memref<1x2x128xf32, #tpu.memory_space<hbm>>
      %dma_start3A_597 = tpu.memref_squeeze %dma_start3A_596 : memref<1x2x128xf32, #tpu.memory_space<hbm>> -> memref<2x128xf32, #tpu.memory_space<hbm>>
      tpu.enqueue_dma source(%dma_start3A_597 : memref<2x128xf32, #tpu.memory_space<hbm>>) target(%dma_start3A_594 : memref<2x128xf32, #tpu.memory_space<vmem>>) target_semaphore(%arg19 : memref<!tpu.dma_semaphore, #tpu.memory_space<semaphore_mem>>)
      %add3A_598 = arith.constant 4 : i32
      %add3A_599 = arith.addi %multiple_of3A, %add3A_598 : i32
      %dma_start3A_600 = arith.constant 4 : i32
      %dma_start3A_601 = arith.constant 0 : i32
      %dma_start3A_602 = arith.constant 0 : i32
      %dma_start3A_603 = tpu.memref_slice %arg15[%dma_start3A_600, %dma_start3A_601, %dma_start3A_602] : memref<8x2x128xf32, #tpu.memory_space<vmem>> -> memref<1x2x128xf32, #tpu.memory_space<vmem>>
      %dma_start3A_604 = tpu.memref_squeeze %dma_start3A_603 : memref<1x2x128xf32, #tpu.memory_space<vmem>> -> memref<2x128xf32, #tpu.memory_space<vmem>>
      %dma_start3A_605 = arith.constant 0 : i32
      %dma_start3A_606 = tpu.memref_slice %arg3[%add3A_599, %dma_start3A_605, %multiple_of3A_460] : memref<64x2x32768xf32, #tpu.memory_space<hbm>> -> memref<1x2x128xf32, #tpu.memory_space<hbm>>
      %dma_start3A_607 = tpu.memref_squeeze %dma_start3A_606 : memref<1x2x128xf32, #tpu.memory_space<hbm>> -> memref<2x128xf32, #tpu.memory_space<hbm>>
      %dma_start3A_608 = arith.constant 0 : i32
      %dma_start3A_609 = arith.constant 0 : i32
      %dma_start3A_610 = tpu.memref_slice %arg15[%dma_start3A_600, %dma_start3A_608, %dma_start3A_609] : memref<8x2x128xf32, #tpu.memory_space<vmem>> -> memref<1x2x128xf32, #tpu.memory_space<vmem>>
      %dma_start3A_611 = tpu.memref_squeeze %dma_start3A_610 : memref<1x2x128xf32, #tpu.memory_space<vmem>> -> memref<2x128xf32, #tpu.memory_space<vmem>>
      %dma_start3A_612 = arith.constant 0 : i32
      %dma_start3A_613 = tpu.memref_slice %arg3[%add3A_599, %dma_start3A_612, %multiple_of3A_460] : memref<64x2x32768xf32, #tpu.memory_space<hbm>> -> memref<1x2x128xf32, #tpu.memory_space<hbm>>
      %dma_start3A_614 = tpu.memref_squeeze %dma_start3A_613 : memref<1x2x128xf32, #tpu.memory_space<hbm>> -> memref<2x128xf32, #tpu.memory_space<hbm>>
      tpu.enqueue_dma source(%dma_start3A_614 : memref<2x128xf32, #tpu.memory_space<hbm>>) target(%dma_start3A_611 : memref<2x128xf32, #tpu.memory_space<vmem>>) target_semaphore(%arg19 : memref<!tpu.dma_semaphore, #tpu.memory_space<semaphore_mem>>)
      %add3A_615 = arith.constant 5 : i32
      %add3A_616 = arith.addi %multiple_of3A, %add3A_615 : i32
      %dma_start3A_617 = arith.constant 5 : i32
      %dma_start3A_618 = arith.constant 0 : i32
      %dma_start3A_619 = arith.constant 0 : i32
      %dma_start3A_620 = tpu.memref_slice %arg15[%dma_start3A_617, %dma_start3A_618, %dma_start3A_619] : memref<8x2x128xf32, #tpu.memory_space<vmem>> -> memref<1x2x128xf32, #tpu.memory_space<vmem>>
      %dma_start3A_621 = tpu.memref_squeeze %dma_start3A_620 : memref<1x2x128xf32, #tpu.memory_space<vmem>> -> memref<2x128xf32, #tpu.memory_space<vmem>>
      %dma_start3A_622 = arith.constant 0 : i32
      %dma_start3A_623 = tpu.memref_slice %arg3[%add3A_616, %dma_start3A_622, %multiple_of3A_479] : memref<64x2x32768xf32, #tpu.memory_space<hbm>> -> memref<1x2x128xf32, #tpu.memory_space<hbm>>
      %dma_start3A_624 = tpu.memref_squeeze %dma_start3A_623 : memref<1x2x128xf32, #tpu.memory_space<hbm>> -> memref<2x128xf32, #tpu.memory_space<hbm>>
      %dma_start3A_625 = arith.constant 0 : i32
      %dma_start3A_626 = arith.constant 0 : i32
      %dma_start3A_627 = tpu.memref_slice %arg15[%dma_start3A_617, %dma_start3A_625, %dma_start3A_626] : memref<8x2x128xf32, #tpu.memory_space<vmem>> -> memref<1x2x128xf32, #tpu.memory_space<vmem>>
      %dma_start3A_628 = tpu.memref_squeeze %dma_start3A_627 : memref<1x2x128xf32, #tpu.memory_space<vmem>> -> memref<2x128xf32, #tpu.memory_space<vmem>>
      %dma_start3A_629 = arith.constant 0 : i32
      %dma_start3A_630 = tpu.memref_slice %arg3[%add3A_616, %dma_start3A_629, %multiple_of3A_479] : memref<64x2x32768xf32, #tpu.memory_space<hbm>> -> memref<1x2x128xf32, #tpu.memory_space<hbm>>
      %dma_start3A_631 = tpu.memref_squeeze %dma_start3A_630 : memref<1x2x128xf32, #tpu.memory_space<hbm>> -> memref<2x128xf32, #tpu.memory_space<hbm>>
      tpu.enqueue_dma source(%dma_start3A_631 : memref<2x128xf32, #tpu.memory_space<hbm>>) target(%dma_start3A_628 : memref<2x128xf32, #tpu.memory_space<vmem>>) target_semaphore(%arg19 : memref<!tpu.dma_semaphore, #tpu.memory_space<semaphore_mem>>)
      %add3A_632 = arith.constant 6 : i32
      %add3A_633 = arith.addi %multiple_of3A, %add3A_632 : i32
      %dma_start3A_634 = arith.constant 6 : i32
      %dma_start3A_635 = arith.constant 0 : i32
      %dma_start3A_636 = arith.constant 0 : i32
      %dma_start3A_637 = tpu.memref_slice %arg15[%dma_start3A_634, %dma_start3A_635, %dma_start3A_636] : memref<8x2x128xf32, #tpu.memory_space<vmem>> -> memref<1x2x128xf32, #tpu.memory_space<vmem>>
      %dma_start3A_638 = tpu.memref_squeeze %dma_start3A_637 : memref<1x2x128xf32, #tpu.memory_space<vmem>> -> memref<2x128xf32, #tpu.memory_space<vmem>>
      %dma_start3A_639 = arith.constant 0 : i32
      %dma_start3A_640 = tpu.memref_slice %arg3[%add3A_633, %dma_start3A_639, %multiple_of3A_498] : memref<64x2x32768xf32, #tpu.memory_space<hbm>> -> memref<1x2x128xf32, #tpu.memory_space<hbm>>
      %dma_start3A_641 = tpu.memref_squeeze %dma_start3A_640 : memref<1x2x128xf32, #tpu.memory_space<hbm>> -> memref<2x128xf32, #tpu.memory_space<hbm>>
      %dma_start3A_642 = arith.constant 0 : i32
      %dma_start3A_643 = arith.constant 0 : i32
      %dma_start3A_644 = tpu.memref_slice %arg15[%dma_start3A_634, %dma_start3A_642, %dma_start3A_643] : memref<8x2x128xf32, #tpu.memory_space<vmem>> -> memref<1x2x128xf32, #tpu.memory_space<vmem>>
      %dma_start3A_645 = tpu.memref_squeeze %dma_start3A_644 : memref<1x2x128xf32, #tpu.memory_space<vmem>> -> memref<2x128xf32, #tpu.memory_space<vmem>>
      %dma_start3A_646 = arith.constant 0 : i32
      %dma_start3A_647 = tpu.memref_slice %arg3[%add3A_633, %dma_start3A_646, %multiple_of3A_498] : memref<64x2x32768xf32, #tpu.memory_space<hbm>> -> memref<1x2x128xf32, #tpu.memory_space<hbm>>
      %dma_start3A_648 = tpu.memref_squeeze %dma_start3A_647 : memref<1x2x128xf32, #tpu.memory_space<hbm>> -> memref<2x128xf32, #tpu.memory_space<hbm>>
      tpu.enqueue_dma source(%dma_start3A_648 : memref<2x128xf32, #tpu.memory_space<hbm>>) target(%dma_start3A_645 : memref<2x128xf32, #tpu.memory_space<vmem>>) target_semaphore(%arg19 : memref<!tpu.dma_semaphore, #tpu.memory_space<semaphore_mem>>)
      %add3A_649 = arith.constant 7 : i32
      %add3A_650 = arith.addi %multiple_of3A, %add3A_649 : i32
      %dma_start3A_651 = arith.constant 7 : i32
      %dma_start3A_652 = arith.constant 0 : i32
      %dma_start3A_653 = arith.constant 0 : i32
      %dma_start3A_654 = tpu.memref_slice %arg15[%dma_start3A_651, %dma_start3A_652, %dma_start3A_653] : memref<8x2x128xf32, #tpu.memory_space<vmem>> -> memref<1x2x128xf32, #tpu.memory_space<vmem>>
      %dma_start3A_655 = tpu.memref_squeeze %dma_start3A_654 : memref<1x2x128xf32, #tpu.memory_space<vmem>> -> memref<2x128xf32, #tpu.memory_space<vmem>>
      %dma_start3A_656 = arith.constant 0 : i32
      %dma_start3A_657 = tpu.memref_slice %arg3[%add3A_650, %dma_start3A_656, %multiple_of3A_517] : memref<64x2x32768xf32, #tpu.memory_space<hbm>> -> memref<1x2x128xf32, #tpu.memory_space<hbm>>
      %dma_start3A_658 = tpu.memref_squeeze %dma_start3A_657 : memref<1x2x128xf32, #tpu.memory_space<hbm>> -> memref<2x128xf32, #tpu.memory_space<hbm>>
      %dma_start3A_659 = arith.constant 0 : i32
      %dma_start3A_660 = arith.constant 0 : i32
      %dma_start3A_661 = tpu.memref_slice %arg15[%dma_start3A_651, %dma_start3A_659, %dma_start3A_660] : memref<8x2x128xf32, #tpu.memory_space<vmem>> -> memref<1x2x128xf32, #tpu.memory_space<vmem>>
      %dma_start3A_662 = tpu.memref_squeeze %dma_start3A_661 : memref<1x2x128xf32, #tpu.memory_space<vmem>> -> memref<2x128xf32, #tpu.memory_space<vmem>>
      %dma_start3A_663 = arith.constant 0 : i32
      %dma_start3A_664 = tpu.memref_slice %arg3[%add3A_650, %dma_start3A_663, %multiple_of3A_517] : memref<64x2x32768xf32, #tpu.memory_space<hbm>> -> memref<1x2x128xf32, #tpu.memory_space<hbm>>
      %dma_start3A_665 = tpu.memref_squeeze %dma_start3A_664 : memref<1x2x128xf32, #tpu.memory_space<hbm>> -> memref<2x128xf32, #tpu.memory_space<hbm>>
      tpu.enqueue_dma source(%dma_start3A_665 : memref<2x128xf32, #tpu.memory_space<hbm>>) target(%dma_start3A_662 : memref<2x128xf32, #tpu.memory_space<vmem>>) target_semaphore(%arg19 : memref<!tpu.dma_semaphore, #tpu.memory_space<semaphore_mem>>)
      %dma_wait3A_666 = arith.constant 0 : i32
      %dma_wait3A_667 = arith.constant 0 : i32
      %dma_wait3A_668 = arith.constant 0 : i32
      %dma_wait3A_669 = tpu.memref_slice %arg15[%dma_wait3A_666, %dma_wait3A_667, %dma_wait3A_668] : memref<8x2x128xf32, #tpu.memory_space<vmem>> -> memref<1x2x128xf32, #tpu.memory_space<vmem>>
      %dma_wait3A_670 = tpu.memref_squeeze %dma_wait3A_669 : memref<1x2x128xf32, #tpu.memory_space<vmem>> -> memref<2x128xf32, #tpu.memory_space<vmem>>
      %dma_wait3A_671 = arith.constant 0 : i32
      %dma_wait3A_672 = tpu.memref_slice %arg3[%add3A_531, %dma_wait3A_671, %multiple_of3A_384] : memref<64x2x32768xf32, #tpu.memory_space<hbm>> -> memref<1x2x128xf32, #tpu.memory_space<hbm>>
      %dma_wait3A_673 = tpu.memref_squeeze %dma_wait3A_672 : memref<1x2x128xf32, #tpu.memory_space<hbm>> -> memref<2x128xf32, #tpu.memory_space<hbm>>
      %dma_wait3A_674 = arith.constant 0 : i32
      %dma_wait3A_675 = arith.constant 0 : i32
      %dma_wait3A_676 = tpu.memref_slice %arg15[%dma_wait3A_666, %dma_wait3A_674, %dma_wait3A_675] : memref<8x2x128xf32, #tpu.memory_space<vmem>> -> memref<1x2x128xf32, #tpu.memory_space<vmem>>
      %dma_wait3A_677 = tpu.memref_squeeze %dma_wait3A_676 : memref<1x2x128xf32, #tpu.memory_space<vmem>> -> memref<2x128xf32, #tpu.memory_space<vmem>>
      %dma_wait3A_678 = arith.constant 0 : i32
      %dma_wait3A_679 = tpu.memref_slice %arg3[%add3A_531, %dma_wait3A_678, %multiple_of3A_384] : memref<64x2x32768xf32, #tpu.memory_space<hbm>> -> memref<1x2x128xf32, #tpu.memory_space<hbm>>
      %dma_wait3A_680 = tpu.memref_squeeze %dma_wait3A_679 : memref<1x2x128xf32, #tpu.memory_space<hbm>> -> memref<2x128xf32, #tpu.memory_space<hbm>>
      tpu.wait_dma2 semaphore(%arg19 : memref<!tpu.dma_semaphore, #tpu.memory_space<semaphore_mem>>) src(%dma_wait3A_680 : memref<2x128xf32, #tpu.memory_space<hbm>>) dst(%dma_wait3A_677 : memref<2x128xf32, #tpu.memory_space<vmem>>)
      %dma_wait3A_681 = arith.constant 1 : i32
      %dma_wait3A_682 = arith.constant 0 : i32
      %dma_wait3A_683 = arith.constant 0 : i32
      %dma_wait3A_684 = tpu.memref_slice %arg15[%dma_wait3A_681, %dma_wait3A_682, %dma_wait3A_683] : memref<8x2x128xf32, #tpu.memory_space<vmem>> -> memref<1x2x128xf32, #tpu.memory_space<vmem>>
      %dma_wait3A_685 = tpu.memref_squeeze %dma_wait3A_684 : memref<1x2x128xf32, #tpu.memory_space<vmem>> -> memref<2x128xf32, #tpu.memory_space<vmem>>
      %dma_wait3A_686 = arith.constant 0 : i32
      %dma_wait3A_687 = tpu.memref_slice %arg3[%add3A_548, %dma_wait3A_686, %multiple_of3A_403] : memref<64x2x32768xf32, #tpu.memory_space<hbm>> -> memref<1x2x128xf32, #tpu.memory_space<hbm>>
      %dma_wait3A_688 = tpu.memref_squeeze %dma_wait3A_687 : memref<1x2x128xf32, #tpu.memory_space<hbm>> -> memref<2x128xf32, #tpu.memory_space<hbm>>
      %dma_wait3A_689 = arith.constant 0 : i32
      %dma_wait3A_690 = arith.constant 0 : i32
      %dma_wait3A_691 = tpu.memref_slice %arg15[%dma_wait3A_681, %dma_wait3A_689, %dma_wait3A_690] : memref<8x2x128xf32, #tpu.memory_space<vmem>> -> memref<1x2x128xf32, #tpu.memory_space<vmem>>
      %dma_wait3A_692 = tpu.memref_squeeze %dma_wait3A_691 : memref<1x2x128xf32, #tpu.memory_space<vmem>> -> memref<2x128xf32, #tpu.memory_space<vmem>>
      %dma_wait3A_693 = arith.constant 0 : i32
      %dma_wait3A_694 = tpu.memref_slice %arg3[%add3A_548, %dma_wait3A_693, %multiple_of3A_403] : memref<64x2x32768xf32, #tpu.memory_space<hbm>> -> memref<1x2x128xf32, #tpu.memory_space<hbm>>
      %dma_wait3A_695 = tpu.memref_squeeze %dma_wait3A_694 : memref<1x2x128xf32, #tpu.memory_space<hbm>> -> memref<2x128xf32, #tpu.memory_space<hbm>>
      tpu.wait_dma2 semaphore(%arg19 : memref<!tpu.dma_semaphore, #tpu.memory_space<semaphore_mem>>) src(%dma_wait3A_695 : memref<2x128xf32, #tpu.memory_space<hbm>>) dst(%dma_wait3A_692 : memref<2x128xf32, #tpu.memory_space<vmem>>)
      %dma_wait3A_696 = arith.constant 2 : i32
      %dma_wait3A_697 = arith.constant 0 : i32
      %dma_wait3A_698 = arith.constant 0 : i32
      %dma_wait3A_699 = tpu.memref_slice %arg15[%dma_wait3A_696, %dma_wait3A_697, %dma_wait3A_698] : memref<8x2x128xf32, #tpu.memory_space<vmem>> -> memref<1x2x128xf32, #tpu.memory_space<vmem>>
      %dma_wait3A_700 = tpu.memref_squeeze %dma_wait3A_699 : memref<1x2x128xf32, #tpu.memory_space<vmem>> -> memref<2x128xf32, #tpu.memory_space<vmem>>
      %dma_wait3A_701 = arith.constant 0 : i32
      %dma_wait3A_702 = tpu.memref_slice %arg3[%add3A_565, %dma_wait3A_701, %multiple_of3A_422] : memref<64x2x32768xf32, #tpu.memory_space<hbm>> -> memref<1x2x128xf32, #tpu.memory_space<hbm>>
      %dma_wait3A_703 = tpu.memref_squeeze %dma_wait3A_702 : memref<1x2x128xf32, #tpu.memory_space<hbm>> -> memref<2x128xf32, #tpu.memory_space<hbm>>
      %dma_wait3A_704 = arith.constant 0 : i32
      %dma_wait3A_705 = arith.constant 0 : i32
      %dma_wait3A_706 = tpu.memref_slice %arg15[%dma_wait3A_696, %dma_wait3A_704, %dma_wait3A_705] : memref<8x2x128xf32, #tpu.memory_space<vmem>> -> memref<1x2x128xf32, #tpu.memory_space<vmem>>
      %dma_wait3A_707 = tpu.memref_squeeze %dma_wait3A_706 : memref<1x2x128xf32, #tpu.memory_space<vmem>> -> memref<2x128xf32, #tpu.memory_space<vmem>>
      %dma_wait3A_708 = arith.constant 0 : i32
      %dma_wait3A_709 = tpu.memref_slice %arg3[%add3A_565, %dma_wait3A_708, %multiple_of3A_422] : memref<64x2x32768xf32, #tpu.memory_space<hbm>> -> memref<1x2x128xf32, #tpu.memory_space<hbm>>
      %dma_wait3A_710 = tpu.memref_squeeze %dma_wait3A_709 : memref<1x2x128xf32, #tpu.memory_space<hbm>> -> memref<2x128xf32, #tpu.memory_space<hbm>>
      tpu.wait_dma2 semaphore(%arg19 : memref<!tpu.dma_semaphore, #tpu.memory_space<semaphore_mem>>) src(%dma_wait3A_710 : memref<2x128xf32, #tpu.memory_space<hbm>>) dst(%dma_wait3A_707 : memref<2x128xf32, #tpu.memory_space<vmem>>)
      %dma_wait3A_711 = arith.constant 3 : i32
      %dma_wait3A_712 = arith.constant 0 : i32
      %dma_wait3A_713 = arith.constant 0 : i32
      %dma_wait3A_714 = tpu.memref_slice %arg15[%dma_wait3A_711, %dma_wait3A_712, %dma_wait3A_713] : memref<8x2x128xf32, #tpu.memory_space<vmem>> -> memref<1x2x128xf32, #tpu.memory_space<vmem>>
      %dma_wait3A_715 = tpu.memref_squeeze %dma_wait3A_714 : memref<1x2x128xf32, #tpu.memory_space<vmem>> -> memref<2x128xf32, #tpu.memory_space<vmem>>
      %dma_wait3A_716 = arith.constant 0 : i32
      %dma_wait3A_717 = tpu.memref_slice %arg3[%add3A_582, %dma_wait3A_716, %multiple_of3A_441] : memref<64x2x32768xf32, #tpu.memory_space<hbm>> -> memref<1x2x128xf32, #tpu.memory_space<hbm>>
      %dma_wait3A_718 = tpu.memref_squeeze %dma_wait3A_717 : memref<1x2x128xf32, #tpu.memory_space<hbm>> -> memref<2x128xf32, #tpu.memory_space<hbm>>
      %dma_wait3A_719 = arith.constant 0 : i32
      %dma_wait3A_720 = arith.constant 0 : i32
      %dma_wait3A_721 = tpu.memref_slice %arg15[%dma_wait3A_711, %dma_wait3A_719, %dma_wait3A_720] : memref<8x2x128xf32, #tpu.memory_space<vmem>> -> memref<1x2x128xf32, #tpu.memory_space<vmem>>
      %dma_wait3A_722 = tpu.memref_squeeze %dma_wait3A_721 : memref<1x2x128xf32, #tpu.memory_space<vmem>> -> memref<2x128xf32, #tpu.memory_space<vmem>>
      %dma_wait3A_723 = arith.constant 0 : i32
      %dma_wait3A_724 = tpu.memref_slice %arg3[%add3A_582, %dma_wait3A_723, %multiple_of3A_441] : memref<64x2x32768xf32, #tpu.memory_space<hbm>> -> memref<1x2x128xf32, #tpu.memory_space<hbm>>
      %dma_wait3A_725 = tpu.memref_squeeze %dma_wait3A_724 : memref<1x2x128xf32, #tpu.memory_space<hbm>> -> memref<2x128xf32, #tpu.memory_space<hbm>>
      tpu.wait_dma2 semaphore(%arg19 : memref<!tpu.dma_semaphore, #tpu.memory_space<semaphore_mem>>) src(%dma_wait3A_725 : memref<2x128xf32, #tpu.memory_space<hbm>>) dst(%dma_wait3A_722 : memref<2x128xf32, #tpu.memory_space<vmem>>)
      %dma_wait3A_726 = arith.constant 4 : i32
      %dma_wait3A_727 = arith.constant 0 : i32
      %dma_wait3A_728 = arith.constant 0 : i32
      %dma_wait3A_729 = tpu.memref_slice %arg15[%dma_wait3A_726, %dma_wait3A_727, %dma_wait3A_728] : memref<8x2x128xf32, #tpu.memory_space<vmem>> -> memref<1x2x128xf32, #tpu.memory_space<vmem>>
      %dma_wait3A_730 = tpu.memref_squeeze %dma_wait3A_729 : memref<1x2x128xf32, #tpu.memory_space<vmem>> -> memref<2x128xf32, #tpu.memory_space<vmem>>
      %dma_wait3A_731 = arith.constant 0 : i32
      %dma_wait3A_732 = tpu.memref_slice %arg3[%add3A_599, %dma_wait3A_731, %multiple_of3A_460] : memref<64x2x32768xf32, #tpu.memory_space<hbm>> -> memref<1x2x128xf32, #tpu.memory_space<hbm>>
      %dma_wait3A_733 = tpu.memref_squeeze %dma_wait3A_732 : memref<1x2x128xf32, #tpu.memory_space<hbm>> -> memref<2x128xf32, #tpu.memory_space<hbm>>
      %dma_wait3A_734 = arith.constant 0 : i32
      %dma_wait3A_735 = arith.constant 0 : i32
      %dma_wait3A_736 = tpu.memref_slice %arg15[%dma_wait3A_726, %dma_wait3A_734, %dma_wait3A_735] : memref<8x2x128xf32, #tpu.memory_space<vmem>> -> memref<1x2x128xf32, #tpu.memory_space<vmem>>
      %dma_wait3A_737 = tpu.memref_squeeze %dma_wait3A_736 : memref<1x2x128xf32, #tpu.memory_space<vmem>> -> memref<2x128xf32, #tpu.memory_space<vmem>>
      %dma_wait3A_738 = arith.constant 0 : i32
      %dma_wait3A_739 = tpu.memref_slice %arg3[%add3A_599, %dma_wait3A_738, %multiple_of3A_460] : memref<64x2x32768xf32, #tpu.memory_space<hbm>> -> memref<1x2x128xf32, #tpu.memory_space<hbm>>
      %dma_wait3A_740 = tpu.memref_squeeze %dma_wait3A_739 : memref<1x2x128xf32, #tpu.memory_space<hbm>> -> memref<2x128xf32, #tpu.memory_space<hbm>>
      tpu.wait_dma2 semaphore(%arg19 : memref<!tpu.dma_semaphore, #tpu.memory_space<semaphore_mem>>) src(%dma_wait3A_740 : memref<2x128xf32, #tpu.memory_space<hbm>>) dst(%dma_wait3A_737 : memref<2x128xf32, #tpu.memory_space<vmem>>)
      %dma_wait3A_741 = arith.constant 5 : i32
      %dma_wait3A_742 = arith.constant 0 : i32
      %dma_wait3A_743 = arith.constant 0 : i32
      %dma_wait3A_744 = tpu.memref_slice %arg15[%dma_wait3A_741, %dma_wait3A_742, %dma_wait3A_743] : memref<8x2x128xf32, #tpu.memory_space<vmem>> -> memref<1x2x128xf32, #tpu.memory_space<vmem>>
      %dma_wait3A_745 = tpu.memref_squeeze %dma_wait3A_744 : memref<1x2x128xf32, #tpu.memory_space<vmem>> -> memref<2x128xf32, #tpu.memory_space<vmem>>
      %dma_wait3A_746 = arith.constant 0 : i32
      %dma_wait3A_747 = tpu.memref_slice %arg3[%add3A_616, %dma_wait3A_746, %multiple_of3A_479] : memref<64x2x32768xf32, #tpu.memory_space<hbm>> -> memref<1x2x128xf32, #tpu.memory_space<hbm>>
      %dma_wait3A_748 = tpu.memref_squeeze %dma_wait3A_747 : memref<1x2x128xf32, #tpu.memory_space<hbm>> -> memref<2x128xf32, #tpu.memory_space<hbm>>
      %dma_wait3A_749 = arith.constant 0 : i32
      %dma_wait3A_750 = arith.constant 0 : i32
      %dma_wait3A_751 = tpu.memref_slice %arg15[%dma_wait3A_741, %dma_wait3A_749, %dma_wait3A_750] : memref<8x2x128xf32, #tpu.memory_space<vmem>> -> memref<1x2x128xf32, #tpu.memory_space<vmem>>
      %dma_wait3A_752 = tpu.memref_squeeze %dma_wait3A_751 : memref<1x2x128xf32, #tpu.memory_space<vmem>> -> memref<2x128xf32, #tpu.memory_space<vmem>>
      %dma_wait3A_753 = arith.constant 0 : i32
      %dma_wait3A_754 = tpu.memref_slice %arg3[%add3A_616, %dma_wait3A_753, %multiple_of3A_479] : memref<64x2x32768xf32, #tpu.memory_space<hbm>> -> memref<1x2x128xf32, #tpu.memory_space<hbm>>
      %dma_wait3A_755 = tpu.memref_squeeze %dma_wait3A_754 : memref<1x2x128xf32, #tpu.memory_space<hbm>> -> memref<2x128xf32, #tpu.memory_space<hbm>>
      tpu.wait_dma2 semaphore(%arg19 : memref<!tpu.dma_semaphore, #tpu.memory_space<semaphore_mem>>) src(%dma_wait3A_755 : memref<2x128xf32, #tpu.memory_space<hbm>>) dst(%dma_wait3A_752 : memref<2x128xf32, #tpu.memory_space<vmem>>)
      %dma_wait3A_756 = arith.constant 6 : i32
      %dma_wait3A_757 = arith.constant 0 : i32
      %dma_wait3A_758 = arith.constant 0 : i32
      %dma_wait3A_759 = tpu.memref_slice %arg15[%dma_wait3A_756, %dma_wait3A_757, %dma_wait3A_758] : memref<8x2x128xf32, #tpu.memory_space<vmem>> -> memref<1x2x128xf32, #tpu.memory_space<vmem>>
      %dma_wait3A_760 = tpu.memref_squeeze %dma_wait3A_759 : memref<1x2x128xf32, #tpu.memory_space<vmem>> -> memref<2x128xf32, #tpu.memory_space<vmem>>
      %dma_wait3A_761 = arith.constant 0 : i32
      %dma_wait3A_762 = tpu.memref_slice %arg3[%add3A_633, %dma_wait3A_761, %multiple_of3A_498] : memref<64x2x32768xf32, #tpu.memory_space<hbm>> -> memref<1x2x128xf32, #tpu.memory_space<hbm>>
      %dma_wait3A_763 = tpu.memref_squeeze %dma_wait3A_762 : memref<1x2x128xf32, #tpu.memory_space<hbm>> -> memref<2x128xf32, #tpu.memory_space<hbm>>
      %dma_wait3A_764 = arith.constant 0 : i32
      %dma_wait3A_765 = arith.constant 0 : i32
      %dma_wait3A_766 = tpu.memref_slice %arg15[%dma_wait3A_756, %dma_wait3A_764, %dma_wait3A_765] : memref<8x2x128xf32, #tpu.memory_space<vmem>> -> memref<1x2x128xf32, #tpu.memory_space<vmem>>
      %dma_wait3A_767 = tpu.memref_squeeze %dma_wait3A_766 : memref<1x2x128xf32, #tpu.memory_space<vmem>> -> memref<2x128xf32, #tpu.memory_space<vmem>>
      %dma_wait3A_768 = arith.constant 0 : i32
      %dma_wait3A_769 = tpu.memref_slice %arg3[%add3A_633, %dma_wait3A_768, %multiple_of3A_498] : memref<64x2x32768xf32, #tpu.memory_space<hbm>> -> memref<1x2x128xf32, #tpu.memory_space<hbm>>
      %dma_wait3A_770 = tpu.memref_squeeze %dma_wait3A_769 : memref<1x2x128xf32, #tpu.memory_space<hbm>> -> memref<2x128xf32, #tpu.memory_space<hbm>>
      tpu.wait_dma2 semaphore(%arg19 : memref<!tpu.dma_semaphore, #tpu.memory_space<semaphore_mem>>) src(%dma_wait3A_770 : memref<2x128xf32, #tpu.memory_space<hbm>>) dst(%dma_wait3A_767 : memref<2x128xf32, #tpu.memory_space<vmem>>)
      %dma_wait3A_771 = arith.constant 7 : i32
      %dma_wait3A_772 = arith.constant 0 : i32
      %dma_wait3A_773 = arith.constant 0 : i32
      %dma_wait3A_774 = tpu.memref_slice %arg15[%dma_wait3A_771, %dma_wait3A_772, %dma_wait3A_773] : memref<8x2x128xf32, #tpu.memory_space<vmem>> -> memref<1x2x128xf32, #tpu.memory_space<vmem>>
      %dma_wait3A_775 = tpu.memref_squeeze %dma_wait3A_774 : memref<1x2x128xf32, #tpu.memory_space<vmem>> -> memref<2x128xf32, #tpu.memory_space<vmem>>
      %dma_wait3A_776 = arith.constant 0 : i32
      %dma_wait3A_777 = tpu.memref_slice %arg3[%add3A_650, %dma_wait3A_776, %multiple_of3A_517] : memref<64x2x32768xf32, #tpu.memory_space<hbm>> -> memref<1x2x128xf32, #tpu.memory_space<hbm>>
      %dma_wait3A_778 = tpu.memref_squeeze %dma_wait3A_777 : memref<1x2x128xf32, #tpu.memory_space<hbm>> -> memref<2x128xf32, #tpu.memory_space<hbm>>
      %dma_wait3A_779 = arith.constant 0 : i32
      %dma_wait3A_780 = arith.constant 0 : i32
      %dma_wait3A_781 = tpu.memref_slice %arg15[%dma_wait3A_771, %dma_wait3A_779, %dma_wait3A_780] : memref<8x2x128xf32, #tpu.memory_space<vmem>> -> memref<1x2x128xf32, #tpu.memory_space<vmem>>
      %dma_wait3A_782 = tpu.memref_squeeze %dma_wait3A_781 : memref<1x2x128xf32, #tpu.memory_space<vmem>> -> memref<2x128xf32, #tpu.memory_space<vmem>>
      %dma_wait3A_783 = arith.constant 0 : i32
      %dma_wait3A_784 = tpu.memref_slice %arg3[%add3A_650, %dma_wait3A_783, %multiple_of3A_517] : memref<64x2x32768xf32, #tpu.memory_space<hbm>> -> memref<1x2x128xf32, #tpu.memory_space<hbm>>
      %dma_wait3A_785 = tpu.memref_squeeze %dma_wait3A_784 : memref<1x2x128xf32, #tpu.memory_space<hbm>> -> memref<2x128xf32, #tpu.memory_space<hbm>>
      tpu.wait_dma2 semaphore(%arg19 : memref<!tpu.dma_semaphore, #tpu.memory_space<semaphore_mem>>) src(%dma_wait3A_785 : memref<2x128xf32, #tpu.memory_space<hbm>>) dst(%dma_wait3A_782 : memref<2x128xf32, #tpu.memory_space<vmem>>)
      %and3A_786 = arith.constant 7 : i32
      %and3A_787 = vector.broadcast %and3A_786 : i32 to vector<16xi32>
      %and3A_788 = arith.andi %iota3A, %and3A_787 : vector<16xi32>
      %broadcast_in_dim3A_789 = arith.constant 0 : i32
      %broadcast_in_dim3A_790 = vector.broadcast %broadcast_in_dim3A_789 : i32 to vector<16xi32>
      %gather3A = tpu.vector_load_idx %arg15[%and3A_788, %broadcast_in_dim3A_790, %and3A_366] : memref<8x2x128xf32, #tpu.memory_space<vmem>>[vector<16xi32>, vector<16xi32>, vector<16xi32>], vector<16xf32>,
      %swap3A_791 = arith.constant 0 : index
      %swap3A_792 = tpu.vector_load %arg16[%swap3A_791] {strides = array<i32>} : memref<16xf32, #tpu.memory_space<vmem>>, vector<16xf32>,
      tpu.vector_store %arg16[%swap3A_791], %gather3A {strides = array<i32>} : memref<16xf32, #tpu.memory_space<vmem>>, vector<16xf32>,
      %add3A_793 = arith.constant 0 : i32
      %add3A_794 = arith.addi %add3A_793, %multiple_of3A : i32
      %multiple_of3A_795 = tpu.assume_multiple %add3A_794, 8 : i32
      "tpu.region"() ({
        %run_scoped3A = tpu.sem_alloc : memref<!tpu.dma_semaphore, #tpu.memory_space<semaphore_mem>>
        %dma_start3A_807 = arith.constant 0 : i32
        %dma_start3A_808 = tpu.memref_slice %arg16[%dma_start3A_807] : memref<16xf32, #tpu.memory_space<vmem>> -> memref<8xf32, #tpu.memory_space<vmem>>
        %dma_start3A_809 = tpu.memref_slice %arg6[%multiple_of3A_795] : memref<256xf32, #tpu.memory_space<hbm>> -> memref<8xf32, #tpu.memory_space<hbm>>
        %dma_start3A_810 = tpu.memref_slice %arg6[%multiple_of3A_795] : memref<256xf32, #tpu.memory_space<hbm>> -> memref<8xf32, #tpu.memory_space<hbm>>
        %dma_start3A_811 = arith.constant 0 : i32
        %dma_start3A_812 = tpu.memref_slice %arg16[%dma_start3A_811] : memref<16xf32, #tpu.memory_space<vmem>> -> memref<8xf32, #tpu.memory_space<vmem>>
        tpu.enqueue_dma source(%dma_start3A_812 : memref<8xf32, #tpu.memory_space<vmem>>) target(%dma_start3A_810 : memref<8xf32, #tpu.memory_space<hbm>>) target_semaphore(%run_scoped3A : memref<!tpu.dma_semaphore, #tpu.memory_space<semaphore_mem>>)
        %dma_wait3A_813 = arith.constant 0 : i32
        %dma_wait3A_814 = tpu.memref_slice %arg16[%dma_wait3A_813] : memref<16xf32, #tpu.memory_space<vmem>> -> memref<8xf32, #tpu.memory_space<vmem>>
        %dma_wait3A_815 = tpu.memref_slice %arg6[%multiple_of3A_795] : memref<256xf32, #tpu.memory_space<hbm>> -> memref<8xf32, #tpu.memory_space<hbm>>
        %dma_wait3A_816 = tpu.memref_slice %arg6[%multiple_of3A_795] : memref<256xf32, #tpu.memory_space<hbm>> -> memref<8xf32, #tpu.memory_space<hbm>>
        %dma_wait3A_817 = arith.constant 0 : i32
        %dma_wait3A_818 = tpu.memref_slice %arg16[%dma_wait3A_817] : memref<16xf32, #tpu.memory_space<vmem>> -> memref<8xf32, #tpu.memory_space<vmem>>
        tpu.wait_dma2 semaphore(%run_scoped3A : memref<!tpu.dma_semaphore, #tpu.memory_space<semaphore_mem>>) src(%dma_wait3A_818 : memref<8xf32, #tpu.memory_space<vmem>>) dst(%dma_wait3A_816 : memref<8xf32, #tpu.memory_space<hbm>>)
        tpu.yield
      }) : () -> ()
      %and3A_796 = arith.constant 7 : i32
      %and3A_797 = vector.broadcast %and3A_796 : i32 to vector<16xi32>
      %and3A_798 = arith.andi %iota3A, %and3A_797 : vector<16xi32>
      %broadcast_in_dim3A_799 = arith.constant 1 : i32
      %broadcast_in_dim3A_800 = vector.broadcast %broadcast_in_dim3A_799 : i32 to vector<16xi32>
      %gather3A_801 = tpu.vector_load_idx %arg15[%and3A_798, %broadcast_in_dim3A_800, %and3A_366] : memref<8x2x128xf32, #tpu.memory_space<vmem>>[vector<16xi32>, vector<16xi32>, vector<16xi32>], vector<16xf32>,
      %swap3A_802 = arith.constant 0 : index
      %swap3A_803 = tpu.vector_load %arg16[%swap3A_802] {strides = array<i32>} : memref<16xf32, #tpu.memory_space<vmem>>, vector<16xf32>,
      tpu.vector_store %arg16[%swap3A_802], %gather3A_801 {strides = array<i32>} : memref<16xf32, #tpu.memory_space<vmem>>, vector<16xf32>,
      %add3A_804 = arith.constant 128 : i32
      %add3A_805 = arith.addi %add3A_804, %multiple_of3A : i32
      %multiple_of3A_806 = tpu.assume_multiple %add3A_805, 8 : i32
      "tpu.region"() ({
        %run_scoped3A = tpu.sem_alloc : memref<!tpu.dma_semaphore, #tpu.memory_space<semaphore_mem>>
        %dma_start3A_807 = arith.constant 0 : i32
        %dma_start3A_808 = tpu.memref_slice %arg16[%dma_start3A_807] : memref<16xf32, #tpu.memory_space<vmem>> -> memref<8xf32, #tpu.memory_space<vmem>>
        %dma_start3A_809 = tpu.memref_slice %arg6[%multiple_of3A_806] : memref<256xf32, #tpu.memory_space<hbm>> -> memref<8xf32, #tpu.memory_space<hbm>>
        %dma_start3A_810 = tpu.memref_slice %arg6[%multiple_of3A_806] : memref<256xf32, #tpu.memory_space<hbm>> -> memref<8xf32, #tpu.memory_space<hbm>>
        %dma_start3A_811 = arith.constant 0 : i32
        %dma_start3A_812 = tpu.memref_slice %arg16[%dma_start3A_811] : memref<16xf32, #tpu.memory_space<vmem>> -> memref<8xf32, #tpu.memory_space<vmem>>
        tpu.enqueue_dma source(%dma_start3A_812 : memref<8xf32, #tpu.memory_space<vmem>>) target(%dma_start3A_810 : memref<8xf32, #tpu.memory_space<hbm>>) target_semaphore(%run_scoped3A : memref<!tpu.dma_semaphore, #tpu.memory_space<semaphore_mem>>)
        %dma_wait3A_813 = arith.constant 0 : i32
        %dma_wait3A_814 = tpu.memref_slice %arg16[%dma_wait3A_813] : memref<16xf32, #tpu.memory_space<vmem>> -> memref<8xf32, #tpu.memory_space<vmem>>
        %dma_wait3A_815 = tpu.memref_slice %arg6[%multiple_of3A_806] : memref<256xf32, #tpu.memory_space<hbm>> -> memref<8xf32, #tpu.memory_space<hbm>>
        %dma_wait3A_816 = tpu.memref_slice %arg6[%multiple_of3A_806] : memref<256xf32, #tpu.memory_space<hbm>> -> memref<8xf32, #tpu.memory_space<hbm>>
        %dma_wait3A_817 = arith.constant 0 : i32
        %dma_wait3A_818 = tpu.memref_slice %arg16[%dma_wait3A_817] : memref<16xf32, #tpu.memory_space<vmem>> -> memref<8xf32, #tpu.memory_space<vmem>>
        tpu.wait_dma2 semaphore(%run_scoped3A : memref<!tpu.dma_semaphore, #tpu.memory_space<semaphore_mem>>) src(%dma_wait3A_818 : memref<8xf32, #tpu.memory_space<vmem>>) dst(%dma_wait3A_816 : memref<8xf32, #tpu.memory_space<hbm>>)
        tpu.yield
      }) : () -> ()
    } else {
    }
    %eq3A_525 = arith.constant 3 : i32
    %eq3A_526 = arith.cmpi eq, %and3A_2, %eq3A_525 : i32
    %convert_element_type3A_527 = arith.extui %eq3A_526 : i1 to i32
    %cond3A_528 = arith.constant 0 : i32
    %cond3A_529 = arith.cmpi ne, %convert_element_type3A_527, %cond3A_528 : i32
    scf.if %cond3A_529 {
      %add3A_530 = arith.constant 0 : i32
      %add3A_531 = arith.addi %multiple_of3A, %add3A_530 : i32
      %dma_start3A_532 = arith.constant 0 : i32
      %dma_start3A_533 = arith.constant 0 : i32
      %dma_start3A_534 = arith.constant 0 : i32
      %dma_start3A_535 = tpu.memref_slice %arg15[%dma_start3A_532, %dma_start3A_533, %dma_start3A_534] : memref<8x2x128xf32, #tpu.memory_space<vmem>> -> memref<1x2x128xf32, #tpu.memory_space<vmem>>
      %dma_start3A_536 = tpu.memref_squeeze %dma_start3A_535 : memref<1x2x128xf32, #tpu.memory_space<vmem>> -> memref<2x128xf32, #tpu.memory_space<vmem>>
      %dma_start3A_537 = arith.constant 0 : i32
      %dma_start3A_538 = tpu.memref_slice %arg4[%add3A_531, %dma_start3A_537, %multiple_of3A_384] : memref<64x2x32768xf32, #tpu.memory_space<hbm>> -> memref<1x2x128xf32, #tpu.memory_space<hbm>>
      %dma_start3A_539 = tpu.memref_squeeze %dma_start3A_538 : memref<1x2x128xf32, #tpu.memory_space<hbm>> -> memref<2x128xf32, #tpu.memory_space<hbm>>
      %dma_start3A_540 = arith.constant 0 : i32
      %dma_start3A_541 = arith.constant 0 : i32
      %dma_start3A_542 = tpu.memref_slice %arg15[%dma_start3A_532, %dma_start3A_540, %dma_start3A_541] : memref<8x2x128xf32, #tpu.memory_space<vmem>> -> memref<1x2x128xf32, #tpu.memory_space<vmem>>
      %dma_start3A_543 = tpu.memref_squeeze %dma_start3A_542 : memref<1x2x128xf32, #tpu.memory_space<vmem>> -> memref<2x128xf32, #tpu.memory_space<vmem>>
      %dma_start3A_544 = arith.constant 0 : i32
      %dma_start3A_545 = tpu.memref_slice %arg4[%add3A_531, %dma_start3A_544, %multiple_of3A_384] : memref<64x2x32768xf32, #tpu.memory_space<hbm>> -> memref<1x2x128xf32, #tpu.memory_space<hbm>>
      %dma_start3A_546 = tpu.memref_squeeze %dma_start3A_545 : memref<1x2x128xf32, #tpu.memory_space<hbm>> -> memref<2x128xf32, #tpu.memory_space<hbm>>
      tpu.enqueue_dma source(%dma_start3A_546 : memref<2x128xf32, #tpu.memory_space<hbm>>) target(%dma_start3A_543 : memref<2x128xf32, #tpu.memory_space<vmem>>) target_semaphore(%arg19 : memref<!tpu.dma_semaphore, #tpu.memory_space<semaphore_mem>>)
      %add3A_547 = arith.constant 1 : i32
      %add3A_548 = arith.addi %multiple_of3A, %add3A_547 : i32
      %dma_start3A_549 = arith.constant 1 : i32
      %dma_start3A_550 = arith.constant 0 : i32
      %dma_start3A_551 = arith.constant 0 : i32
      %dma_start3A_552 = tpu.memref_slice %arg15[%dma_start3A_549, %dma_start3A_550, %dma_start3A_551] : memref<8x2x128xf32, #tpu.memory_space<vmem>> -> memref<1x2x128xf32, #tpu.memory_space<vmem>>
      %dma_start3A_553 = tpu.memref_squeeze %dma_start3A_552 : memref<1x2x128xf32, #tpu.memory_space<vmem>> -> memref<2x128xf32, #tpu.memory_space<vmem>>
      %dma_start3A_554 = arith.constant 0 : i32
      %dma_start3A_555 = tpu.memref_slice %arg4[%add3A_548, %dma_start3A_554, %multiple_of3A_403] : memref<64x2x32768xf32, #tpu.memory_space<hbm>> -> memref<1x2x128xf32, #tpu.memory_space<hbm>>
      %dma_start3A_556 = tpu.memref_squeeze %dma_start3A_555 : memref<1x2x128xf32, #tpu.memory_space<hbm>> -> memref<2x128xf32, #tpu.memory_space<hbm>>
      %dma_start3A_557 = arith.constant 0 : i32
      %dma_start3A_558 = arith.constant 0 : i32
      %dma_start3A_559 = tpu.memref_slice %arg15[%dma_start3A_549, %dma_start3A_557, %dma_start3A_558] : memref<8x2x128xf32, #tpu.memory_space<vmem>> -> memref<1x2x128xf32, #tpu.memory_space<vmem>>
      %dma_start3A_560 = tpu.memref_squeeze %dma_start3A_559 : memref<1x2x128xf32, #tpu.memory_space<vmem>> -> memref<2x128xf32, #tpu.memory_space<vmem>>
      %dma_start3A_561 = arith.constant 0 : i32
      %dma_start3A_562 = tpu.memref_slice %arg4[%add3A_548, %dma_start3A_561, %multiple_of3A_403] : memref<64x2x32768xf32, #tpu.memory_space<hbm>> -> memref<1x2x128xf32, #tpu.memory_space<hbm>>
      %dma_start3A_563 = tpu.memref_squeeze %dma_start3A_562 : memref<1x2x128xf32, #tpu.memory_space<hbm>> -> memref<2x128xf32, #tpu.memory_space<hbm>>
      tpu.enqueue_dma source(%dma_start3A_563 : memref<2x128xf32, #tpu.memory_space<hbm>>) target(%dma_start3A_560 : memref<2x128xf32, #tpu.memory_space<vmem>>) target_semaphore(%arg19 : memref<!tpu.dma_semaphore, #tpu.memory_space<semaphore_mem>>)
      %add3A_564 = arith.constant 2 : i32
      %add3A_565 = arith.addi %multiple_of3A, %add3A_564 : i32
      %dma_start3A_566 = arith.constant 2 : i32
      %dma_start3A_567 = arith.constant 0 : i32
      %dma_start3A_568 = arith.constant 0 : i32
      %dma_start3A_569 = tpu.memref_slice %arg15[%dma_start3A_566, %dma_start3A_567, %dma_start3A_568] : memref<8x2x128xf32, #tpu.memory_space<vmem>> -> memref<1x2x128xf32, #tpu.memory_space<vmem>>
      %dma_start3A_570 = tpu.memref_squeeze %dma_start3A_569 : memref<1x2x128xf32, #tpu.memory_space<vmem>> -> memref<2x128xf32, #tpu.memory_space<vmem>>
      %dma_start3A_571 = arith.constant 0 : i32
      %dma_start3A_572 = tpu.memref_slice %arg4[%add3A_565, %dma_start3A_571, %multiple_of3A_422] : memref<64x2x32768xf32, #tpu.memory_space<hbm>> -> memref<1x2x128xf32, #tpu.memory_space<hbm>>
      %dma_start3A_573 = tpu.memref_squeeze %dma_start3A_572 : memref<1x2x128xf32, #tpu.memory_space<hbm>> -> memref<2x128xf32, #tpu.memory_space<hbm>>
      %dma_start3A_574 = arith.constant 0 : i32
      %dma_start3A_575 = arith.constant 0 : i32
      %dma_start3A_576 = tpu.memref_slice %arg15[%dma_start3A_566, %dma_start3A_574, %dma_start3A_575] : memref<8x2x128xf32, #tpu.memory_space<vmem>> -> memref<1x2x128xf32, #tpu.memory_space<vmem>>
      %dma_start3A_577 = tpu.memref_squeeze %dma_start3A_576 : memref<1x2x128xf32, #tpu.memory_space<vmem>> -> memref<2x128xf32, #tpu.memory_space<vmem>>
      %dma_start3A_578 = arith.constant 0 : i32
      %dma_start3A_579 = tpu.memref_slice %arg4[%add3A_565, %dma_start3A_578, %multiple_of3A_422] : memref<64x2x32768xf32, #tpu.memory_space<hbm>> -> memref<1x2x128xf32, #tpu.memory_space<hbm>>
      %dma_start3A_580 = tpu.memref_squeeze %dma_start3A_579 : memref<1x2x128xf32, #tpu.memory_space<hbm>> -> memref<2x128xf32, #tpu.memory_space<hbm>>
      tpu.enqueue_dma source(%dma_start3A_580 : memref<2x128xf32, #tpu.memory_space<hbm>>) target(%dma_start3A_577 : memref<2x128xf32, #tpu.memory_space<vmem>>) target_semaphore(%arg19 : memref<!tpu.dma_semaphore, #tpu.memory_space<semaphore_mem>>)
      %add3A_581 = arith.constant 3 : i32
      %add3A_582 = arith.addi %multiple_of3A, %add3A_581 : i32
      %dma_start3A_583 = arith.constant 3 : i32
      %dma_start3A_584 = arith.constant 0 : i32
      %dma_start3A_585 = arith.constant 0 : i32
      %dma_start3A_586 = tpu.memref_slice %arg15[%dma_start3A_583, %dma_start3A_584, %dma_start3A_585] : memref<8x2x128xf32, #tpu.memory_space<vmem>> -> memref<1x2x128xf32, #tpu.memory_space<vmem>>
      %dma_start3A_587 = tpu.memref_squeeze %dma_start3A_586 : memref<1x2x128xf32, #tpu.memory_space<vmem>> -> memref<2x128xf32, #tpu.memory_space<vmem>>
      %dma_start3A_588 = arith.constant 0 : i32
      %dma_start3A_589 = tpu.memref_slice %arg4[%add3A_582, %dma_start3A_588, %multiple_of3A_441] : memref<64x2x32768xf32, #tpu.memory_space<hbm>> -> memref<1x2x128xf32, #tpu.memory_space<hbm>>
      %dma_start3A_590 = tpu.memref_squeeze %dma_start3A_589 : memref<1x2x128xf32, #tpu.memory_space<hbm>> -> memref<2x128xf32, #tpu.memory_space<hbm>>
      %dma_start3A_591 = arith.constant 0 : i32
      %dma_start3A_592 = arith.constant 0 : i32
      %dma_start3A_593 = tpu.memref_slice %arg15[%dma_start3A_583, %dma_start3A_591, %dma_start3A_592] : memref<8x2x128xf32, #tpu.memory_space<vmem>> -> memref<1x2x128xf32, #tpu.memory_space<vmem>>
      %dma_start3A_594 = tpu.memref_squeeze %dma_start3A_593 : memref<1x2x128xf32, #tpu.memory_space<vmem>> -> memref<2x128xf32, #tpu.memory_space<vmem>>
      %dma_start3A_595 = arith.constant 0 : i32
      %dma_start3A_596 = tpu.memref_slice %arg4[%add3A_582, %dma_start3A_595, %multiple_of3A_441] : memref<64x2x32768xf32, #tpu.memory_space<hbm>> -> memref<1x2x128xf32, #tpu.memory_space<hbm>>
      %dma_start3A_597 = tpu.memref_squeeze %dma_start3A_596 : memref<1x2x128xf32, #tpu.memory_space<hbm>> -> memref<2x128xf32, #tpu.memory_space<hbm>>
      tpu.enqueue_dma source(%dma_start3A_597 : memref<2x128xf32, #tpu.memory_space<hbm>>) target(%dma_start3A_594 : memref<2x128xf32, #tpu.memory_space<vmem>>) target_semaphore(%arg19 : memref<!tpu.dma_semaphore, #tpu.memory_space<semaphore_mem>>)
      %add3A_598 = arith.constant 4 : i32
      %add3A_599 = arith.addi %multiple_of3A, %add3A_598 : i32
      %dma_start3A_600 = arith.constant 4 : i32
      %dma_start3A_601 = arith.constant 0 : i32
      %dma_start3A_602 = arith.constant 0 : i32
      %dma_start3A_603 = tpu.memref_slice %arg15[%dma_start3A_600, %dma_start3A_601, %dma_start3A_602] : memref<8x2x128xf32, #tpu.memory_space<vmem>> -> memref<1x2x128xf32, #tpu.memory_space<vmem>>
      %dma_start3A_604 = tpu.memref_squeeze %dma_start3A_603 : memref<1x2x128xf32, #tpu.memory_space<vmem>> -> memref<2x128xf32, #tpu.memory_space<vmem>>
      %dma_start3A_605 = arith.constant 0 : i32
      %dma_start3A_606 = tpu.memref_slice %arg4[%add3A_599, %dma_start3A_605, %multiple_of3A_460] : memref<64x2x32768xf32, #tpu.memory_space<hbm>> -> memref<1x2x128xf32, #tpu.memory_space<hbm>>
      %dma_start3A_607 = tpu.memref_squeeze %dma_start3A_606 : memref<1x2x128xf32, #tpu.memory_space<hbm>> -> memref<2x128xf32, #tpu.memory_space<hbm>>
      %dma_start3A_608 = arith.constant 0 : i32
      %dma_start3A_609 = arith.constant 0 : i32
      %dma_start3A_610 = tpu.memref_slice %arg15[%dma_start3A_600, %dma_start3A_608, %dma_start3A_609] : memref<8x2x128xf32, #tpu.memory_space<vmem>> -> memref<1x2x128xf32, #tpu.memory_space<vmem>>
      %dma_start3A_611 = tpu.memref_squeeze %dma_start3A_610 : memref<1x2x128xf32, #tpu.memory_space<vmem>> -> memref<2x128xf32, #tpu.memory_space<vmem>>
      %dma_start3A_612 = arith.constant 0 : i32
      %dma_start3A_613 = tpu.memref_slice %arg4[%add3A_599, %dma_start3A_612, %multiple_of3A_460] : memref<64x2x32768xf32, #tpu.memory_space<hbm>> -> memref<1x2x128xf32, #tpu.memory_space<hbm>>
      %dma_start3A_614 = tpu.memref_squeeze %dma_start3A_613 : memref<1x2x128xf32, #tpu.memory_space<hbm>> -> memref<2x128xf32, #tpu.memory_space<hbm>>
      tpu.enqueue_dma source(%dma_start3A_614 : memref<2x128xf32, #tpu.memory_space<hbm>>) target(%dma_start3A_611 : memref<2x128xf32, #tpu.memory_space<vmem>>) target_semaphore(%arg19 : memref<!tpu.dma_semaphore, #tpu.memory_space<semaphore_mem>>)
      %add3A_615 = arith.constant 5 : i32
      %add3A_616 = arith.addi %multiple_of3A, %add3A_615 : i32
      %dma_start3A_617 = arith.constant 5 : i32
      %dma_start3A_618 = arith.constant 0 : i32
      %dma_start3A_619 = arith.constant 0 : i32
      %dma_start3A_620 = tpu.memref_slice %arg15[%dma_start3A_617, %dma_start3A_618, %dma_start3A_619] : memref<8x2x128xf32, #tpu.memory_space<vmem>> -> memref<1x2x128xf32, #tpu.memory_space<vmem>>
      %dma_start3A_621 = tpu.memref_squeeze %dma_start3A_620 : memref<1x2x128xf32, #tpu.memory_space<vmem>> -> memref<2x128xf32, #tpu.memory_space<vmem>>
      %dma_start3A_622 = arith.constant 0 : i32
      %dma_start3A_623 = tpu.memref_slice %arg4[%add3A_616, %dma_start3A_622, %multiple_of3A_479] : memref<64x2x32768xf32, #tpu.memory_space<hbm>> -> memref<1x2x128xf32, #tpu.memory_space<hbm>>
      %dma_start3A_624 = tpu.memref_squeeze %dma_start3A_623 : memref<1x2x128xf32, #tpu.memory_space<hbm>> -> memref<2x128xf32, #tpu.memory_space<hbm>>
      %dma_start3A_625 = arith.constant 0 : i32
      %dma_start3A_626 = arith.constant 0 : i32
      %dma_start3A_627 = tpu.memref_slice %arg15[%dma_start3A_617, %dma_start3A_625, %dma_start3A_626] : memref<8x2x128xf32, #tpu.memory_space<vmem>> -> memref<1x2x128xf32, #tpu.memory_space<vmem>>
      %dma_start3A_628 = tpu.memref_squeeze %dma_start3A_627 : memref<1x2x128xf32, #tpu.memory_space<vmem>> -> memref<2x128xf32, #tpu.memory_space<vmem>>
      %dma_start3A_629 = arith.constant 0 : i32
      %dma_start3A_630 = tpu.memref_slice %arg4[%add3A_616, %dma_start3A_629, %multiple_of3A_479] : memref<64x2x32768xf32, #tpu.memory_space<hbm>> -> memref<1x2x128xf32, #tpu.memory_space<hbm>>
      %dma_start3A_631 = tpu.memref_squeeze %dma_start3A_630 : memref<1x2x128xf32, #tpu.memory_space<hbm>> -> memref<2x128xf32, #tpu.memory_space<hbm>>
      tpu.enqueue_dma source(%dma_start3A_631 : memref<2x128xf32, #tpu.memory_space<hbm>>) target(%dma_start3A_628 : memref<2x128xf32, #tpu.memory_space<vmem>>) target_semaphore(%arg19 : memref<!tpu.dma_semaphore, #tpu.memory_space<semaphore_mem>>)
      %add3A_632 = arith.constant 6 : i32
      %add3A_633 = arith.addi %multiple_of3A, %add3A_632 : i32
      %dma_start3A_634 = arith.constant 6 : i32
      %dma_start3A_635 = arith.constant 0 : i32
      %dma_start3A_636 = arith.constant 0 : i32
      %dma_start3A_637 = tpu.memref_slice %arg15[%dma_start3A_634, %dma_start3A_635, %dma_start3A_636] : memref<8x2x128xf32, #tpu.memory_space<vmem>> -> memref<1x2x128xf32, #tpu.memory_space<vmem>>
      %dma_start3A_638 = tpu.memref_squeeze %dma_start3A_637 : memref<1x2x128xf32, #tpu.memory_space<vmem>> -> memref<2x128xf32, #tpu.memory_space<vmem>>
      %dma_start3A_639 = arith.constant 0 : i32
      %dma_start3A_640 = tpu.memref_slice %arg4[%add3A_633, %dma_start3A_639, %multiple_of3A_498] : memref<64x2x32768xf32, #tpu.memory_space<hbm>> -> memref<1x2x128xf32, #tpu.memory_space<hbm>>
      %dma_start3A_641 = tpu.memref_squeeze %dma_start3A_640 : memref<1x2x128xf32, #tpu.memory_space<hbm>> -> memref<2x128xf32, #tpu.memory_space<hbm>>
      %dma_start3A_642 = arith.constant 0 : i32
      %dma_start3A_643 = arith.constant 0 : i32
      %dma_start3A_644 = tpu.memref_slice %arg15[%dma_start3A_634, %dma_start3A_642, %dma_start3A_643] : memref<8x2x128xf32, #tpu.memory_space<vmem>> -> memref<1x2x128xf32, #tpu.memory_space<vmem>>
      %dma_start3A_645 = tpu.memref_squeeze %dma_start3A_644 : memref<1x2x128xf32, #tpu.memory_space<vmem>> -> memref<2x128xf32, #tpu.memory_space<vmem>>
      %dma_start3A_646 = arith.constant 0 : i32
      %dma_start3A_647 = tpu.memref_slice %arg4[%add3A_633, %dma_start3A_646, %multiple_of3A_498] : memref<64x2x32768xf32, #tpu.memory_space<hbm>> -> memref<1x2x128xf32, #tpu.memory_space<hbm>>
      %dma_start3A_648 = tpu.memref_squeeze %dma_start3A_647 : memref<1x2x128xf32, #tpu.memory_space<hbm>> -> memref<2x128xf32, #tpu.memory_space<hbm>>
      tpu.enqueue_dma source(%dma_start3A_648 : memref<2x128xf32, #tpu.memory_space<hbm>>) target(%dma_start3A_645 : memref<2x128xf32, #tpu.memory_space<vmem>>) target_semaphore(%arg19 : memref<!tpu.dma_semaphore, #tpu.memory_space<semaphore_mem>>)
      %add3A_649 = arith.constant 7 : i32
      %add3A_650 = arith.addi %multiple_of3A, %add3A_649 : i32
      %dma_start3A_651 = arith.constant 7 : i32
      %dma_start3A_652 = arith.constant 0 : i32
      %dma_start3A_653 = arith.constant 0 : i32
      %dma_start3A_654 = tpu.memref_slice %arg15[%dma_start3A_651, %dma_start3A_652, %dma_start3A_653] : memref<8x2x128xf32, #tpu.memory_space<vmem>> -> memref<1x2x128xf32, #tpu.memory_space<vmem>>
      %dma_start3A_655 = tpu.memref_squeeze %dma_start3A_654 : memref<1x2x128xf32, #tpu.memory_space<vmem>> -> memref<2x128xf32, #tpu.memory_space<vmem>>
      %dma_start3A_656 = arith.constant 0 : i32
      %dma_start3A_657 = tpu.memref_slice %arg4[%add3A_650, %dma_start3A_656, %multiple_of3A_517] : memref<64x2x32768xf32, #tpu.memory_space<hbm>> -> memref<1x2x128xf32, #tpu.memory_space<hbm>>
      %dma_start3A_658 = tpu.memref_squeeze %dma_start3A_657 : memref<1x2x128xf32, #tpu.memory_space<hbm>> -> memref<2x128xf32, #tpu.memory_space<hbm>>
      %dma_start3A_659 = arith.constant 0 : i32
      %dma_start3A_660 = arith.constant 0 : i32
      %dma_start3A_661 = tpu.memref_slice %arg15[%dma_start3A_651, %dma_start3A_659, %dma_start3A_660] : memref<8x2x128xf32, #tpu.memory_space<vmem>> -> memref<1x2x128xf32, #tpu.memory_space<vmem>>
      %dma_start3A_662 = tpu.memref_squeeze %dma_start3A_661 : memref<1x2x128xf32, #tpu.memory_space<vmem>> -> memref<2x128xf32, #tpu.memory_space<vmem>>
      %dma_start3A_663 = arith.constant 0 : i32
      %dma_start3A_664 = tpu.memref_slice %arg4[%add3A_650, %dma_start3A_663, %multiple_of3A_517] : memref<64x2x32768xf32, #tpu.memory_space<hbm>> -> memref<1x2x128xf32, #tpu.memory_space<hbm>>
      %dma_start3A_665 = tpu.memref_squeeze %dma_start3A_664 : memref<1x2x128xf32, #tpu.memory_space<hbm>> -> memref<2x128xf32, #tpu.memory_space<hbm>>
      tpu.enqueue_dma source(%dma_start3A_665 : memref<2x128xf32, #tpu.memory_space<hbm>>) target(%dma_start3A_662 : memref<2x128xf32, #tpu.memory_space<vmem>>) target_semaphore(%arg19 : memref<!tpu.dma_semaphore, #tpu.memory_space<semaphore_mem>>)
      %dma_wait3A_666 = arith.constant 0 : i32
      %dma_wait3A_667 = arith.constant 0 : i32
      %dma_wait3A_668 = arith.constant 0 : i32
      %dma_wait3A_669 = tpu.memref_slice %arg15[%dma_wait3A_666, %dma_wait3A_667, %dma_wait3A_668] : memref<8x2x128xf32, #tpu.memory_space<vmem>> -> memref<1x2x128xf32, #tpu.memory_space<vmem>>
      %dma_wait3A_670 = tpu.memref_squeeze %dma_wait3A_669 : memref<1x2x128xf32, #tpu.memory_space<vmem>> -> memref<2x128xf32, #tpu.memory_space<vmem>>
      %dma_wait3A_671 = arith.constant 0 : i32
      %dma_wait3A_672 = tpu.memref_slice %arg4[%add3A_531, %dma_wait3A_671, %multiple_of3A_384] : memref<64x2x32768xf32, #tpu.memory_space<hbm>> -> memref<1x2x128xf32, #tpu.memory_space<hbm>>
      %dma_wait3A_673 = tpu.memref_squeeze %dma_wait3A_672 : memref<1x2x128xf32, #tpu.memory_space<hbm>> -> memref<2x128xf32, #tpu.memory_space<hbm>>
      %dma_wait3A_674 = arith.constant 0 : i32
      %dma_wait3A_675 = arith.constant 0 : i32
      %dma_wait3A_676 = tpu.memref_slice %arg15[%dma_wait3A_666, %dma_wait3A_674, %dma_wait3A_675] : memref<8x2x128xf32, #tpu.memory_space<vmem>> -> memref<1x2x128xf32, #tpu.memory_space<vmem>>
      %dma_wait3A_677 = tpu.memref_squeeze %dma_wait3A_676 : memref<1x2x128xf32, #tpu.memory_space<vmem>> -> memref<2x128xf32, #tpu.memory_space<vmem>>
      %dma_wait3A_678 = arith.constant 0 : i32
      %dma_wait3A_679 = tpu.memref_slice %arg4[%add3A_531, %dma_wait3A_678, %multiple_of3A_384] : memref<64x2x32768xf32, #tpu.memory_space<hbm>> -> memref<1x2x128xf32, #tpu.memory_space<hbm>>
      %dma_wait3A_680 = tpu.memref_squeeze %dma_wait3A_679 : memref<1x2x128xf32, #tpu.memory_space<hbm>> -> memref<2x128xf32, #tpu.memory_space<hbm>>
      tpu.wait_dma2 semaphore(%arg19 : memref<!tpu.dma_semaphore, #tpu.memory_space<semaphore_mem>>) src(%dma_wait3A_680 : memref<2x128xf32, #tpu.memory_space<hbm>>) dst(%dma_wait3A_677 : memref<2x128xf32, #tpu.memory_space<vmem>>)
      %dma_wait3A_681 = arith.constant 1 : i32
      %dma_wait3A_682 = arith.constant 0 : i32
      %dma_wait3A_683 = arith.constant 0 : i32
      %dma_wait3A_684 = tpu.memref_slice %arg15[%dma_wait3A_681, %dma_wait3A_682, %dma_wait3A_683] : memref<8x2x128xf32, #tpu.memory_space<vmem>> -> memref<1x2x128xf32, #tpu.memory_space<vmem>>
      %dma_wait3A_685 = tpu.memref_squeeze %dma_wait3A_684 : memref<1x2x128xf32, #tpu.memory_space<vmem>> -> memref<2x128xf32, #tpu.memory_space<vmem>>
      %dma_wait3A_686 = arith.constant 0 : i32
      %dma_wait3A_687 = tpu.memref_slice %arg4[%add3A_548, %dma_wait3A_686, %multiple_of3A_403] : memref<64x2x32768xf32, #tpu.memory_space<hbm>> -> memref<1x2x128xf32, #tpu.memory_space<hbm>>
      %dma_wait3A_688 = tpu.memref_squeeze %dma_wait3A_687 : memref<1x2x128xf32, #tpu.memory_space<hbm>> -> memref<2x128xf32, #tpu.memory_space<hbm>>
      %dma_wait3A_689 = arith.constant 0 : i32
      %dma_wait3A_690 = arith.constant 0 : i32
      %dma_wait3A_691 = tpu.memref_slice %arg15[%dma_wait3A_681, %dma_wait3A_689, %dma_wait3A_690] : memref<8x2x128xf32, #tpu.memory_space<vmem>> -> memref<1x2x128xf32, #tpu.memory_space<vmem>>
      %dma_wait3A_692 = tpu.memref_squeeze %dma_wait3A_691 : memref<1x2x128xf32, #tpu.memory_space<vmem>> -> memref<2x128xf32, #tpu.memory_space<vmem>>
      %dma_wait3A_693 = arith.constant 0 : i32
      %dma_wait3A_694 = tpu.memref_slice %arg4[%add3A_548, %dma_wait3A_693, %multiple_of3A_403] : memref<64x2x32768xf32, #tpu.memory_space<hbm>> -> memref<1x2x128xf32, #tpu.memory_space<hbm>>
      %dma_wait3A_695 = tpu.memref_squeeze %dma_wait3A_694 : memref<1x2x128xf32, #tpu.memory_space<hbm>> -> memref<2x128xf32, #tpu.memory_space<hbm>>
      tpu.wait_dma2 semaphore(%arg19 : memref<!tpu.dma_semaphore, #tpu.memory_space<semaphore_mem>>) src(%dma_wait3A_695 : memref<2x128xf32, #tpu.memory_space<hbm>>) dst(%dma_wait3A_692 : memref<2x128xf32, #tpu.memory_space<vmem>>)
      %dma_wait3A_696 = arith.constant 2 : i32
      %dma_wait3A_697 = arith.constant 0 : i32
      %dma_wait3A_698 = arith.constant 0 : i32
      %dma_wait3A_699 = tpu.memref_slice %arg15[%dma_wait3A_696, %dma_wait3A_697, %dma_wait3A_698] : memref<8x2x128xf32, #tpu.memory_space<vmem>> -> memref<1x2x128xf32, #tpu.memory_space<vmem>>
      %dma_wait3A_700 = tpu.memref_squeeze %dma_wait3A_699 : memref<1x2x128xf32, #tpu.memory_space<vmem>> -> memref<2x128xf32, #tpu.memory_space<vmem>>
      %dma_wait3A_701 = arith.constant 0 : i32
      %dma_wait3A_702 = tpu.memref_slice %arg4[%add3A_565, %dma_wait3A_701, %multiple_of3A_422] : memref<64x2x32768xf32, #tpu.memory_space<hbm>> -> memref<1x2x128xf32, #tpu.memory_space<hbm>>
      %dma_wait3A_703 = tpu.memref_squeeze %dma_wait3A_702 : memref<1x2x128xf32, #tpu.memory_space<hbm>> -> memref<2x128xf32, #tpu.memory_space<hbm>>
      %dma_wait3A_704 = arith.constant 0 : i32
      %dma_wait3A_705 = arith.constant 0 : i32
      %dma_wait3A_706 = tpu.memref_slice %arg15[%dma_wait3A_696, %dma_wait3A_704, %dma_wait3A_705] : memref<8x2x128xf32, #tpu.memory_space<vmem>> -> memref<1x2x128xf32, #tpu.memory_space<vmem>>
      %dma_wait3A_707 = tpu.memref_squeeze %dma_wait3A_706 : memref<1x2x128xf32, #tpu.memory_space<vmem>> -> memref<2x128xf32, #tpu.memory_space<vmem>>
      %dma_wait3A_708 = arith.constant 0 : i32
      %dma_wait3A_709 = tpu.memref_slice %arg4[%add3A_565, %dma_wait3A_708, %multiple_of3A_422] : memref<64x2x32768xf32, #tpu.memory_space<hbm>> -> memref<1x2x128xf32, #tpu.memory_space<hbm>>
      %dma_wait3A_710 = tpu.memref_squeeze %dma_wait3A_709 : memref<1x2x128xf32, #tpu.memory_space<hbm>> -> memref<2x128xf32, #tpu.memory_space<hbm>>
      tpu.wait_dma2 semaphore(%arg19 : memref<!tpu.dma_semaphore, #tpu.memory_space<semaphore_mem>>) src(%dma_wait3A_710 : memref<2x128xf32, #tpu.memory_space<hbm>>) dst(%dma_wait3A_707 : memref<2x128xf32, #tpu.memory_space<vmem>>)
      %dma_wait3A_711 = arith.constant 3 : i32
      %dma_wait3A_712 = arith.constant 0 : i32
      %dma_wait3A_713 = arith.constant 0 : i32
      %dma_wait3A_714 = tpu.memref_slice %arg15[%dma_wait3A_711, %dma_wait3A_712, %dma_wait3A_713] : memref<8x2x128xf32, #tpu.memory_space<vmem>> -> memref<1x2x128xf32, #tpu.memory_space<vmem>>
      %dma_wait3A_715 = tpu.memref_squeeze %dma_wait3A_714 : memref<1x2x128xf32, #tpu.memory_space<vmem>> -> memref<2x128xf32, #tpu.memory_space<vmem>>
      %dma_wait3A_716 = arith.constant 0 : i32
      %dma_wait3A_717 = tpu.memref_slice %arg4[%add3A_582, %dma_wait3A_716, %multiple_of3A_441] : memref<64x2x32768xf32, #tpu.memory_space<hbm>> -> memref<1x2x128xf32, #tpu.memory_space<hbm>>
      %dma_wait3A_718 = tpu.memref_squeeze %dma_wait3A_717 : memref<1x2x128xf32, #tpu.memory_space<hbm>> -> memref<2x128xf32, #tpu.memory_space<hbm>>
      %dma_wait3A_719 = arith.constant 0 : i32
      %dma_wait3A_720 = arith.constant 0 : i32
      %dma_wait3A_721 = tpu.memref_slice %arg15[%dma_wait3A_711, %dma_wait3A_719, %dma_wait3A_720] : memref<8x2x128xf32, #tpu.memory_space<vmem>> -> memref<1x2x128xf32, #tpu.memory_space<vmem>>
      %dma_wait3A_722 = tpu.memref_squeeze %dma_wait3A_721 : memref<1x2x128xf32, #tpu.memory_space<vmem>> -> memref<2x128xf32, #tpu.memory_space<vmem>>
      %dma_wait3A_723 = arith.constant 0 : i32
      %dma_wait3A_724 = tpu.memref_slice %arg4[%add3A_582, %dma_wait3A_723, %multiple_of3A_441] : memref<64x2x32768xf32, #tpu.memory_space<hbm>> -> memref<1x2x128xf32, #tpu.memory_space<hbm>>
      %dma_wait3A_725 = tpu.memref_squeeze %dma_wait3A_724 : memref<1x2x128xf32, #tpu.memory_space<hbm>> -> memref<2x128xf32, #tpu.memory_space<hbm>>
      tpu.wait_dma2 semaphore(%arg19 : memref<!tpu.dma_semaphore, #tpu.memory_space<semaphore_mem>>) src(%dma_wait3A_725 : memref<2x128xf32, #tpu.memory_space<hbm>>) dst(%dma_wait3A_722 : memref<2x128xf32, #tpu.memory_space<vmem>>)
      %dma_wait3A_726 = arith.constant 4 : i32
      %dma_wait3A_727 = arith.constant 0 : i32
      %dma_wait3A_728 = arith.constant 0 : i32
      %dma_wait3A_729 = tpu.memref_slice %arg15[%dma_wait3A_726, %dma_wait3A_727, %dma_wait3A_728] : memref<8x2x128xf32, #tpu.memory_space<vmem>> -> memref<1x2x128xf32, #tpu.memory_space<vmem>>
      %dma_wait3A_730 = tpu.memref_squeeze %dma_wait3A_729 : memref<1x2x128xf32, #tpu.memory_space<vmem>> -> memref<2x128xf32, #tpu.memory_space<vmem>>
      %dma_wait3A_731 = arith.constant 0 : i32
      %dma_wait3A_732 = tpu.memref_slice %arg4[%add3A_599, %dma_wait3A_731, %multiple_of3A_460] : memref<64x2x32768xf32, #tpu.memory_space<hbm>> -> memref<1x2x128xf32, #tpu.memory_space<hbm>>
      %dma_wait3A_733 = tpu.memref_squeeze %dma_wait3A_732 : memref<1x2x128xf32, #tpu.memory_space<hbm>> -> memref<2x128xf32, #tpu.memory_space<hbm>>
      %dma_wait3A_734 = arith.constant 0 : i32
      %dma_wait3A_735 = arith.constant 0 : i32
      %dma_wait3A_736 = tpu.memref_slice %arg15[%dma_wait3A_726, %dma_wait3A_734, %dma_wait3A_735] : memref<8x2x128xf32, #tpu.memory_space<vmem>> -> memref<1x2x128xf32, #tpu.memory_space<vmem>>
      %dma_wait3A_737 = tpu.memref_squeeze %dma_wait3A_736 : memref<1x2x128xf32, #tpu.memory_space<vmem>> -> memref<2x128xf32, #tpu.memory_space<vmem>>
      %dma_wait3A_738 = arith.constant 0 : i32
      %dma_wait3A_739 = tpu.memref_slice %arg4[%add3A_599, %dma_wait3A_738, %multiple_of3A_460] : memref<64x2x32768xf32, #tpu.memory_space<hbm>> -> memref<1x2x128xf32, #tpu.memory_space<hbm>>
      %dma_wait3A_740 = tpu.memref_squeeze %dma_wait3A_739 : memref<1x2x128xf32, #tpu.memory_space<hbm>> -> memref<2x128xf32, #tpu.memory_space<hbm>>
      tpu.wait_dma2 semaphore(%arg19 : memref<!tpu.dma_semaphore, #tpu.memory_space<semaphore_mem>>) src(%dma_wait3A_740 : memref<2x128xf32, #tpu.memory_space<hbm>>) dst(%dma_wait3A_737 : memref<2x128xf32, #tpu.memory_space<vmem>>)
      %dma_wait3A_741 = arith.constant 5 : i32
      %dma_wait3A_742 = arith.constant 0 : i32
      %dma_wait3A_743 = arith.constant 0 : i32
      %dma_wait3A_744 = tpu.memref_slice %arg15[%dma_wait3A_741, %dma_wait3A_742, %dma_wait3A_743] : memref<8x2x128xf32, #tpu.memory_space<vmem>> -> memref<1x2x128xf32, #tpu.memory_space<vmem>>
      %dma_wait3A_745 = tpu.memref_squeeze %dma_wait3A_744 : memref<1x2x128xf32, #tpu.memory_space<vmem>> -> memref<2x128xf32, #tpu.memory_space<vmem>>
      %dma_wait3A_746 = arith.constant 0 : i32
      %dma_wait3A_747 = tpu.memref_slice %arg4[%add3A_616, %dma_wait3A_746, %multiple_of3A_479] : memref<64x2x32768xf32, #tpu.memory_space<hbm>> -> memref<1x2x128xf32, #tpu.memory_space<hbm>>
      %dma_wait3A_748 = tpu.memref_squeeze %dma_wait3A_747 : memref<1x2x128xf32, #tpu.memory_space<hbm>> -> memref<2x128xf32, #tpu.memory_space<hbm>>
      %dma_wait3A_749 = arith.constant 0 : i32
      %dma_wait3A_750 = arith.constant 0 : i32
      %dma_wait3A_751 = tpu.memref_slice %arg15[%dma_wait3A_741, %dma_wait3A_749, %dma_wait3A_750] : memref<8x2x128xf32, #tpu.memory_space<vmem>> -> memref<1x2x128xf32, #tpu.memory_space<vmem>>
      %dma_wait3A_752 = tpu.memref_squeeze %dma_wait3A_751 : memref<1x2x128xf32, #tpu.memory_space<vmem>> -> memref<2x128xf32, #tpu.memory_space<vmem>>
      %dma_wait3A_753 = arith.constant 0 : i32
      %dma_wait3A_754 = tpu.memref_slice %arg4[%add3A_616, %dma_wait3A_753, %multiple_of3A_479] : memref<64x2x32768xf32, #tpu.memory_space<hbm>> -> memref<1x2x128xf32, #tpu.memory_space<hbm>>
      %dma_wait3A_755 = tpu.memref_squeeze %dma_wait3A_754 : memref<1x2x128xf32, #tpu.memory_space<hbm>> -> memref<2x128xf32, #tpu.memory_space<hbm>>
      tpu.wait_dma2 semaphore(%arg19 : memref<!tpu.dma_semaphore, #tpu.memory_space<semaphore_mem>>) src(%dma_wait3A_755 : memref<2x128xf32, #tpu.memory_space<hbm>>) dst(%dma_wait3A_752 : memref<2x128xf32, #tpu.memory_space<vmem>>)
      %dma_wait3A_756 = arith.constant 6 : i32
      %dma_wait3A_757 = arith.constant 0 : i32
      %dma_wait3A_758 = arith.constant 0 : i32
      %dma_wait3A_759 = tpu.memref_slice %arg15[%dma_wait3A_756, %dma_wait3A_757, %dma_wait3A_758] : memref<8x2x128xf32, #tpu.memory_space<vmem>> -> memref<1x2x128xf32, #tpu.memory_space<vmem>>
      %dma_wait3A_760 = tpu.memref_squeeze %dma_wait3A_759 : memref<1x2x128xf32, #tpu.memory_space<vmem>> -> memref<2x128xf32, #tpu.memory_space<vmem>>
      %dma_wait3A_761 = arith.constant 0 : i32
      %dma_wait3A_762 = tpu.memref_slice %arg4[%add3A_633, %dma_wait3A_761, %multiple_of3A_498] : memref<64x2x32768xf32, #tpu.memory_space<hbm>> -> memref<1x2x128xf32, #tpu.memory_space<hbm>>
      %dma_wait3A_763 = tpu.memref_squeeze %dma_wait3A_762 : memref<1x2x128xf32, #tpu.memory_space<hbm>> -> memref<2x128xf32, #tpu.memory_space<hbm>>
      %dma_wait3A_764 = arith.constant 0 : i32
      %dma_wait3A_765 = arith.constant 0 : i32
      %dma_wait3A_766 = tpu.memref_slice %arg15[%dma_wait3A_756, %dma_wait3A_764, %dma_wait3A_765] : memref<8x2x128xf32, #tpu.memory_space<vmem>> -> memref<1x2x128xf32, #tpu.memory_space<vmem>>
      %dma_wait3A_767 = tpu.memref_squeeze %dma_wait3A_766 : memref<1x2x128xf32, #tpu.memory_space<vmem>> -> memref<2x128xf32, #tpu.memory_space<vmem>>
      %dma_wait3A_768 = arith.constant 0 : i32
      %dma_wait3A_769 = tpu.memref_slice %arg4[%add3A_633, %dma_wait3A_768, %multiple_of3A_498] : memref<64x2x32768xf32, #tpu.memory_space<hbm>> -> memref<1x2x128xf32, #tpu.memory_space<hbm>>
      %dma_wait3A_770 = tpu.memref_squeeze %dma_wait3A_769 : memref<1x2x128xf32, #tpu.memory_space<hbm>> -> memref<2x128xf32, #tpu.memory_space<hbm>>
      tpu.wait_dma2 semaphore(%arg19 : memref<!tpu.dma_semaphore, #tpu.memory_space<semaphore_mem>>) src(%dma_wait3A_770 : memref<2x128xf32, #tpu.memory_space<hbm>>) dst(%dma_wait3A_767 : memref<2x128xf32, #tpu.memory_space<vmem>>)
      %dma_wait3A_771 = arith.constant 7 : i32
      %dma_wait3A_772 = arith.constant 0 : i32
      %dma_wait3A_773 = arith.constant 0 : i32
      %dma_wait3A_774 = tpu.memref_slice %arg15[%dma_wait3A_771, %dma_wait3A_772, %dma_wait3A_773] : memref<8x2x128xf32, #tpu.memory_space<vmem>> -> memref<1x2x128xf32, #tpu.memory_space<vmem>>
      %dma_wait3A_775 = tpu.memref_squeeze %dma_wait3A_774 : memref<1x2x128xf32, #tpu.memory_space<vmem>> -> memref<2x128xf32, #tpu.memory_space<vmem>>
      %dma_wait3A_776 = arith.constant 0 : i32
      %dma_wait3A_777 = tpu.memref_slice %arg4[%add3A_650, %dma_wait3A_776, %multiple_of3A_517] : memref<64x2x32768xf32, #tpu.memory_space<hbm>> -> memref<1x2x128xf32, #tpu.memory_space<hbm>>
      %dma_wait3A_778 = tpu.memref_squeeze %dma_wait3A_777 : memref<1x2x128xf32, #tpu.memory_space<hbm>> -> memref<2x128xf32, #tpu.memory_space<hbm>>
      %dma_wait3A_779 = arith.constant 0 : i32
      %dma_wait3A_780 = arith.constant 0 : i32
      %dma_wait3A_781 = tpu.memref_slice %arg15[%dma_wait3A_771, %dma_wait3A_779, %dma_wait3A_780] : memref<8x2x128xf32, #tpu.memory_space<vmem>> -> memref<1x2x128xf32, #tpu.memory_space<vmem>>
      %dma_wait3A_782 = tpu.memref_squeeze %dma_wait3A_781 : memref<1x2x128xf32, #tpu.memory_space<vmem>> -> memref<2x128xf32, #tpu.memory_space<vmem>>
      %dma_wait3A_783 = arith.constant 0 : i32
      %dma_wait3A_784 = tpu.memref_slice %arg4[%add3A_650, %dma_wait3A_783, %multiple_of3A_517] : memref<64x2x32768xf32, #tpu.memory_space<hbm>> -> memref<1x2x128xf32, #tpu.memory_space<hbm>>
      %dma_wait3A_785 = tpu.memref_squeeze %dma_wait3A_784 : memref<1x2x128xf32, #tpu.memory_space<hbm>> -> memref<2x128xf32, #tpu.memory_space<hbm>>
      tpu.wait_dma2 semaphore(%arg19 : memref<!tpu.dma_semaphore, #tpu.memory_space<semaphore_mem>>) src(%dma_wait3A_785 : memref<2x128xf32, #tpu.memory_space<hbm>>) dst(%dma_wait3A_782 : memref<2x128xf32, #tpu.memory_space<vmem>>)
      %and3A_786 = arith.constant 7 : i32
      %and3A_787 = vector.broadcast %and3A_786 : i32 to vector<16xi32>
      %and3A_788 = arith.andi %iota3A, %and3A_787 : vector<16xi32>
      %broadcast_in_dim3A_789 = arith.constant 0 : i32
      %broadcast_in_dim3A_790 = vector.broadcast %broadcast_in_dim3A_789 : i32 to vector<16xi32>
      %gather3A = tpu.vector_load_idx %arg15[%and3A_788, %broadcast_in_dim3A_790, %and3A_366] : memref<8x2x128xf32, #tpu.memory_space<vmem>>[vector<16xi32>, vector<16xi32>, vector<16xi32>], vector<16xf32>,
      %swap3A_791 = arith.constant 0 : index
      %swap3A_792 = tpu.vector_load %arg16[%swap3A_791] {strides = array<i32>} : memref<16xf32, #tpu.memory_space<vmem>>, vector<16xf32>,
      tpu.vector_store %arg16[%swap3A_791], %gather3A {strides = array<i32>} : memref<16xf32, #tpu.memory_space<vmem>>, vector<16xf32>,
      %add3A_793 = arith.constant 0 : i32
      %add3A_794 = arith.addi %add3A_793, %multiple_of3A : i32
      %multiple_of3A_795 = tpu.assume_multiple %add3A_794, 8 : i32
      "tpu.region"() ({
        %run_scoped3A = tpu.sem_alloc : memref<!tpu.dma_semaphore, #tpu.memory_space<semaphore_mem>>
        %dma_start3A_807 = arith.constant 0 : i32
        %dma_start3A_808 = tpu.memref_slice %arg16[%dma_start3A_807] : memref<16xf32, #tpu.memory_space<vmem>> -> memref<8xf32, #tpu.memory_space<vmem>>
        %dma_start3A_809 = tpu.memref_slice %arg7[%multiple_of3A_795] : memref<256xf32, #tpu.memory_space<hbm>> -> memref<8xf32, #tpu.memory_space<hbm>>
        %dma_start3A_810 = tpu.memref_slice %arg7[%multiple_of3A_795] : memref<256xf32, #tpu.memory_space<hbm>> -> memref<8xf32, #tpu.memory_space<hbm>>
        %dma_start3A_811 = arith.constant 0 : i32
        %dma_start3A_812 = tpu.memref_slice %arg16[%dma_start3A_811] : memref<16xf32, #tpu.memory_space<vmem>> -> memref<8xf32, #tpu.memory_space<vmem>>
        tpu.enqueue_dma source(%dma_start3A_812 : memref<8xf32, #tpu.memory_space<vmem>>) target(%dma_start3A_810 : memref<8xf32, #tpu.memory_space<hbm>>) target_semaphore(%run_scoped3A : memref<!tpu.dma_semaphore, #tpu.memory_space<semaphore_mem>>)
        %dma_wait3A_813 = arith.constant 0 : i32
        %dma_wait3A_814 = tpu.memref_slice %arg16[%dma_wait3A_813] : memref<16xf32, #tpu.memory_space<vmem>> -> memref<8xf32, #tpu.memory_space<vmem>>
        %dma_wait3A_815 = tpu.memref_slice %arg7[%multiple_of3A_795] : memref<256xf32, #tpu.memory_space<hbm>> -> memref<8xf32, #tpu.memory_space<hbm>>
        %dma_wait3A_816 = tpu.memref_slice %arg7[%multiple_of3A_795] : memref<256xf32, #tpu.memory_space<hbm>> -> memref<8xf32, #tpu.memory_space<hbm>>
        %dma_wait3A_817 = arith.constant 0 : i32
        %dma_wait3A_818 = tpu.memref_slice %arg16[%dma_wait3A_817] : memref<16xf32, #tpu.memory_space<vmem>> -> memref<8xf32, #tpu.memory_space<vmem>>
        tpu.wait_dma2 semaphore(%run_scoped3A : memref<!tpu.dma_semaphore, #tpu.memory_space<semaphore_mem>>) src(%dma_wait3A_818 : memref<8xf32, #tpu.memory_space<vmem>>) dst(%dma_wait3A_816 : memref<8xf32, #tpu.memory_space<hbm>>)
        tpu.yield
      }) : () -> ()
      %and3A_796 = arith.constant 7 : i32
      %and3A_797 = vector.broadcast %and3A_796 : i32 to vector<16xi32>
      %and3A_798 = arith.andi %iota3A, %and3A_797 : vector<16xi32>
      %broadcast_in_dim3A_799 = arith.constant 1 : i32
      %broadcast_in_dim3A_800 = vector.broadcast %broadcast_in_dim3A_799 : i32 to vector<16xi32>
      %gather3A_801 = tpu.vector_load_idx %arg15[%and3A_798, %broadcast_in_dim3A_800, %and3A_366] : memref<8x2x128xf32, #tpu.memory_space<vmem>>[vector<16xi32>, vector<16xi32>, vector<16xi32>], vector<16xf32>,
      %swap3A_802 = arith.constant 0 : index
      %swap3A_803 = tpu.vector_load %arg16[%swap3A_802] {strides = array<i32>} : memref<16xf32, #tpu.memory_space<vmem>>, vector<16xf32>,
      tpu.vector_store %arg16[%swap3A_802], %gather3A_801 {strides = array<i32>} : memref<16xf32, #tpu.memory_space<vmem>>, vector<16xf32>,
      %add3A_804 = arith.constant 128 : i32
      %add3A_805 = arith.addi %add3A_804, %multiple_of3A : i32
      %multiple_of3A_806 = tpu.assume_multiple %add3A_805, 8 : i32
      "tpu.region"() ({
        %run_scoped3A = tpu.sem_alloc : memref<!tpu.dma_semaphore, #tpu.memory_space<semaphore_mem>>
        %dma_start3A_807 = arith.constant 0 : i32
        %dma_start3A_808 = tpu.memref_slice %arg16[%dma_start3A_807] : memref<16xf32, #tpu.memory_space<vmem>> -> memref<8xf32, #tpu.memory_space<vmem>>
        %dma_start3A_809 = tpu.memref_slice %arg7[%multiple_of3A_806] : memref<256xf32, #tpu.memory_space<hbm>> -> memref<8xf32, #tpu.memory_space<hbm>>
        %dma_start3A_810 = tpu.memref_slice %arg7[%multiple_of3A_806] : memref<256xf32, #tpu.memory_space<hbm>> -> memref<8xf32, #tpu.memory_space<hbm>>
        %dma_start3A_811 = arith.constant 0 : i32
        %dma_start3A_812 = tpu.memref_slice %arg16[%dma_start3A_811] : memref<16xf32, #tpu.memory_space<vmem>> -> memref<8xf32, #tpu.memory_space<vmem>>
        tpu.enqueue_dma source(%dma_start3A_812 : memref<8xf32, #tpu.memory_space<vmem>>) target(%dma_start3A_810 : memref<8xf32, #tpu.memory_space<hbm>>) target_semaphore(%run_scoped3A : memref<!tpu.dma_semaphore, #tpu.memory_space<semaphore_mem>>)
        %dma_wait3A_813 = arith.constant 0 : i32
        %dma_wait3A_814 = tpu.memref_slice %arg16[%dma_wait3A_813] : memref<16xf32, #tpu.memory_space<vmem>> -> memref<8xf32, #tpu.memory_space<vmem>>
        %dma_wait3A_815 = tpu.memref_slice %arg7[%multiple_of3A_806] : memref<256xf32, #tpu.memory_space<hbm>> -> memref<8xf32, #tpu.memory_space<hbm>>
        %dma_wait3A_816 = tpu.memref_slice %arg7[%multiple_of3A_806] : memref<256xf32, #tpu.memory_space<hbm>> -> memref<8xf32, #tpu.memory_space<hbm>>
        %dma_wait3A_817 = arith.constant 0 : i32
        %dma_wait3A_818 = tpu.memref_slice %arg16[%dma_wait3A_817] : memref<16xf32, #tpu.memory_space<vmem>> -> memref<8xf32, #tpu.memory_space<vmem>>
        tpu.wait_dma2 semaphore(%run_scoped3A : memref<!tpu.dma_semaphore, #tpu.memory_space<semaphore_mem>>) src(%dma_wait3A_818 : memref<8xf32, #tpu.memory_space<vmem>>) dst(%dma_wait3A_816 : memref<8xf32, #tpu.memory_space<hbm>>)
        tpu.yield
      }) : () -> ()
    } else {
    }
    return
  }
}

</mosaic_0001>

<sc_bundles>
// kernel: kernel.3.cloned.1.call-start
scs
__scs_entry_jumppad:
0x0: {  	(pc) =	sbr.rel $0x88, $3  }
0x1: {  	(tag) =	ssettag $0x0;
	lr =	simm.s32 $0x1  }
0x2: {  	[smem:$0x3F9E] =	sst lr;
	_ =	strace $0xD0000000  }
0x3: {  	_ = 	snop  }
0x4: {  	_ = 	snop  }
0x5: {  	_ = 	snop  }
0x6: {  	_ = 	snop  }
0x7: {  	_ = 	snop  }
__scs_overlays_trampoline_lowered:
0x8: {  	[smem:$0x3FAD] =	sst s0  }
0x9: {  	[smem:$0x3FAE] =	sst s1  }
0xa: {  	[smem:$0x3FAF] =	sst s2  }
0xb: {  	[smem:$0x3FB0] =	sst s3  }
0xc: {  	[smem:$0x3FB1] =	sst s4  }
0xd: {  	[smem:$0x3FB2] =	sst s5  }
0xe: {  	[smem:$0x3FB3] =	sst s6  }
0xf: {  	[smem:$0x3FB4] =	sst s7  }
0x10: {  	[smem:$0x3FB5] =	sst s8  }
0x11: {  	[smem:$0x3FB6] =	sst s9;
	s0 =	simm.s32 @!p0 $0x0  }
0x12: {  	s1 =	sld [smem:$0x3F9C];
	s0 =	simm.s32 @p0 $0x1  }
0x13: {  	[smem:$0x3FB7] =	sst s0;
	s0 =	simm.s32 @!p1 $0x0  }
0x14: {  	s2 =	sld [smem:$0x3F9B];
	s0 =	simm.s32 @p1 $0x1  }
0x15: {  	[smem:$0x3FB8] =	sst s0;
	s0 =	simm.s32 @!p2 $0x0  }
0x16: {  	s3 =	sld [smem:$0x3FDB];
	s0 =	simm.s32 @p2 $0x1  }
0x17: {  	s4 =	simm.s32 $0x1BF5;
	[smem:$0x3FBA] =	sst s0  }
0x18: {  	s0 =	sld [smem:$0x3F9D];
	_ =	swait.ge [sflag:s4], $0x0  }
0x19: {  	s7 =	sld [smem:$0x3F9E]  }
0x1a: {  	s8 =	sadd.s32 $0xFFFFE003, lr  }
0x1b: {  	s9 =	sadd.s32 $0xFFFFFEF7, lr;
	s5 =	simm.s32 $0xFFFFFFFF;
	p2 =	slt.u32 s8, $0xFFFFF086  }
0x1c: {  	p1 =	slt.u32 s9, $0xF7A;
	s5 =	simm.s32 @!p2 $0x0  }
0x1d: {  	s5 =	simm.s32 @p1 $0x1;
	p0 =	seq.s32 s7, s2  }
0x1e: {  	s7 =	smul.u32 @!p0 $0xF7A, s2;
	p2 =	seq.s32 @!p0 s5, $0x0  }
0x1f: {  	s9 =	smul.u32 $0xF7A, s1;
	s8 =	simm.s32 @!p0 $0x1BF5;
	p2 =	por !p2, p0  }
0x20: {  	[sflag:s8] =	ssyncset.s32 @!p0 $0xFFFFF086;
	s6 =	sadd.s32 @!p0 s3, s7;
	s7 =	simm.s32 @!p0 $0x108  }
0x21: {  	s3 =	sadd.s32 s3, s9;
	s6 =	sadd.s32 @!p0 $0x88, s6;
	s7 =	simm.s32 @p2 $0x1082  }
0x22: {  	[simem:s7], [sflag:s8] =	dma.local @!p0 [hbm:s6], $0xF7A  }
0x23: {  	s9 =	sor.u32 $0xD0000000, s2;
	s6 =	simm.s32 $0x108;
	_ =	swait.ge @!p0 [sflag:s8], $0x0  }
0x24: {  	s3 =	sadd.s32 $0x88, s3;
	s6 =	simm.s32 @!p1 $0x1082;
	[sflag:s4] =	ssyncset.s32 $0xFFFFF086  }
0x25: {  	[simem:s6], [sflag:s4] =	dma.local [hbm:s3], $0xF7A  }
0x26: {  	[smem:$0x3F9E] =	sst s1;
	(tag) =	ssettag s2;
	_ =	strace s9  }
0x27: {  	s1 =	sld [smem:$0x3FAE]  }
0x28: {  	s2 =	sld [smem:$0x3FAF]  }
0x29: {  	s4 =	sld [smem:$0x3FB1]  }
0x2a: {  	p0 =	seq.s32 s5, $0x0;
	s5 =	sld [smem:$0x3FB2]  }
0x2b: {  	s6 =	sld [smem:$0x3FB3]  }
0x2c: {  	s7 =	sld [smem:$0x3FB4]  }
0x2d: {  	s3 =	simm.s32 $0x108;
	s8 =	sld [smem:$0x3FB5]  }
0x2e: {  	s3 =	simm.s32 @!p0 $0x1082;
	s9 =	sld [smem:$0x3FB6]  }
0x2f: {  	lr =	sadd.s32 s0, s3;
	s0 =	sld [smem:$0x3FAD]  }
0x30: {  	s3 =	sld [smem:$0x3FB0]  }
0x31: {  	[smem:$0x3FB9] =	sst s10  }
0x32: {  	s10 =	sld [smem:$0x3FB7];
	_ =	sdelay $0x3  }
0x33: {  	p0 =	seq.s32 s10, $0x1;
	s10 =	sld [smem:$0x3FB9];
	_ =	sdelay $0x3  }
0x34: {  	[smem:$0x3FB9] =	sst s10  }
0x35: {  	s10 =	sld [smem:$0x3FB8];
	_ =	sdelay $0x3  }
0x36: {  	p1 =	seq.s32 s10, $0x1;
	s10 =	sld [smem:$0x3FB9];
	_ =	sdelay $0x3  }
0x37: {  	[smem:$0x3FB9] =	sst s10  }
0x38: {  	s10 =	sld [smem:$0x3FBA]  }
0x39: {  	_ = 	snop;
	(pc) =	sbr.ind lr, $3  }
0x3a: {  	_ = 	snop  }
0x3b: {  	_ = 	snop  }
0x3c: {  	p2 =	seq.s32 s10, $0x1;
	s10 =	sld [smem:$0x3FB9]  }
0x3d: {  	_ =	shalt  }
0x3e: {  	_ =	shalt  }
0x3f: {  	_ =	shalt  }
0x40: {  	_ =	shalt  }
0x41: {  	_ =	shalt  }
0x42: {  	_ =	shalt  }
0x43: {  	_ =	shalt  }
0x44: {  	_ =	shalt  }
0x45: {  	_ =	shalt  }
0x46: {  	_ =	shalt  }
0x47: {  	_ =	shalt  }
0x48: {  	_ =	shalt  }
0x49: {  	_ =	shalt  }
0x4a: {  	_ =	shalt  }
0x4b: {  	_ =	shalt  }
0x4c: {  	_ =	shalt  }
0x4d: {  	_ =	shalt  }
0x4e: {  	_ =	shalt  }
0x4f: {  	_ =	shalt  }
0x50: {  	_ =	shalt  }
0x51: {  	_ =	shalt  }
0x52: {  	_ =	shalt  }
0x53: {  	_ =	shalt  }
0x54: {  	_ =	shalt  }
0x55: {  	_ =	shalt  }
0x56: {  	_ =	shalt  }
0x57: {  	_ =	shalt  }
0x58: {  	_ =	shalt  }
0x59: {  	_ =	shalt  }
0x5a: {  	_ =	shalt  }
0x5b: {  	_ =	shalt  }
0x5c: {  	_ =	shalt  }
0x5d: {  	_ =	shalt  }
0x5e: {  	_ =	shalt  }
0x5f: {  	_ =	shalt  }
0x60: {  	_ =	shalt  }
0x61: {  	_ =	shalt  }
0x62: {  	_ =	shalt  }
0x63: {  	_ =	shalt  }
0x64: {  	_ =	shalt  }
0x65: {  	_ =	shalt  }
0x66: {  	_ =	shalt  }
0x67: {  	_ =	shalt  }
0x68: {  	_ =	shalt  }
0x69: {  	_ =	shalt  }
0x6a: {  	_ =	shalt  }
0x6b: {  	_ =	shalt  }
0x6c: {  	_ =	shalt  }
0x6d: {  	_ =	shalt  }
0x6e: {  	_ =	shalt  }
0x6f: {  	_ =	shalt  }
0x70: {  	_ =	shalt  }
0x71: {  	_ =	shalt  }
0x72: {  	_ =	shalt  }
0x73: {  	_ =	shalt  }
0x74: {  	_ =	shalt  }
0x75: {  	_ =	shalt  }
0x76: {  	_ =	shalt  }
0x77: {  	_ =	shalt  }
0x78: {  	_ =	shalt  }
0x79: {  	_ =	shalt  }
0x7a: {  	_ =	shalt  }
0x7b: {  	_ =	shalt  }
0x7c: {  	_ =	shalt  }
0x7d: {  	_ =	shalt  }
0x7e: {  	_ =	shalt  }
0x7f: {  	_ =	shalt  }
0x80: {  	_ =	shalt  }
0x81: {  	_ =	shalt  }
0x82: {  	_ =	shalt  }
0x83: {  	_ =	shalt  }
0x84: {  	_ =	shalt  }
0x85: {  	_ =	shalt  }
0x86: {  	_ =	shalt  }
0x87: {  	_ =	shalt  }
.Lfunc_end0:
.L_simem_size_0:
called_computation_lowered:
.L_overlay_start_0:
0x88: {  	s2 =	sld [smem:$0x3FD9]  }
0x89: {  	s3 =	sld [smem:$0x3FFE];
	_ =	sdelay $0x1  }
0x8a: {  	s1 =	srdreg.scid  }
0x8b: {  	s0 =	sand.u32 $0x1, s1  }
0x8c: {  	s14 =	sshll.u32 s0, $0xA;
	s2 =	sadd.s32 s3, s2  }
0x8d: {  	s2 =	sadd.s32 s2, s14  }
0x8e: {  	[smem:$0x3FC5] =	sst s2  }
0x8f: {  	_ = 	snop  }
0x90: {  	s2 =	sld [smem:$0x3FD0]  }
0x91: {  	s15 =	sld [smem:$0x3FC9]  }
0x92: {  	s4 =	sld [smem:$0x3FC8]  }
0x93: {  	s6 =	simm.s32 $0xA;
	s7 =	simm.s32 $0x10;
	s5 =	sld [smem:$0x3FC7]  }
0x94: {  	[smem:s7], [sflag:s6] =	dma.local [hbm:s2], $0x1  }
0x95: {  	_ =	swait.eq [sflag:s6], $0x1  }
0x96: {  	s16 =	sld [smem:$0x10];
	[sflag:s6] =	ssyncset.done $0x0  }
0x97: {  	s17 =	sld [smem:$0x11];
	[sflag:s6] =	ssyncadd.s32 $0xFFFFFFFF  }
0x98: {  	s18 =	sld [smem:$0x12];
	(tm) =	ssettm $0x1  }
0x99: {  	s8 =	sld [smem:$0x3FFB];
	_ =	sdelay $0x3  }
0x9a: {  	_ =	strace s8  }
0x9b: {  	s8 =	sld [smem:$0x3FFC];
	_ =	sdelay $0x3  }
0x9c: {  	_ =	strace s8  }
0x9d: {  	s8 =	sld [smem:$0x3FFD];
	_ =	sdelay $0x3  }
0x9e: {  	_ =	strace s8  }
0x9f: {  	_ =	strace $0x8FFFFFFF  }
0xa0: {  	s19 =	sld [smem:$0x3FDB];
	_ =	sdelay $0x1  }
0xa1: {  	s9 =	simm.s32 $_scs_section_size  }
0xa2: {  	s10 =	simm.s32 $_size__tile_overlayer_lowered;
	s11 =	simm.s32 $_tile_overlayer_lowered  }
0xa3: {  	s22 =	simm.s32 $0x1BFF;
	s21 =	sshll.u32 s11, $0x1;
	s8 =	sadd.s32 s9, s19  }
0xa4: {  	s12 =	simm.s32 $0x0;
	s20 =	sshll.u32 s10, $0x1;
	s10 =	sadd.s32 s21, s8  }
0xa5: {  	[timem:s12], [sflag:s22] =	dma.local [hbm:s10], s20  }
0xa6: {  	_ =	swait.ge [sflag:s22], s20  }
0xa7: {  	s9 =	ssub.s32 $0x0, s20;
	[sflag:s22] =	ssyncset.done $0x0  }
0xa8: {  	[sflag:s22] =	ssyncadd.s32 s9;
	_ =	sdelay $0x1  }
0xa9: {  	s23 =	simm.s32 $0x1B8B  }
0xaa: {  	_ =	swait.ge [sflag:s23], $0x1  }
0xab: {  	[sflag:s23] =	ssyncset.done $0x0  }
0xac: {  	s25 =	simm.s32 $0x1B8E;
	s24 =	sld [smem:$0x3FFE];
	[sflag:s23] =	ssyncadd.s32 $0xFFFFFFFF  }
0xad: {  	s26 =	simm.s32 $execute0_lowered;
	[smem:$0x3FD2] =	sst s25  }
0xae: {  	s10 =	sshll.u32 s26, $0x1;
	_ =	strace $0x80000046;
	[dreg:$0x1] =	wrdreg $0xFFFFFFFF  }
0xaf: {  	s28 =	simm.s32 $_size_execute0_lowered;
	s8 =	sadd.s32 s8, s10;
	[dreg:$0x0] =	wrdreg $0x0  }
0xb0: {  	s10 =	sshll.u32 s28, $0x1;
	[dreg:$0x2] =	wrdreg s8  }
0xb1: {  	[dreg:$0x3] =	wrdreg s10  }
0xb2: {  	[dreg:$0x4] =	wrdreg $0xC0  }
0xb3: {  	_ =	task [dreg:s12], $0x5FFFF  }
0xb4: {  	[dreg:$0x1] =	wrdreg $0xFFFFFFFF  }
0xb5: {  	[dreg:$0x0] =	wrdreg $0x60  }
0xb6: {  	[dreg:$0x2] =	wrdreg s15  }
0xb7: {  	[dreg:$0x3] =	wrdreg s4  }
0xb8: {  	[dreg:$0x4] =	wrdreg s5  }
0xb9: {  	[dreg:$0x5] =	wrdreg s16  }
0xba: {  	[dreg:$0x6] =	wrdreg s17  }
0xbb: {  	[dreg:$0x7] =	wrdreg s18  }
0xbc: {  	[dreg:$0x8] =	wrdreg s24  }
0xbd: {  	[dreg:$0x9] =	wrdreg $0x9  }
0xbe: {  	_ =	task.clear_ibuf [dreg:s12], $0xAFFFF;
	_ =	strace $0x90000046  }
0xbf: {  	s29 =	simm.s32 $0x9;
	_ =	strace $0x80000048  }
0xc0: {  	_ =	swait.ge [sflag:s29], $0x1  }
0xc1: {  	[sflag:s29] =	ssyncadd.s32 $0xFFFFFFFF  }
0xc2: {  	_ =	strace $0x90000048  }
0xc3: {  	_ =	sfence  }
0xc4: {  	s30 =	sld [smem:$0x0];
	_ =	sdelay $0x2  }
0xc5: {  	s31 =	sshll.u32 s1, $0xD;
	s1 =	sshrl.u32 s1, $0x2  }
0xc6: {  	s3 =	sand.u32 $0x4000, s31;
	s1 =	sadd.s32 s1, s30  }
0xc7: {  	s0 =	sor.u32 s3, s0;
	s1 =	sshll.u32 s1, $0x11  }
0xc8: {  	s0 =	sor.u32 s1, s0  }
0xc9: {  	s0 =	sadd.s32 $0x8F2B, s0  }
0xca: {  	[sflag:s0] =	ssyncadd.remote.s32 $0x1  }
0xcb: {  	_ =	sfence.sel $0xFFFF  }
0xcc: {  	[dreg:$0x0] =	wrdreg $0xFFFFFFFF;
	(pc) =	sbr.abs _section_cstart, $3  }
0xcd: {  	[dreg:$0x1] =	wrdreg $0xFFFFFFFF  }
0xce: {  	_ =	task.clear_ibuf [dreg:s12], $0x2FFFF;
	_ =	strace $0x9FFFFFFF  }
0xcf: {  	(tm) =	ssettm $0x7FFFFFFF  }
tec
execute0_lowered:
.L_overlay_start_1:
0x0: {  	(tag) =	ssettag $0x1  }
0x1: {  	s0 =	rddreg [dreg:$0x0]  }
0x2: {  	s1 =	rddreg [dreg:$0x3]  }
0x3: {  	s2 =	rddreg [dreg:$0x6];
	s3 =	srdreg.scid  }
0x4: {  	s17 =	stileid.u32;
	s6 =	simm.s32 $0x0;
	s28 =	simm.s32 $0x0  }
0x5: {  	s3 =	sand.u32 $0x1, s3;
	s4 =	sshll.u32 s17, $0x1;
	[smem:$0x7FF] =	sst s6  }
0x6: {  	s11 =	sand.u32 $0x3, s17;
	s2 =	sadd.s32 $0x800, s2;
	s22 =	sshll.u32 s17, $0x2  }
0x7: {  	s5 =	sshll.u32 s3, $0x5;
	s4 =	sand.u32 $0x18, s4;
	_ =	strace $0x80000047  }
0x8: {  	s19 =	ssub.s32 $0x2, s3;
	s7 =	sshll.u32 s11, $0x10;
	s3 =	sshll.u32 s3, $0x6  }
0x9: {  	s18 =	sshllo.u32 s11, $0x1;
	s26 =	sshll.u32 s11, $0x16;
	s30 =	sshll.u32 s11, $0x8  }
0xa: {  	p0 =	sgt.u32 s11, $0x1;
	p1 =	seq.s32 s11, $0x2;
	p2 =	sne.s32 s11, $0x3  }
0xb: {  	s4 =	sor.u32 s5, s4;
	s8 =	sshrl.u32 s19, $0x1;
	s3 =	sor.u32 s22, s3  }
0xc: {  	s23 =	sshll.u32 s18, $0x15;
	s31 =	sshll.u32 s18, $0x7;
	s12 =	sshll.u32 s4, $0xF  }
0xd: {  	s5 =	ssub.s32 s19, s8;
	s13 =	sshll.u32 s4, $0xC;
	s22 =	sshrl.u32 s4, $0x3  }
0xe: {  	s9 =	sor.u32 s7, s12;
	s7 =	sshll.u32 s11, $0xD;
	s24 =	sor.u32 s12, s23  }
0xf: {  	s29 =	sor.u32 s12, s26;
	s12 =	sor.u32 s4, s31;
	[dreg:$0xf] =	wrdreg s22  }
0x10: {  	s31 =	sor.u32 $0x10, s22;
	s16 =	sshrl.u32 s9, $0x3;
	s8 =	sor.u32 $0x800, s7  }
0x11: {  	s9 =	sor.u32 $0x1000, s7;
	s10 =	sor.u32 $0x1800, s7;
	s25 =	sshrl.u32 s24, $0x3  }
0x12: {  	s12 =	sshrl.u32 s12, $0x3;
	[dreg:$0x16] =	wrdreg s31;
	s14 =	sadd.s32 s0, s8  }
0x13: {  	s15 =	sadd.s32 s0, s9;
	s21 =	sadd.s32 s0, s10;
	s14 =	sadd.s32 s13, s14  }
0x14: {  	s16 =	sadd.s32 s0, s16;
	s20 =	sadd.s32 s13, s15;
	[dreg:$0x8] =	wrdreg s14  }
0x15: {  	s17 =	sadd.s32 s0, s25;
	s13 =	sadd.s32 s13, s21;
	[dreg:$0x9] =	wrdreg s20  }
0x16: {  	s25 =	smax.u32 s5, $0x1;
	s5 =	simm.s32 $0x1;
	[dreg:$0xa] =	wrdreg s13  }
0x17: {  	s14 =	sadd.s32 s2, s3;
	s3 =	sand.u32 $0x70, s3;
	s13 =	sadd.s32 s1, s12  }
0x18: {  	s20 =	sshll.u32 s4, $0x10;
	s15 =	sadd.s32 s2, s3;
	[dreg:$0xc] =	wrdreg s13  }
0x19: {  	s2 =	sadd.s32 $0x400000, s29;
	s21 =	sor.u32 $0x10000, s20;
	[dreg:$0xd] =	wrdreg s20  }
0x1a: {  	s3 =	sor.u32 s30, s4;
	s23 =	sor.u32 $0x20000, s20;
	[dreg:$0xe] =	wrdreg s21  }
0x1b: {  	s19 =	sadd.s32 $0x2, s14;
	s24 =	sor.u32 $0x30000, s20;
	[dreg:$0x10] =	wrdreg s23  }
0x1c: {  	s26 =	sor.u32 $0x40000, s20;
	s29 =	sor.u32 $0x50000, s20;
	[dreg:$0x11] =	wrdreg s24  }
0x1d: {  	s30 =	sor.u32 $0x60000, s20;
	s2 =	sshrl.u32 s2, $0x3;
	[dreg:$0x12] =	wrdreg s26  }
.Ltmp0:
0x1e: {  	s3 =	sshrl.u32 s3, $0x3;
	[dreg:$0x13] =	wrdreg s29;
	(pc) =	sbr.rel .LBB2_1-.Ltmp0, $4  }
0x1f: {  	[dreg:$0x14] =	wrdreg s30;
	s21 =	simm.s32 $0x3;
	s23 =	simm.s32 $0xC980  }
0x20: {  	v0 =	vlaneseq.u32;
	vm6 =	vcmask $0x1B20;
	vm14 =	vcmask $0x1F1C;
	s26 =	simm.s32 $0xC180;
	s18 =	sadd.s32 s0, s2;
	s0 =	sadd.s32 s1, s3  }
0x21: {  	vm15 =	vcmask $0x308;
	vm0 =	vcmask $0x70C;
	vm1 =	vcmask $0xB10;
	s2 =	simm.s32 $0x4000;
	[dreg:$0xb] =	wrdreg s0;
	s0 =	sor.u32 $0x70000, s20  }
0x22: {  	vm2 =	vcmask $0xF14;
	vm3 =	vcmask $0x1318;
	vm4 =	vcmask $0x171C;
	s1 =	simm.s32 $0x2;
	s3 =	simm.s32 $0x4;
	[dreg:$0x15] =	wrdreg s0  }
.LBB2_13:
0x23: {  	s12 =	rddreg [dreg:$0x2]  }
0x24: {  	s11 =	rddreg [dreg:$0x5]  }
.LBB2_14:
0x25: {  	s13 =	sshll.u32 s22, $0x1;
	s22 =	rddreg [dreg:$0xd]  }
0x26: {  	s13 =	sadd.s32 s22, s13  }
0x27: {  	s13 =	sshrl.u32 s13, $0x3  }
0x28: {  	s20 =	sshll.u32 s20, $0x1;
	s22 =	rddreg [dreg:$0xe];
	s13 =	sadd.s32 s12, s13  }
0x29: {  	[tilespmem:s26], [sflag:$0x3] =	stream.linear.gather [hbm4b:s13+s6], $0x100, $0x38;
	[tilespmem:$0xCA00] =	vst v63  }
0x2a: {  	s13 =	sadd.s32 s20, s22  }
0x2b: {  	s13 =	sshrl.u32 s13, $0x3  }
0x2c: {  	s22 =	simm.s32 $0xC280;
	s13 =	sadd.s32 s12, s13  }
0x2d: {  	[tilespmem:s22], [sflag:$0x3] =	stream.linear.gather [hbm4b:s13+s6], $0x100, $0x38;
	[tilespmem:$0xCA00] =	vst v63  }
0x2e: {  	s20 =	sshll.u32 s24, $0x1;
	s22 =	rddreg [dreg:$0x10]  }
0x2f: {  	s4 =	sshll.u32 s4, $0x1;
	s13 =	sadd.s32 s20, s22;
	s22 =	rddreg [dreg:$0x11]  }
0x30: {  	s24 =	simm.s32 $0xC380;
	s13 =	sshrl.u32 s13, $0x3;
	s4 =	sadd.s32 s4, s22  }
0x31: {  	s20 =	rddreg [dreg:$0x12];
	s13 =	sadd.s32 s12, s13;
	s4 =	sshrl.u32 s4, $0x3  }
0x32: {  	[tilespmem:s24], [sflag:$0x3] =	stream.linear.gather [hbm4b:s13+s6], $0x100, $0x38;
	[tilespmem:$0xCA00] =	vst v63  }
0x33: {  	s4 =	sadd.s32 s12, s4;
	s24 =	simm.s32 $0xC480;
	s13 =	sshll.u32 s31, $0x1  }
0x34: {  	[tilespmem:s24], [sflag:$0x3] =	stream.linear.gather [hbm4b:s4+s6], $0x100, $0x38;
	[tilespmem:$0xCA00] =	vst v63  }
0x35: {  	s0 =	sshll.u32 s0, $0x1;
	s4 =	sadd.s32 s13, s20;
	s24 =	rddreg [dreg:$0x13]  }
0x36: {  	s22 =	simm.s32 $0xC580;
	s4 =	sshrl.u32 s4, $0x3;
	s0 =	sadd.s32 s0, s24  }
0x37: {  	s31 =	simm.s32 $0xC680;
	s4 =	sadd.s32 s12, s4;
	s0 =	sshrl.u32 s0, $0x3  }
0x38: {  	[tilespmem:s22], [sflag:$0x3] =	stream.linear.gather [hbm4b:s4+s6], $0x100, $0x38;
	[tilespmem:$0xCA00] =	vst v63  }
0x39: {  	s13 =	rddreg [dreg:$0x14];
	s0 =	sadd.s32 s12, s0;
	s4 =	sshll.u32 s30, $0x1  }
0x3a: {  	[tilespmem:s31], [sflag:$0x3] =	stream.linear.gather [hbm4b:s0+s6], $0x100, $0x38;
	[tilespmem:$0xCA00] =	vst v63  }
0x3b: {  	s0 =	sadd.s32 s4, s13  }
0x3c: {  	s20 =	simm.s32 $0xC780;
	s0 =	sshrl.u32 s0, $0x3  }
0x3d: {  	s24 =	rddreg [dreg:$0x15];
	s22 =	sshll.u32 s29, $0x1;
	s0 =	sadd.s32 s12, s0  }
0x3e: {  	[tilespmem:s20], [sflag:$0x3] =	stream.linear.gather [hbm4b:s0+s6], $0x100, $0x38;
	[tilespmem:$0xCA00] =	vst v63  }
0x3f: {  	s0 =	sadd.s32 s22, s24  }
0x40: {  	s0 =	sshrl.u32 s0, $0x3  }
0x41: {  	s29 =	simm.s32 $0xC880;
	s0 =	sadd.s32 s12, s0  }
0x42: {  	[tilespmem:s29], [sflag:$0x3] =	stream.linear.gather [hbm4b:s0+s6], $0x100, $0x38;
	[tilespmem:$0xCA00] =	vst v63  }
0x43: {  	_ =	swait.ge [sflag:s21], $0x100  }
0x44: {  	[sflag:s21] =	ssyncset.done $0x0  }
0x45: {  	[sflag:s21] =	ssyncadd.s32 $0xFFFFFF00  }
0x46: {  	_ =	swait.ge [sflag:s21], $0x100  }
0x47: {  	[sflag:s21] =	ssyncset.done $0x0  }
0x48: {  	[sflag:s21] =	ssyncadd.s32 $0xFFFFFF00  }
0x49: {  	_ =	swait.ge [sflag:s21], $0x100  }
0x4a: {  	[sflag:s21] =	ssyncset.done $0x0  }
0x4b: {  	[sflag:s21] =	ssyncadd.s32 $0xFFFFFF00  }
0x4c: {  	_ =	swait.ge [sflag:s21], $0x100  }
0x4d: {  	[sflag:s21] =	ssyncset.done $0x0  }
0x4e: {  	[sflag:s21] =	ssyncadd.s32 $0xFFFFFF00  }
0x4f: {  	_ =	swait.ge [sflag:s21], $0x100  }
0x50: {  	[sflag:s21] =	ssyncset.done $0x0  }
0x51: {  	[sflag:s21] =	ssyncadd.s32 $0xFFFFFF00  }
0x52: {  	_ =	swait.ge [sflag:s21], $0x100  }
0x53: {  	v2 =	vand.u32 $0x7, v0;
	[sflag:s21] =	ssyncset.done $0x0  }
0x54: {  	v2 =	vmul.u32 $0x100, v2;
	[sflag:s21] =	ssyncadd.s32 $0xFFFFFF00  }
0x55: {  	_ =	swait.ge [sflag:s21], $0x100  }
0x56: {  	v3 =	vor.u32 v2, v1;
	[sflag:s21] =	ssyncset.done $0x0  }
0x57: {  	[sflag:s21] =	ssyncadd.s32 $0xFFFFFF00  }
0x58: {  	_ =	swait.ge [sflag:s21], $0x100  }
0x59: {  	[sflag:s21] =	ssyncset.done $0x0  }
0x5a: {  	[sflag:s21] =	ssyncadd.s32 $0xFFFFFF00  }
0x5b: {  	v3 =	vld.idx.msk [tilespmem:v3+s26+$0x0], $0xffff;
	_ =	sdelay $0x3  }
0x5c: {  	v2 =	vor.u32 $0x80, v2;
	s30 =	rddreg [dreg:$0xf]  }
0x5d: {  	v1 =	vor.u32 v2, v1;
	s0 =	sadd.s32 s11, s30;
	[tilespmem:$0xC980] =	vst v3  }
0x5e: {  	[hbm4b:s0+s6] =	stream.linear.scatter [tilespmem:s23], [sflag:$0x4], $0x8, $0x38;
	[tilespmem:$0xCA00] =	vst v63  }
0x5f: {  	_ =	swait.ge [sflag:s3], $0x8  }
0x60: {  	[sflag:s3] =	ssyncset.done $0x0  }
0x61: {  	[sflag:s3] =	ssyncadd.s32 $0xFFFFFFF8  }
0x62: {  	v1 =	vld.idx.msk [tilespmem:v1+s26+$0x0], $0xffff;
	_ =	sdelay $0x3  }
0x63: {  	s31 =	rddreg [dreg:$0x16]  }
0x64: {  	s0 =	sadd.s32 s31, s11;
	[tilespmem:$0xC980] =	vst v1  }
0x65: {  	[hbm4b:s0+s6] =	stream.linear.scatter [tilespmem:s23], [sflag:$0x4], $0x8, $0x38;
	[tilespmem:$0xCA00] =	vst v63  }
0x66: {  	_ =	swait.ge [sflag:s3], $0x8  }
0x67: {  	[sflag:s3] =	ssyncset.done $0x0  }
0x68: {  	[sflag:s3] =	ssyncadd.s32 $0xFFFFFFF8  }
.LBB2_15:
0x69: {  	s28 =	sadd.s32 $0x1, s28  }
0x6a: {  	p3 =	sne.s32 s28, s25  }
.Ltmp1:
0x6b: {  	_ = 	snop;
	(pc) =	sbr.rel @!p3 .LBB2_16-.Ltmp1, $1  }
0x6c: {  	_ =	sdelay $0x3  }
.LBB2_1:
0x6d: {  	[tilespmem:s6], [sflag:$0x1] =	stream.linear.gather [hbm4b:s16+s6], $0x4000, $0x38;
	[tilespmem:$0xCA00] =	vst v63  }
0x6e: {  	s0 =	rddreg [dreg:$0x8]  }
0x6f: {  	[tilespmem:s2], [sflag:$0x2] =	stream.linear.gather [hbm4b:s0+s6], $0x4000, $0x38;
	[tilespmem:$0xCA00] =	vst v63  }
0x70: {  	_ =	swait.ge [sflag:s5], $0x4000  }
0x71: {  	s24 =	sand.u32 $0x70, s6;
	s4 =	sand.u32 $0x3C00, s6;
	[sflag:s5] =	ssyncset.done $0x0  }
0x72: {  	s0 =	sor.u32 s24, s4;
	[sflag:s5] =	ssyncadd.s32 $0xFFFFC000  }
0x73: {  	v1 =	vld [tilespmem:s0+$0x0]  }
0x74: {  	v3 =	vld [tilespmem:s0+$0x80]  }
0x75: {  	s29 =	sand.u32 $0x7, s6;
	v5 =	vld [tilespmem:s0+$0x100]  }
0x76: {  	s4 =	sshll.u32 s29, $0x4;
	v11 =	vld [tilespmem:s0+$0x200]  }
0x77: {  	s4 =	sadd.s32 $0x0, s4;
	v12 =	vld [tilespmem:s0+$0x280]  }
0x78: {  	v8 =	vimm.f32 $-Inf;
	s30 =	sor.u32 $0x380, s4;
	v14 =	vld [tilespmem:s0+$0x300]  }
0x79: {  	v9 =	vimm.s32 $0x0;
	v22 =	vimm.f32 $-Inf;
	v18 =	vimm.f32 $-Inf;
	v16 =	vld [tilespmem:s30+$0x0]  }
0x7a: {  	v23 =	vimm.s32 $0x0;
	v19 =	vimm.s32 $0x0;
	v20 =	vimm.s32 $0x0;
	s4 =	simm.s32 $0x80;
	v6 =	vld [tilespmem:s0+$0x180];
	s0 =	simm.s32 $0x10  }
0x7b: {  	s31 =	sor.u32 s7, s6;
	v24 =	vimm.s32 $0x0;
	v21 =	vimm.s32 $0x0;
	v17 =	vimm.s32 $0x0;
	s12 =	sand.u32 $0x3C00, s4;
	s11 =	sand.u32 $0x70, s0  }
0x7c: {  	v7 =	vor.u32 s31, v0;
	s11 =	sor.u32 s11, s12;
	vm7 =	vgt.f32 v1, v8;
	vm5 =	vgt.f32 v3, v8  }
0x7d: {  	v10 =	vld [tilespmem:s11+$0x0];
	vm10 =	vgt.f32 v5, v8;
	vm8 =	vgt.f32 v11, v8;
	vm11 =	vgt.f32 v12, v8  }
0x7e: {  	v13 =	vld [tilespmem:s11+$0x80];
	vm9 =	vgt.f32 v14, v8;
	vm12 =	vgt.f32 v16, v8;
	v2 =	vsel vm7, v1, v8  }
0x7f: {  	s20 =	simm.s32 $0x1;
	v15 =	vld [tilespmem:s11+$0x180];
	v1 =	vsel vm7, v7, v9;
	v4 =	vsel vm5, v3, v8;
	vm7 =	vgt.f32 v6, v8  }
0x80: {  	s22 =	simm.s32 $0x20;
	s12 =	sand.u32 $0x7, s20;
	v5 =	vsel vm10, v5, v8;
	v3 =	vsel vm7, v6, v8;
	v6 =	vsel vm8, v11, v8;
	v11 =	vld [tilespmem:s11+$0x100]  }
.LBB2_2:
0x81: {  	p3 =	sne.s32 s22, $0x7F0;
	s12 =	sshll.u32 s12, $0x4;
	v25 =	vld [tilespmem:s11+$0x200];
	v8 =	vsel vm11, v12, v8;
	v22 =	vsel vm9, v14, v22;
	v18 =	vsel vm12, v16, v18  }
0x82: {  	v9 =	vsel vm5, v7, v9;
	v23 =	vsel vm10, v7, v23;
	v19 =	vsel vm12, v7, v19;
	s12 =	sadd.s32 s12, s4;
	v12 =	vld [tilespmem:s11+$0x280]  }
0x83: {  	v20 =	vsel vm7, v7, v20;
	v24 =	vsel vm8, v7, v24;
	v21 =	vsel vm11, v7, v21;
	s4 =	sadd.s32 $0x80, s4;
	v14 =	vld [tilespmem:s11+$0x300];
	s11 =	sor.u32 $0x380, s12  }
0x84: {  	s0 =	sor.u32 s7, s0;
	v17 =	vsel vm9, v7, v17;
	s12 =	sand.u32 $0x70, s22;
	s24 =	sand.u32 $0x3C00, s4;
	v16 =	vld [tilespmem:s11+$0x0]  }
.Ltmp2:
0x85: {  	v7 =	vor.u32 s0, v0;
	vm7 =	vgt.f32 v10, v2;
	s0 =	smov.u32 s22;
	vm5 =	vgt.f32 v13, v4;
	s11 =	sor.u32 s12, s24;
	(pc) =	sbr.rel @p3 .LBB2_2-.Ltmp2, $4  }
0x86: {  	v2 =	vsel vm7, v10, v2;
	v1 =	vsel vm7, v7, v1;
	v4 =	vsel vm5, v13, v4;
	v10 =	vld [tilespmem:s11+$0x0]  }
0x87: {  	vm10 =	vgt.f32 v11, v5;
	vm7 =	vgt.f32 v15, v3;
	vm8 =	vgt.f32 v25, v6;
	v13 =	vld [tilespmem:s11+$0x80]  }
0x88: {  	s20 =	sadd.s32 $0x1, s20;
	v5 =	vsel vm10, v11, v5;
	v3 =	vsel vm7, v15, v3;
	v6 =	vsel vm8, v25, v6;
	v11 =	vld [tilespmem:s11+$0x100]  }
0x89: {  	s22 =	sadd.s32 $0x10, s22;
	s12 =	sand.u32 $0x7, s20;
	vm11 =	vgt.f32 v12, v8;
	vm9 =	vgt.f32 v14, v22;
	v15 =	vld [tilespmem:s11+$0x180];
	vm12 =	vgt.f32 v16, v18  }
0x8a: {  	s12 =	sshll.u32 s12, $0x4;
	v25 =	vld [tilespmem:s11+$0x200]  }
0x8b: {  	v26 =	vld [tilespmem:s11+$0x280];
	s4 =	sadd.s32 s12, s4  }
0x8c: {  	v27 =	vld [tilespmem:s11+$0x300];
	s13 =	simm.s32 $0x0;
	s22 =	rddreg [dreg:$0x9];
	s4 =	sor.u32 $0x380, s4  }
0x8d: {  	v28 =	vld [tilespmem:s4+$0x0];
	[tilespmem:s13], [sflag:$0x1] =	stream.linear.gather [hbm4b:s22+s13], $0x4000, $0x38  }
0x8e: {  	v8 =	vsel vm11, v12, v8;
	v12 =	vsel vm9, v14, v22;
	_ =	swait.ge [sflag:s1], $0x4000  }
0x8f: {  	v14 =	vsel vm12, v16, v18;
	v9 =	vsel vm5, v7, v9;
	v16 =	vsel vm10, v7, v23;
	s24 =	sand.u32 $0x70, s13;
	s29 =	sand.u32 $0x3C00, s13;
	[sflag:s1] =	ssyncset.done $0x0  }
0x90: {  	v18 =	vsel vm12, v7, v19;
	v19 =	vsel vm7, v7, v20;
	v20 =	vsel vm8, v7, v24;
	s4 =	sor.u32 s24, s29;
	[sflag:s1] =	ssyncadd.s32 $0xFFFFC000  }
0x91: {  	v22 =	vsel vm11, v7, v21;
	s0 =	sor.u32 s7, s0;
	v7 =	vsel vm9, v7, v17;
	vm5 =	vgt.f32 v10, v2;
	v29 =	vld [tilespmem:s4+$0x4000]  }
0x92: {  	v17 =	vor.u32 s0, v0;
	vm7 =	vgt.f32 v13, v4;
	v10 =	vsel vm5, v10, v2;
	v31 =	vld [tilespmem:s4+$0x4080]  }
0x93: {  	s30 =	sand.u32 $0x7, s13;
	v30 =	vsel vm5, v17, v1;
	v13 =	vsel vm7, v13, v4;
	vm10 =	vgt.f32 v26, v8;
	v33 =	vld [tilespmem:s4+$0x4100]  }
0x94: {  	s0 =	sshll.u32 s30, $0x4;
	vm5 =	vgt.f32 v11, v5;
	vm8 =	vgt.f32 v15, v3;
	v1 =	vsel vm10, v26, v8;
	v26 =	vld [tilespmem:s4+$0x4200]  }
0x95: {  	s31 =	sadd.s32 $0x0, s0;
	v32 =	vsel vm5, v11, v5;
	vm9 =	vgt.f32 v25, v6;
	v34 =	vsel vm8, v15, v3;
	v21 =	vld [tilespmem:s4+$0x4280]  }
0x96: {  	s12 =	sor.u32 $0x380, s31;
	vm11 =	vgt.f32 v27, v12;
	v3 =	vsel vm7, v17, v9;
	v25 =	vsel vm9, v25, v6;
	v23 =	vld [tilespmem:s4+$0x4300]  }
0x97: {  	v4 =	vsel vm11, v27, v12;
	v8 =	vsel vm5, v17, v16;
	v6 =	vsel vm8, v17, v19;
	v24 =	vld [tilespmem:s12+$0x4000]  }
0x98: {  	s0 =	simm.s32 $0x10;
	v9 =	vsel vm10, v17, v22;
	v7 =	vsel vm11, v17, v7;
	v35 =	vld [tilespmem:s4+$0x4180];
	s4 =	simm.s32 $0x80;
	vm12 =	vgt.f32 v28, v14  }
0x99: {  	s24 =	sor.u32 s8, s13;
	s20 =	sand.u32 $0x70, s0;
	s22 =	sand.u32 $0x3C00, s4;
	v2 =	vsel vm12, v28, v14;
	v5 =	vsel vm12, v17, v18;
	v14 =	vsel vm9, v17, v20  }
0x9a: {  	s11 =	sor.u32 s20, s22;
	v20 =	vor.u32 s24, v0;
	vm7 =	vgt.f32 v29, v10;
	vm5 =	vgt.f32 v31, v13  }
0x9b: {  	v15 =	vld [tilespmem:s11+$0x4000];
	vm9 =	vgt.f32 v33, v32;
	vm8 =	vgt.f32 v26, v25;
	vm11 =	vgt.f32 v21, v1  }
0x9c: {  	v19 =	vld [tilespmem:s11+$0x4080];
	vm10 =	vgt.f32 v23, v4;
	vm12 =	vgt.f32 v24, v2;
	v16 =	vsel vm7, v29, v10  }
0x9d: {  	s20 =	simm.s32 $0x1;
	v17 =	vld [tilespmem:s11+$0x4100];
	v11 =	vsel vm7, v20, v30;
	v10 =	vsel vm5, v31, v13;
	vm7 =	vgt.f32 v35, v34  }
0x9e: {  	s22 =	simm.s32 $0x20;
	s12 =	sand.u32 $0x7, s20;
	v22 =	vld [tilespmem:s11+$0x4180];
	v18 =	vsel vm9, v33, v32;
	v13 =	vsel vm8, v26, v25;
	v12 =	vsel vm7, v35, v34  }
.LBB2_4:
0x9f: {  	p3 =	sne.s32 s22, $0x7F0;
	s12 =	sshll.u32 s12, $0x4;
	v25 =	vld [tilespmem:s11+$0x4200];
	v1 =	vsel vm11, v21, v1;
	v4 =	vsel vm10, v23, v4;
	v2 =	vsel vm12, v24, v2  }
0xa0: {  	v3 =	vsel vm5, v20, v3;
	v8 =	vsel vm9, v20, v8;
	v5 =	vsel vm12, v20, v5;
	s12 =	sadd.s32 s12, s4;
	v21 =	vld [tilespmem:s11+$0x4280]  }
0xa1: {  	v6 =	vsel vm7, v20, v6;
	v14 =	vsel vm8, v20, v14;
	v9 =	vsel vm11, v20, v9;
	s4 =	sadd.s32 $0x80, s4;
	v23 =	vld [tilespmem:s11+$0x4300];
	s11 =	sor.u32 $0x380, s12  }
0xa2: {  	s0 =	sor.u32 s8, s0;
	v7 =	vsel vm10, v20, v7;
	s12 =	sand.u32 $0x70, s22;
	s24 =	sand.u32 $0x3C00, s4;
	v24 =	vld [tilespmem:s11+$0x4000]  }
.Ltmp3:
0xa3: {  	v20 =	vor.u32 s0, v0;
	vm7 =	vgt.f32 v15, v16;
	s0 =	smov.u32 s22;
	vm5 =	vgt.f32 v19, v10;
	s11 =	sor.u32 s12, s24;
	(pc) =	sbr.rel @p3 .LBB2_4-.Ltmp3, $4  }
0xa4: {  	v16 =	vsel vm7, v15, v16;
	v11 =	vsel vm7, v20, v11;
	v10 =	vsel vm5, v19, v10;
	v15 =	vld [tilespmem:s11+$0x4000]  }
0xa5: {  	vm9 =	vgt.f32 v17, v18;
	vm7 =	vgt.f32 v22, v12;
	vm8 =	vgt.f32 v25, v13;
	v19 =	vld [tilespmem:s11+$0x4080]  }
0xa6: {  	s20 =	sadd.s32 $0x1, s20;
	v18 =	vsel vm9, v17, v18;
	v12 =	vsel vm7, v22, v12;
	v13 =	vsel vm8, v25, v13;
	v17 =	vld [tilespmem:s11+$0x4100]  }
0xa7: {  	s22 =	sadd.s32 $0x10, s22;
	s12 =	sand.u32 $0x7, s20;
	vm11 =	vgt.f32 v21, v1;
	vm10 =	vgt.f32 v23, v4;
	v22 =	vld [tilespmem:s11+$0x4180];
	vm12 =	vgt.f32 v24, v2  }
0xa8: {  	s12 =	sshll.u32 s12, $0x4;
	v25 =	vld [tilespmem:s11+$0x4200]  }
0xa9: {  	v26 =	vld [tilespmem:s11+$0x4280];
	s4 =	sadd.s32 s12, s4  }
0xaa: {  	v27 =	vld [tilespmem:s11+$0x4300];
	s13 =	simm.s32 $0x0;
	s22 =	rddreg [dreg:$0xa];
	s4 =	sor.u32 $0x380, s4  }
0xab: {  	v28 =	vld [tilespmem:s4+$0x4000];
	[tilespmem:s2], [sflag:$0x2] =	stream.linear.gather [hbm4b:s22+s13], $0x4000, $0x38  }
0xac: {  	v1 =	vsel vm11, v21, v1;
	v4 =	vsel vm10, v23, v4;
	_ =	swait.ge [sflag:s5], $0x4000  }
0xad: {  	v2 =	vsel vm12, v24, v2;
	v3 =	vsel vm5, v20, v3;
	v8 =	vsel vm9, v20, v8;
	s24 =	sand.u32 $0x70, s13;
	s29 =	sand.u32 $0x3C00, s13;
	[sflag:s5] =	ssyncset.done $0x0  }
0xae: {  	v5 =	vsel vm12, v20, v5;
	v6 =	vsel vm7, v20, v6;
	v14 =	vsel vm8, v20, v14;
	s4 =	sor.u32 s24, s29;
	[sflag:s5] =	ssyncadd.s32 $0xFFFFC000  }
0xaf: {  	v24 =	vsel vm11, v20, v9;
	s0 =	sor.u32 s8, s0;
	v20 =	vsel vm10, v20, v7;
	vm7 =	vgt.f32 v19, v10;
	v30 =	vld [tilespmem:s4+$0x0]  }
0xb0: {  	vm5 =	vgt.f32 v15, v16;
	v29 =	vor.u32 s0, v0;
	v10 =	vsel vm7, v19, v10;
	v19 =	vld [tilespmem:s4+$0x80]  }
0xb1: {  	s30 =	sand.u32 $0x7, s13;
	v16 =	vsel vm5, v15, v16;
	v11 =	vsel vm5, v29, v11;
	vm9 =	vgt.f32 v25, v13;
	v31 =	vld [tilespmem:s4+$0x100]  }
0xb2: {  	s0 =	sshll.u32 s30, $0x4;
	vm5 =	vgt.f32 v17, v18;
	v3 =	vsel vm7, v29, v3;
	v13 =	vsel vm9, v25, v13;
	v25 =	vld [tilespmem:s4+$0x200]  }
0xb3: {  	s31 =	sadd.s32 $0x0, s0;
	vm8 =	vgt.f32 v22, v12;
	v18 =	vsel vm5, v17, v18;
	v9 =	vsel vm5, v29, v8;
	v21 =	vld [tilespmem:s4+$0x280]  }
0xb4: {  	s12 =	sor.u32 $0x380, s31;
	v12 =	vsel vm8, v22, v12;
	vm10 =	vgt.f32 v26, v1;
	vm11 =	vgt.f32 v27, v4;
	v23 =	vld [tilespmem:s4+$0x300]  }
0xb5: {  	v1 =	vsel vm10, v26, v1;
	v8 =	vsel vm10, v29, v24;
	v24 =	vld [tilespmem:s12+$0x0];
	vm12 =	vgt.f32 v28, v2  }
0xb6: {  	s0 =	simm.s32 $0x10;
	v7 =	vsel vm11, v27, v4;
	v14 =	vsel vm9, v29, v14;
	v22 =	vld [tilespmem:s4+$0x180];
	s4 =	simm.s32 $0x80;
	v2 =	vsel vm12, v28, v2  }
0xb7: {  	s24 =	sor.u32 s9, s13;
	s20 =	sand.u32 $0x70, s0;
	s22 =	sand.u32 $0x3C00, s4;
	v4 =	vsel vm12, v29, v5;
	v5 =	vsel vm8, v29, v6;
	v6 =	vsel vm11, v29, v20  }
0xb8: {  	s11 =	sor.u32 s20, s22;
	v20 =	vor.u32 s24, v0;
	vm7 =	vgt.f32 v30, v16;
	vm5 =	vgt.f32 v19, v10  }
0xb9: {  	v15 =	vld [tilespmem:s11+$0x0];
	vm9 =	vgt.f32 v31, v18;
	vm8 =	vgt.f32 v25, v13;
	vm11 =	vgt.f32 v21, v1  }
0xba: {  	v17 =	vld [tilespmem:s11+$0x100];
	vm10 =	vgt.f32 v23, v7;
	vm12 =	vgt.f32 v24, v2;
	v16 =	vsel vm7, v30, v16  }
0xbb: {  	s20 =	simm.s32 $0x1;
	v11 =	vsel vm7, v20, v11;
	v10 =	vsel vm5, v19, v10;
	v19 =	vld [tilespmem:s11+$0x80];
	vm7 =	vgt.f32 v22, v12  }
0xbc: {  	s22 =	simm.s32 $0x20;
	s12 =	sand.u32 $0x7, s20;
	v18 =	vsel vm9, v31, v18;
	v13 =	vsel vm8, v25, v13;
	v12 =	vsel vm7, v22, v12;
	v22 =	vld [tilespmem:s11+$0x180]  }
.LBB2_6:
0xbd: {  	p3 =	sne.s32 s22, $0x7F0;
	s12 =	sshll.u32 s12, $0x4;
	v25 =	vld [tilespmem:s11+$0x200];
	v1 =	vsel vm11, v21, v1;
	v7 =	vsel vm10, v23, v7;
	v2 =	vsel vm12, v24, v2  }
0xbe: {  	v3 =	vsel vm5, v20, v3;
	v9 =	vsel vm9, v20, v9;
	v4 =	vsel vm12, v20, v4;
	s12 =	sadd.s32 s12, s4;
	v21 =	vld [tilespmem:s11+$0x280]  }
0xbf: {  	v5 =	vsel vm7, v20, v5;
	v14 =	vsel vm8, v20, v14;
	v8 =	vsel vm11, v20, v8;
	s4 =	sadd.s32 $0x80, s4;
	v23 =	vld [tilespmem:s11+$0x300];
	s11 =	sor.u32 $0x380, s12  }
0xc0: {  	s0 =	sor.u32 s9, s0;
	v6 =	vsel vm10, v20, v6;
	s12 =	sand.u32 $0x70, s22;
	s24 =	sand.u32 $0x3C00, s4;
	v24 =	vld [tilespmem:s11+$0x0]  }
.Ltmp4:
0xc1: {  	v20 =	vor.u32 s0, v0;
	vm7 =	vgt.f32 v15, v16;
	s0 =	smov.u32 s22;
	vm5 =	vgt.f32 v19, v10;
	s11 =	sor.u32 s12, s24;
	(pc) =	sbr.rel @p3 .LBB2_6-.Ltmp4, $4  }
0xc2: {  	v16 =	vsel vm7, v15, v16;
	v11 =	vsel vm7, v20, v11;
	v10 =	vsel vm5, v19, v10;
	v15 =	vld [tilespmem:s11+$0x0]  }
0xc3: {  	vm9 =	vgt.f32 v17, v18;
	vm7 =	vgt.f32 v22, v12;
	vm8 =	vgt.f32 v25, v13;
	v19 =	vld [tilespmem:s11+$0x80]  }
0xc4: {  	s20 =	sadd.s32 $0x1, s20;
	v18 =	vsel vm9, v17, v18;
	v12 =	vsel vm7, v22, v12;
	v13 =	vsel vm8, v25, v13;
	v17 =	vld [tilespmem:s11+$0x100]  }
0xc5: {  	s22 =	sadd.s32 $0x10, s22;
	s12 =	sand.u32 $0x7, s20;
	vm11 =	vgt.f32 v21, v1;
	vm10 =	vgt.f32 v23, v7;
	v22 =	vld [tilespmem:s11+$0x180];
	vm12 =	vgt.f32 v24, v2  }
0xc6: {  	s12 =	sshll.u32 s12, $0x4;
	v25 =	vld [tilespmem:s11+$0x200]  }
0xc7: {  	v26 =	vld [tilespmem:s11+$0x280];
	s4 =	sadd.s32 s12, s4  }
0xc8: {  	v27 =	vld [tilespmem:s11+$0x300];
	s4 =	sor.u32 $0x380, s4  }
0xc9: {  	v1 =	vsel vm11, v21, v1;
	v7 =	vsel vm10, v23, v7;
	s13 =	simm.s32 $0x0;
	v21 =	vld [tilespmem:s4+$0x0];
	_ =	swait.ge [sflag:s1], $0x4000  }
0xca: {  	v2 =	vsel vm12, v24, v2;
	v3 =	vsel vm5, v20, v3;
	v9 =	vsel vm9, v20, v9;
	s20 =	sand.u32 $0x70, s13;
	s22 =	sand.u32 $0x3C00, s13;
	[sflag:s1] =	ssyncset.done $0x0  }
0xcb: {  	v23 =	vsel vm12, v20, v4;
	v5 =	vsel vm7, v20, v5;
	vm5 =	vgt.f32 v15, v16;
	s11 =	sor.u32 s20, s22;
	[sflag:s1] =	ssyncadd.s32 $0xFFFFC000  }
0xcc: {  	v24 =	vsel vm8, v20, v14;
	v28 =	vsel vm11, v20, v8;
	s0 =	sor.u32 s9, s0;
	v15 =	vsel vm5, v15, v16;
	v16 =	vld [tilespmem:s11+$0x4000]  }
0xcd: {  	v20 =	vsel vm10, v20, v6;
	v29 =	vor.u32 s0, v0;
	vm7 =	vgt.f32 v19, v10;
	v31 =	vld [tilespmem:s11+$0x4080]  }
0xce: {  	s24 =	sand.u32 $0x7, s13;
	v30 =	vsel vm5, v29, v11;
	v19 =	vsel vm7, v19, v10;
	vm5 =	vgt.f32 v17, v18;
	v32 =	vld [tilespmem:s11+$0x4100]  }
0xcf: {  	s0 =	sshll.u32 s24, $0x4;
	v14 =	vsel vm7, v29, v3;
	s4 =	sor.u32 s10, s13;
	vm8 =	vgt.f32 v22, v12;
	vm10 =	vgt.f32 v26, v1;
	v34 =	vld [tilespmem:s11+$0x4180]  }
0xd0: {  	s0 =	sadd.s32 $0x0, s0;
	v17 =	vsel vm5, v17, v18;
	v3 =	vor.u32 s4, v0;
	v6 =	vsel vm10, v26, v1;
	v26 =	vld [tilespmem:s11+$0x4200]  }
0xd1: {  	s0 =	sor.u32 $0x380, s0;
	vm9 =	vgt.f32 v25, v13;
	v33 =	vsel vm8, v22, v12;
	vm11 =	vgt.f32 v27, v7;
	v10 =	vld [tilespmem:s11+$0x4280]  }
0xd2: {  	v12 =	vsel vm8, v29, v5;
	v25 =	vsel vm9, v25, v13;
	v13 =	vsel vm5, v29, v9;
	v9 =	vld [tilespmem:s0+$0x4000]  }
0xd3: {  	s29 =	simm.s32 $0x80;
	s20 =	simm.s32 $0x10;
	v4 =	vsel vm11, v27, v7;
	v11 =	vsel vm9, v29, v24;
	vm12 =	vgt.f32 v21, v2  }
0xd4: {  	s31 =	sand.u32 $0x3C00, s29;
	s30 =	sand.u32 $0x70, s20;
	v8 =	vld [tilespmem:s11+$0x4300];
	v7 =	vsel vm10, v29, v28;
	v5 =	vsel vm11, v29, v20;
	v2 =	vsel vm12, v21, v2  }
0xd5: {  	s0 =	sor.u32 s30, s31;
	v1 =	vsel vm12, v29, v23;
	vm5 =	vgt.f32 v16, v15;
	vm11 =	vgt.f32 v31, v19  }
0xd6: {  	v18 =	vld [tilespmem:s0+$0x4100];
	vm12 =	vgt.f32 v32, v17;
	vm10 =	vgt.f32 v34, v33;
	vm8 =	vgt.f32 v26, v25  }
0xd7: {  	v23 =	vld [tilespmem:s0+$0x4000];
	vm9 =	vgt.f32 v10, v6;
	vm7 =	vgt.f32 v9, v2;
	v24 =	vsel vm5, v16, v15  }
0xd8: {  	s11 =	simm.s32 $0x1;
	v21 =	vld [tilespmem:s0+$0x4080];
	v22 =	vsel vm5, v3, v30;
	v20 =	vsel vm11, v31, v19;
	v19 =	vsel vm12, v32, v17  }
0xd9: {  	s22 =	simm.s32 $0x20;
	s4 =	sand.u32 $0x7, s11;
	v16 =	vsel vm10, v34, v33;
	v15 =	vsel vm8, v26, v25;
	v17 =	vld [tilespmem:s0+$0x4180];
	vm5 =	vgt.f32 v8, v4  }
.LBB2_8:
0xda: {  	p3 =	sne.s32 s22, $0x7F0;
	s4 =	sshll.u32 s4, $0x4;
	v25 =	vld [tilespmem:s0+$0x4200];
	v6 =	vsel vm9, v10, v6;
	v4 =	vsel vm5, v8, v4;
	v2 =	vsel vm7, v9, v2  }
0xdb: {  	v14 =	vsel vm11, v3, v14;
	v13 =	vsel vm12, v3, v13;
	v1 =	vsel vm7, v3, v1;
	s4 =	sadd.s32 s4, s29;
	v10 =	vld [tilespmem:s0+$0x4280]  }
0xdc: {  	v12 =	vsel vm10, v3, v12;
	v11 =	vsel vm8, v3, v11;
	v7 =	vsel vm9, v3, v7;
	s29 =	sadd.s32 $0x80, s29;
	v8 =	vld [tilespmem:s0+$0x4300];
	s0 =	sor.u32 $0x380, s4  }
0xdd: {  	s20 =	sor.u32 s10, s20;
	v5 =	vsel vm5, v3, v5;
	s4 =	sand.u32 $0x70, s22;
	s12 =	sand.u32 $0x3C00, s29;
	v9 =	vld [tilespmem:s0+$0x4000]  }
.Ltmp5:
0xde: {  	v3 =	vor.u32 s20, v0;
	vm5 =	vgt.f32 v23, v24;
	s20 =	smov.u32 s22;
	vm11 =	vgt.f32 v21, v20;
	s0 =	sor.u32 s4, s12;
	(pc) =	sbr.rel @p3 .LBB2_8-.Ltmp5, $4  }
0xdf: {  	v24 =	vsel vm5, v23, v24;
	v22 =	vsel vm5, v3, v22;
	v20 =	vsel vm11, v21, v20;
	v23 =	vld [tilespmem:s0+$0x4000]  }
0xe0: {  	vm12 =	vgt.f32 v18, v19;
	vm10 =	vgt.f32 v17, v16;
	vm8 =	vgt.f32 v25, v15;
	v21 =	vld [tilespmem:s0+$0x4080]  }
0xe1: {  	s11 =	sadd.s32 $0x1, s11;
	v19 =	vsel vm12, v18, v19;
	v16 =	vsel vm10, v17, v16;
	v15 =	vsel vm8, v25, v15;
	v18 =	vld [tilespmem:s0+$0x4100]  }
0xe2: {  	s22 =	sadd.s32 $0x10, s22;
	s4 =	sand.u32 $0x7, s11;
	vm9 =	vgt.f32 v10, v6;
	vm5 =	vgt.f32 v8, v4;
	v17 =	vld [tilespmem:s0+$0x4180];
	vm7 =	vgt.f32 v9, v2  }
0xe3: {  	_ = 	snop  }
0xe4: {  	vm13 =	vgt.f32 v23, v24  }
0xe5: {  	v23 =	vsel vm13, v23, v24  }
0xe6: {  	(xrf0) =	vmax.scan.msk.f32 $0xffff, v23;
	_ =	sdelay $0x5  }
0xe7: {  	s11 =	sor.u32 s10, s20;
	v38, _, _ =	vpop (xrf0)  }
0xe8: {  	v25 =	vor.u32 s11, v0;
	v24 =	vbroadcast v38, $0xF  }
0xe9: {  	v22 =	vsel vm13, v25, v22  }
0xea: {  	v22 =	vxor.u32 $0x80000000, v22;
	vm13 =	veq.f32 v23, v24  }
0xeb: {  	v22 =	vnsel vm13, $0xC0000000, v22;
	vm13 =	vgt.f32 v21, v20  }
0xec: {  	v20 =	vsel vm13, v21, v20;
	(xrf0) =	vmin.scan.msk.u32 $0xffff, v22  }
0xed: {  	(xrf0) =	vmax.scan.msk.f32 $0xffff, v20;
	_ =	sdelay $0x4  }
0xee: {  	v39, _, _ =	vpop (xrf0)  }
0xef: {  	v40, _, _ =	vpop (xrf0)  }
0xf0: {  	v14 =	vsel vm11, v3, v14;
	v22 =	vbroadcast v40, $0xF  }
0xf1: {  	v14 =	vsel vm13, v25, v14  }
0xf2: {  	v14 =	vxor.u32 $0x80000000, v14;
	vm11 =	veq.f32 v20, v22  }
0xf3: {  	v14 =	vnsel vm11, $0xC0000000, v14;
	vm11 =	vgt.f32 v18, v19  }
0xf4: {  	v18 =	vsel vm11, v18, v19;
	(xrf0) =	vmin.scan.msk.u32 $0xffff, v14  }
0xf5: {  	(xrf0) =	vmax.scan.msk.f32 $0xffff, v18;
	_ =	sdelay $0x4  }
0xf6: {  	v14, _, _ =	vpop (xrf0)  }
0xf7: {  	v41, _, _ =	vpop (xrf0)  }
0xf8: {  	v13 =	vsel vm12, v3, v13;
	v19 =	vbroadcast v41, $0xF  }
0xf9: {  	v13 =	vsel vm11, v25, v13  }
0xfa: {  	v13 =	vxor.u32 $0x80000000, v13;
	vm11 =	veq.f32 v18, v19  }
0xfb: {  	v13 =	vnsel vm11, $0xC0000000, v13;
	vm11 =	vgt.f32 v17, v16  }
0xfc: {  	v16 =	vsel vm11, v17, v16;
	(xrf0) =	vmin.scan.msk.u32 $0xffff, v13  }
0xfd: {  	(xrf0) =	vmax.scan.msk.f32 $0xffff, v16;
	_ =	sdelay $0x4  }
0xfe: {  	v42 =	vld [tilespmem:s0+$0x4200];
	v43, _, _ =	vpop (xrf0)  }
0xff: {  	v44, _, _ =	vpop (xrf0)  }
0x100: {  	v12 =	vsel vm10, v3, v12;
	v18 =	vbroadcast v44, $0xF  }
0x101: {  	v12 =	vsel vm11, v25, v12  }
0x102: {  	v12 =	vxor.u32 $0x80000000, v12;
	vm10 =	veq.f32 v16, v18  }
0x103: {  	v12 =	vnsel vm10, $0xC0000000, v12;
	vm10 =	vgt.f32 v42, v15  }
0x104: {  	v13 =	vsel vm10, v42, v15;
	(xrf0) =	vmin.scan.msk.u32 $0xffff, v12  }
0x105: {  	(xrf0) =	vmax.scan.msk.f32 $0xffff, v13;
	_ =	sdelay $0x4  }
0x106: {  	v45 =	vld [tilespmem:s0+$0x4280];
	v46, _, _ =	vpop (xrf0)  }
0x107: {  	v47, _, _ =	vpop (xrf0)  }
0x108: {  	v11 =	vsel vm8, v3, v11;
	v16 =	vbroadcast v47, $0xF  }
0x109: {  	v11 =	vsel vm10, v25, v11  }
0x10a: {  	v6 =	vsel vm9, v10, v6;
	v48 =	vxor.u32 $0x80000000, v11;
	vm8 =	veq.f32 v13, v16  }
0x10b: {  	v10 =	vnsel vm8, $0xC0000000, v48;
	vm8 =	vgt.f32 v45, v6  }
0x10c: {  	v6 =	vsel vm8, v45, v6;
	(xrf0) =	vmin.scan.msk.u32 $0xffff, v10  }
0x10d: {  	(xrf0) =	vmax.scan.msk.f32 $0xffff, v6;
	_ =	sdelay $0x4  }
0x10e: {  	v49 =	vld [tilespmem:s0+$0x4300];
	v50, _, _ =	vpop (xrf0)  }
0x10f: {  	v51, _, _ =	vpop (xrf0)  }
0x110: {  	v7 =	vsel vm9, v3, v7;
	v12 =	vbroadcast v51, $0xF  }
0x111: {  	v7 =	vsel vm8, v25, v7  }
0x112: {  	v4 =	vsel vm5, v8, v4;
	v52 =	vxor.u32 $0x80000000, v7;
	vm8 =	veq.f32 v6, v12  }
0x113: {  	v6 =	vnsel vm8, $0xC0000000, v52;
	vm8 =	vgt.f32 v49, v4  }
0x114: {  	v4 =	vsel vm8, v49, v4;
	(xrf0) =	vmin.scan.msk.u32 $0xffff, v6  }
0x115: {  	(xrf0) =	vmax.scan.msk.f32 $0xffff, v4;
	_ =	sdelay $0x1  }
0x116: {  	s13 =	sshll.u32 s4, $0x4  }
0x117: {  	s0 =	sadd.s32 s13, s29  }
0x118: {  	s0 =	sor.u32 $0x380, s0  }
0x119: {  	v53 =	vld [tilespmem:s0+$0x4000];
	v54, _, _ =	vpop (xrf0)  }
0x11a: {  	v55, _, _ =	vpop (xrf0)  }
0x11b: {  	v5 =	vsel vm5, v3, v5;
	v8 =	vbroadcast v55, $0xF  }
0x11c: {  	v5 =	vsel vm8, v25, v5  }
0x11d: {  	v2 =	vsel vm7, v9, v2;
	v56 =	vxor.u32 $0x80000000, v5;
	vm5 =	veq.f32 v4, v8  }
0x11e: {  	vm8 =	vgt.f32 v53, v2;
	v4 =	vnsel vm5, $0xC0000000, v56  }
0x11f: {  	v2 =	vsel vm8, v53, v2;
	(xrf0) =	vmin.scan.msk.u32 $0xffff, v4  }
0x120: {  	(xrf0) =	vmax.scan.msk.f32 $0xffff, v2;
	_ =	sdelay $0x4  }
0x121: {  	(v2sf) =	vpush v39, $0xF;
	v4, _, _ =	vpop (xrf0)  }
0x122: {  	v57, _, _ =	vpop (xrf0)  }
0x123: {  	v1 =	vsel vm7, v3, v1;
	v3 =	vbroadcast v57, $0xF  }
0x124: {  	(v2sf) =	vpush v14, $0xF;
	v1 =	vsel vm8, v25, v1  }
0x125: {  	v1 =	vxor.u32 $0x80000000, v1;
	vm5 =	veq.f32 v2, v3  }
0x126: {  	(v2sf) =	vpush v43, $0xF;
	v1 =	vnsel vm5, $0xC0000000, v1  }
0x127: {  	(xrf0) =	vmin.scan.msk.u32 $0xffff, v1  }
0x128: {  	(v2sf) =	vpush v46, $0xF;
	_ =	sdelay $0x1  }
0x129: {  	(v2sf) =	vpush v50, $0xF;
	_ =	sdelay $0x1  }
0x12a: {  	(v2sf) =	vpush v54, $0xF  }
0x12b: {  	(v2sf) =	vpush v4, $0xF;
	v1, _, _ =	vpop (xrf0)  }
0x12c: {  	(v2sf) =	vpush v1, $0xF;
	_ =	sdelay $0x1  }
0x12d: {  	s20 =	spop (v2sf);
	vm5 =	vmmov $0x1  }
0x12e: {  	vm7 =	vcmask $0x320;
	s0 =	sxor.u32 $0x80000000, s20;
	v1 =	vnsel vm5, $0x0, v24  }
0x12f: {  	v2 =	vmov s0;
	v1 =	vsel vm7, v1, v22;
	vm7 =	vcmask $0x300  }
0x130: {  	s22 =	spop (v2sf);
	v2 =	vnsel vm7, $0x0, v2;
	vm7 =	vcmask $0x720  }
0x131: {  	s24 =	sxor.u32 $0x80000000, s22;
	v1 =	vsel vm7, v1, v19;
	vm7 =	vcmask $0x704  }
0x132: {  	s11 =	spop (v2sf);
	v2 =	vsel vm7, s24, v2;
	vm7 =	vcmask $0xB20  }
0x133: {  	s4 =	sxor.u32 $0x80000000, s11;
	v1 =	vsel vm7, v1, v18;
	vm7 =	vcmask $0xB08  }
0x134: {  	s12 =	spop (v2sf);
	v2 =	vsel vm7, s4, v2;
	vm7 =	vcmask $0xF20  }
0x135: {  	s13 =	sxor.u32 $0x80000000, s12;
	v1 =	vsel vm7, v1, v16;
	vm7 =	vcmask $0xF0C  }
0x136: {  	s20 =	spop (v2sf);
	v2 =	vsel vm7, s13, v2;
	vm7 =	vcmask $0x1320  }
0x137: {  	s22 =	sxor.u32 $0x80000000, s20;
	v1 =	vsel vm7, v1, v12;
	vm7 =	vcmask $0x1310  }
0x138: {  	s24 =	spop (v2sf);
	v2 =	vsel vm7, s22, v2;
	vm7 =	vcmask $0x1720  }
0x139: {  	s12 =	sxor.u32 $0x80000000, s24;
	s13 =	spop (v2sf);
	v1 =	vsel vm7, v1, v8;
	vm7 =	vcmask $0x1714  }
0x13a: {  	s20 =	sxor.u32 $0x80000000, s13;
	v2 =	vsel vm7, s12, v2;
	vm7 =	vcmask $0x1B18;
	s22 =	spop (v2sf)  }
0x13b: {  	v1 =	vsel vm6, v1, v3;
	v2 =	vsel vm7, s20, v2;
	s24 =	sxor.u32 $0x80000000, s22  }
0x13c: {  	[tilespmem:$0x8000] =	vst v1;
	v2 =	vsel vm14, s24, v2  }
0x13d: {  	s11 =	simm.s32 $0x8000;
	[tilespmem:$0x8080] =	vst v2  }
0x13e: {  	[hbm4b:s14+s6] =	stream.linear.scatter [tilespmem:s11], [sflag:$0x4], $0x10, $0x38;
	[tilespmem:$0xCA00] =	vst v63  }
0x13f: {  	_ =	swait.ge [sflag:s3], $0x10  }
0x140: {  	[sflag:s3] =	ssyncset.done $0x0  }
0x141: {  	s12 =	simm.s32 $0x8080;
	[sflag:s3] =	ssyncadd.s32 $0xFFFFFFF0  }
0x142: {  	[hbm4b:s19+s6] =	stream.linear.scatter [tilespmem:s12], [sflag:$0x4], $0x10, $0x38;
	[tilespmem:$0xCA00] =	vst v63  }
0x143: {  	_ =	swait.ge [sflag:s3], $0x10  }
0x144: {  	[sflag:s3] =	ssyncset.done $0x0  }
0x145: {  	[sflag:s3] =	ssyncadd.s32 $0xFFFFFFF0  }
0x146: {  	s13 =	simm.s32 $0x8100;
	[bflag:$0x0] =	sbarrier.arrive $0xFFFF  }
0x147: {  	[tilespmem:s13], [sflag:$0x4] =	stream.linear.gather [hbm4b:s15+s6], $0x80, $0x38;
	[tilespmem:$0xCA00] =	vst v63  }
0x148: {  	_ =	swait.ge [sflag:s3], $0x80  }
0x149: {  	[sflag:s3] =	ssyncset.done $0x0  }
0x14a: {  	[sflag:s3] =	ssyncadd.s32 $0xFFFFFF80  }
0x14b: {  	v1 =	vld [tilespmem:$0x8100]  }
0x14c: {  	v2 =	vld [tilespmem:$0x8110]  }
0x14d: {  	v3 =	vld [tilespmem:$0x8120]  }
0x14e: {  	v58 =	vld [tilespmem:$0x8130]  }
0x14f: {  	v59 =	vld [tilespmem:$0x8140]  }
0x150: {  	v60 =	vld [tilespmem:$0x8150]  }
0x151: {  	v61 =	vld [tilespmem:$0x8160]  }
0x152: {  	v62 =	vld [tilespmem:$0x8170];
	vm7 =	vgt.f32 v3, v1  }
0x153: {  	v1 =	vsel vm7, v3, v1  }
0x154: {  	vm8 =	vgt.f32 v59, v1  }
0x155: {  	v2 =	vsel vm7, v58, v2;
	v1 =	vsel vm8, v59, v1  }
0x156: {  	v2 =	vsel vm8, v60, v2;
	vm7 =	vgt.f32 v61, v1  }
0x157: {  	v1 =	vsel vm7, v62, v2  }
0x158: {  	vm7 =	vgt.s32 v1, $0x0  }
0x159: {  	v1 =	vnsel vm7, $0x0, v1  }
0x15a: {  	v1 =	vmin.u32 v1, $0x7FFF  }
0x15b: {  	v2 =	vnsel vm5, $0x0, v1  }
0x15c: {  	v3 =	vsel vm15, $0x0, v1;
	v2 =	vor.u32 $0x80000000, v2  }
0x15d: {  	(xrf0) =	vmax.scan.msk.u32 $0xffff, v2;
	v2 =	vor.u32 $0x80000000, v3;
	v3 =	vsel vm0, $0x0, v1  }
0x15e: {  	(xrf0) =	vmax.scan.msk.u32 $0xffff, v2;
	v2 =	vor.u32 $0x80000000, v3;
	v3 =	vsel vm1, $0x0, v1  }
0x15f: {  	(xrf0) =	vmax.scan.msk.u32 $0xffff, v2;
	v2 =	vor.u32 $0x80000000, v3;
	v3 =	vsel vm2, $0x0, v1  }
0x160: {  	(xrf0) =	vmax.scan.msk.u32 $0xffff, v2;
	v2 =	vor.u32 $0x80000000, v3;
	v3 =	vsel vm3, $0x0, v1  }
0x161: {  	(xrf0) =	vmax.scan.msk.u32 $0xffff, v2;
	v2 =	vor.u32 $0x80000000, v3;
	v3 =	vsel vm4, $0x0, v1  }
0x162: {  	(xrf0) =	vmax.scan.msk.u32 $0xffff, v2;
	v2 =	vor.u32 $0x80000000, v3;
	_ =	sdelay $0x1  }
0x163: {  	v3, _, _ =	vpop (xrf0)  }
0x164: {  	(xrf0) =	vmax.scan.msk.u32 $0xffff, v2;
	v2, _, _ =	vpop (xrf0);
	(v2sf) =	vpush v3, $0xF;
	v3 =	vsel vm6, $0x0, v1  }
0x165: {  	(v2sf) =	vpush v2, $0xF;
	v2 =	vor.u32 $0x80000000, v3  }
0x166: {  	(xrf0) =	vmax.scan.msk.u32 $0xffff, v2  }
0x167: {  	v63, _, _ =	vpop (xrf0)  }
0x168: {  	(v2sf) =	vpush v63, $0xF;
	v3, _, _ =	vpop (xrf0)  }
0x169: {  	v2, _, _ =	vpop (xrf0);
	(v2sf) =	vpush v3, $0xF  }
0x16a: {  	v3, _, _ =	vpop (xrf0);
	(v2sf) =	vpush v2, $0xF  }
0x16b: {  	v2, _, _ =	vpop (xrf0);
	(v2sf) =	vpush v3, $0xF  }
0x16c: {  	(v2sf) =	vpush v2, $0xF;
	v2, _, _ =	vpop (xrf0)  }
0x16d: {  	(v2sf) =	vpush v2, $0xF;
	_ =	sdelay $0x7  }
0x16e: {  	s20 =	spop (v2sf)  }
0x16f: {  	s22 =	spop (v2sf)  }
0x170: {  	s0 =	sand.u32 $0xFFFFFF80, s20;
	s24 =	spop (v2sf)  }
0x171: {  	s4 =	sand.u32 $0xFFFFFF80, s22;
	s22 =	sxor.u32 $0x80000000, s0;
	s12 =	spop (v2sf)  }
0x172: {  	s20 =	sxor.u32 $0x80000000, s4;
	s4 =	sand.u32 $0xFFFFFF80, s24;
	s29 =	spop (v2sf)  }
.Ltmp6:
0x173: {  	s24 =	sxor.u32 $0x80000000, s4;
	s30 =	spop (v2sf);
	(pc) =	sbr.rel @p0 .LBB2_11-.Ltmp6, $4  }
0x174: {  	s11 =	sand.u32 $0xFFFFFF80, s12;
	s12 =	sand.u32 $0xFFFFFF80, s29;
	s13 =	spop (v2sf)  }
0x175: {  	s4 =	sxor.u32 $0x80000000, s11;
	s31 =	sxor.u32 $0x80000000, s12;
	s0 =	spop (v2sf)  }
0x176: {  	s11 =	sand.u32 $0xFFFFFF80, s30;
	s12 =	sand.u32 $0xFFFFFF80, s13;
	s13 =	sand.u32 $0xFFFFFF80, s0  }
0x177: {  	v1 =	vand.u32 $0x7F, v1;
	s30 =	sxor.u32 $0x80000000, s12;
	s0 =	sxor.u32 $0x80000000, s11;
	s29 =	sxor.u32 $0x80000000, s13  }
0x178: {  	s11 =	sadd.s32 s22, s17;
	s12 =	simm.s32 $0x8180  }
0x179: {  	[tilespmem:s12], [sflag:$0x3] =	stream.linear.gather [hbm4b:s11+s6], $0x400, $0x38;
	[tilespmem:$0xCA00] =	vst v63  }
0x17a: {  	s13 =	simm.s32 $0x8580;
	s11 =	sadd.s32 s20, s17  }
0x17b: {  	[tilespmem:s13], [sflag:$0x3] =	stream.linear.gather [hbm4b:s11+s6], $0x400, $0x38;
	[tilespmem:$0xCA00] =	vst v63  }
0x17c: {  	s11 =	sadd.s32 s24, s17;
	s13 =	simm.s32 $0x8980  }
0x17d: {  	[tilespmem:s13], [sflag:$0x3] =	stream.linear.gather [hbm4b:s11+s6], $0x400, $0x38;
	[tilespmem:$0xCA00] =	vst v63  }
0x17e: {  	s11 =	sadd.s32 s4, s17;
	s13 =	simm.s32 $0x8D80  }
0x17f: {  	[tilespmem:s13], [sflag:$0x3] =	stream.linear.gather [hbm4b:s11+s6], $0x400, $0x38;
	[tilespmem:$0xCA00] =	vst v63  }
0x180: {  	s11 =	sadd.s32 s31, s17;
	s13 =	simm.s32 $0x9180  }
0x181: {  	[tilespmem:s13], [sflag:$0x3] =	stream.linear.gather [hbm4b:s11+s6], $0x400, $0x38;
	[tilespmem:$0xCA00] =	vst v63  }
0x182: {  	s11 =	sadd.s32 s0, s17;
	s13 =	simm.s32 $0x9580  }
0x183: {  	[tilespmem:s13], [sflag:$0x3] =	stream.linear.gather [hbm4b:s11+s6], $0x400, $0x38;
	[tilespmem:$0xCA00] =	vst v63  }
0x184: {  	s11 =	sadd.s32 s30, s17;
	s13 =	simm.s32 $0x9980  }
0x185: {  	[tilespmem:s13], [sflag:$0x3] =	stream.linear.gather [hbm4b:s11+s6], $0x400, $0x38;
	[tilespmem:$0xCA00] =	vst v63  }
0x186: {  	s11 =	sadd.s32 s29, s17;
	s13 =	simm.s32 $0x9D80  }
0x187: {  	[tilespmem:s13], [sflag:$0x3] =	stream.linear.gather [hbm4b:s11+s6], $0x400, $0x38;
	[tilespmem:$0xCA00] =	vst v63  }
0x188: {  	s11 =	sadd.s32 s22, s18;
	s13 =	simm.s32 $0xA180  }
0x189: {  	[tilespmem:s13], [sflag:$0x3] =	stream.linear.gather [hbm4b:s11+s6], $0x400, $0x38;
	[tilespmem:$0xCA00] =	vst v63  }
0x18a: {  	s11 =	sadd.s32 s20, s18;
	s13 =	simm.s32 $0xA580  }
0x18b: {  	[tilespmem:s13], [sflag:$0x3] =	stream.linear.gather [hbm4b:s11+s6], $0x400, $0x38;
	[tilespmem:$0xCA00] =	vst v63  }
0x18c: {  	s11 =	sadd.s32 s24, s18;
	s13 =	simm.s32 $0xA980  }
0x18d: {  	[tilespmem:s13], [sflag:$0x3] =	stream.linear.gather [hbm4b:s11+s6], $0x400, $0x38;
	[tilespmem:$0xCA00] =	vst v63  }
0x18e: {  	s11 =	sadd.s32 s4, s18;
	s13 =	simm.s32 $0xAD80  }
0x18f: {  	[tilespmem:s13], [sflag:$0x3] =	stream.linear.gather [hbm4b:s11+s6], $0x400, $0x38;
	[tilespmem:$0xCA00] =	vst v63  }
0x190: {  	s11 =	sadd.s32 s31, s18;
	s13 =	simm.s32 $0xB180  }
0x191: {  	[tilespmem:s13], [sflag:$0x3] =	stream.linear.gather [hbm4b:s11+s6], $0x400, $0x38;
	[tilespmem:$0xCA00] =	vst v63  }
0x192: {  	s11 =	sadd.s32 s0, s18;
	s13 =	simm.s32 $0xB580  }
0x193: {  	[tilespmem:s13], [sflag:$0x3] =	stream.linear.gather [hbm4b:s11+s6], $0x400, $0x38;
	[tilespmem:$0xCA00] =	vst v63  }
0x194: {  	s11 =	sadd.s32 s30, s18;
	s13 =	simm.s32 $0xB980  }
0x195: {  	[tilespmem:s13], [sflag:$0x3] =	stream.linear.gather [hbm4b:s11+s6], $0x400, $0x38;
	[tilespmem:$0xCA00] =	vst v63  }
0x196: {  	s11 =	sadd.s32 s29, s18;
	s13 =	simm.s32 $0xBD80  }
0x197: {  	[tilespmem:s13], [sflag:$0x3] =	stream.linear.gather [hbm4b:s11+s6], $0x400, $0x38;
	[tilespmem:$0xCA00] =	vst v63  }
0x198: {  	_ =	swait.ge [sflag:s21], $0x400  }
0x199: {  	[sflag:s21] =	ssyncset.done $0x0  }
0x19a: {  	[sflag:s21] =	ssyncadd.s32 $0xFFFFFC00  }
0x19b: {  	_ =	swait.ge [sflag:s21], $0x400  }
0x19c: {  	[sflag:s21] =	ssyncset.done $0x0  }
0x19d: {  	[sflag:s21] =	ssyncadd.s32 $0xFFFFFC00  }
0x19e: {  	_ =	swait.ge [sflag:s21], $0x400  }
0x19f: {  	[sflag:s21] =	ssyncset.done $0x0  }
0x1a0: {  	[sflag:s21] =	ssyncadd.s32 $0xFFFFFC00  }
0x1a1: {  	_ =	swait.ge [sflag:s21], $0x400  }
0x1a2: {  	[sflag:s21] =	ssyncset.done $0x0  }
0x1a3: {  	[sflag:s21] =	ssyncadd.s32 $0xFFFFFC00  }
0x1a4: {  	_ =	swait.ge [sflag:s21], $0x400  }
0x1a5: {  	[sflag:s21] =	ssyncset.done $0x0  }
0x1a6: {  	[sflag:s21] =	ssyncadd.s32 $0xFFFFFC00  }
0x1a7: {  	_ =	swait.ge [sflag:s21], $0x400  }
0x1a8: {  	[sflag:s21] =	ssyncset.done $0x0  }
0x1a9: {  	[sflag:s21] =	ssyncadd.s32 $0xFFFFFC00  }
0x1aa: {  	_ =	swait.ge [sflag:s21], $0x400  }
0x1ab: {  	[sflag:s21] =	ssyncset.done $0x0  }
0x1ac: {  	[sflag:s21] =	ssyncadd.s32 $0xFFFFFC00  }
0x1ad: {  	_ =	swait.ge [sflag:s21], $0x400  }
0x1ae: {  	[sflag:s21] =	ssyncset.done $0x0  }
0x1af: {  	[sflag:s21] =	ssyncadd.s32 $0xFFFFFC00  }
0x1b0: {  	_ =	swait.ge [sflag:s21], $0x400  }
0x1b1: {  	[sflag:s21] =	ssyncset.done $0x0  }
0x1b2: {  	[sflag:s21] =	ssyncadd.s32 $0xFFFFFC00  }
0x1b3: {  	_ =	swait.ge [sflag:s21], $0x400  }
0x1b4: {  	[sflag:s21] =	ssyncset.done $0x0  }
0x1b5: {  	[sflag:s21] =	ssyncadd.s32 $0xFFFFFC00  }
0x1b6: {  	_ =	swait.ge [sflag:s21], $0x400  }
0x1b7: {  	[sflag:s21] =	ssyncset.done $0x0  }
0x1b8: {  	[sflag:s21] =	ssyncadd.s32 $0xFFFFFC00  }
0x1b9: {  	_ =	swait.ge [sflag:s21], $0x400  }
0x1ba: {  	[sflag:s21] =	ssyncset.done $0x0  }
0x1bb: {  	[sflag:s21] =	ssyncadd.s32 $0xFFFFFC00  }
0x1bc: {  	_ =	swait.ge [sflag:s21], $0x400  }
0x1bd: {  	[sflag:s21] =	ssyncset.done $0x0  }
0x1be: {  	[sflag:s21] =	ssyncadd.s32 $0xFFFFFC00  }
0x1bf: {  	_ =	swait.ge [sflag:s21], $0x400  }
0x1c0: {  	v2 =	vand.u32 $0x7, v0;
	[sflag:s21] =	ssyncset.done $0x0  }
0x1c1: {  	v2 =	vmul.u32 $0x480, v2;
	[sflag:s21] =	ssyncadd.s32 $0xFFFFFC00  }
0x1c2: {  	_ =	swait.ge [sflag:s21], $0x400  }
0x1c3: {  	v3 =	vor.u32 v2, v1;
	[sflag:s21] =	ssyncset.done $0x0  }
0x1c4: {  	[sflag:s21] =	ssyncadd.s32 $0xFFFFFC00  }
0x1c5: {  	_ =	swait.ge [sflag:s21], $0x400  }
0x1c6: {  	[sflag:s21] =	ssyncset.done $0x0  }
0x1c7: {  	[sflag:s21] =	ssyncadd.s32 $0xFFFFFC00  }
0x1c8: {  	v3 =	vld.idx.msk [tilespmem:v3+s12+$0x0], $0xffff;
	_ =	sdelay $0x3  }
0x1c9: {  	v2 =	vor.u32 $0x2000, v2  }
0x1ca: {  	v2 =	vor.u32 v2, v1;
	s13 =	rddreg [dreg:$0xb];
	[tilespmem:$0xC980] =	vst v3  }
0x1cb: {  	[hbm4b:s13+s6] =	stream.linear.scatter [tilespmem:s23], [sflag:$0x4], $0x8, $0x38;
	[tilespmem:$0xCA00] =	vst v63  }
0x1cc: {  	_ =	swait.ge [sflag:s3], $0x8  }
0x1cd: {  	[sflag:s3] =	ssyncset.done $0x0  }
0x1ce: {  	[sflag:s3] =	ssyncadd.s32 $0xFFFFFFF8  }
0x1cf: {  	v2 =	vld.idx.msk [tilespmem:v2+s12+$0x0], $0xffff;
	_ =	sdelay $0x4  }
0x1d0: {  	s13 =	rddreg [dreg:$0xc];
	[tilespmem:$0xC980] =	vst v2  }
0x1d1: {  	[hbm4b:s13+s6] =	stream.linear.scatter [tilespmem:s23], [sflag:$0x4], $0x8, $0x38;
	[tilespmem:$0xCA00] =	vst v63  }
0x1d2: {  	_ =	swait.ge [sflag:s3], $0x8  }
0x1d3: {  	[sflag:s3] =	ssyncset.done $0x0  }
0x1d4: {  	[sflag:s3] =	ssyncadd.s32 $0xFFFFFFF8  }
.LBB2_11:
.Ltmp7:
0x1d5: {  	(pc) =	sbr.rel @p1 .LBB2_14-.Ltmp7, $3  }
0x1d6: {  	_ =	sdelay $0x1  }
0x1d7: {  	s12 =	rddreg [dreg:$0x1]  }
0x1d8: {  	s11 =	rddreg [dreg:$0x4]  }
.Ltmp8:
0x1d9: {  	(pc) =	sbr.rel @!p2 .LBB2_13-.Ltmp8, $4  }
.Ltmp9:
0x1da: {  	(pc) =	sbr.rel @p2 .LBB2_15-.Ltmp9, $4  }
0x1db: {  	_ = 	snop  }
0x1dc: {  	_ = 	snop  }
0x1dd: {  	_ = 	snop  }
0x1de: {  	_ = 	snop  }
.LBB2_16:
0x1df: {  	_ =	sfence.sel $0x180000  }
0x1e0: {  	[bflag:$0x0] =	sbarrier.arrive $0xFFFF  }
0x1e1: {  	_ =	strace $0x90000047  }
0x1e2: {  	s0 =	stileid.u32;
	[bflag:$0x2] =	sbarrier.arrive $0xFFFF  }
0x1e3: {  	p0 =	sne.s32 s0, $0x0;
	s0 =	rddreg [dreg:$0x7]  }
0x1e4: {  	s0 =	sadd.s32 @!p0 $0x100000, s0  }
0x1e5: {  	[sflag:s0] =	ssyncadd.tile.s32 @!p0 $0x1;
	_ =	shalt  }
.Lfunc_end2:
_tile_overlayer_lowered:
.L_overlay_start_2:
0x1e6: {  	(tag) =	ssettag $0x2  }
0x1e7: {  	s0 =	rddreg [dreg:$0x0];
	s2 =	stileid.u32  }
0x1e8: {  	s1 =	rddreg [dreg:$0x1];
	p0 =	sne.s32 s2, $0x0  }
0x1e9: {  	s3 =	rddreg [dreg:$0x2];
	[bflag:$0x3] =	sbarrier.arrive $0xFFFF;
	s2 =	simm.s32 @!p0 $0x1C04  }
0x1ea: {  	[timem:s3], [sflag:s2] =	dma.local @!p0 [hbm:s0], s1  }
0x1eb: {  	s0 =	simm.s32 @!p0 $0x4  }
0x1ec: {  	_ =	swait.ge @!p0 [sflag:s0], s1  }
0x1ed: {  	s1 =	ssub.s32 @!p0 $0x0, s1;
	[sflag:s0] =	ssyncset.done @!p0 $0x0  }
0x1ee: {  	[sflag:s0] =	ssyncadd.s32 @!p0 s1  }
0x1ef: {  	[bflag:$0x3] =	sbarrier.arrive $0xFFFF  }
0x1f0: {  	_ =	shalt  }

</sc_bundles>
